<compile_context>
chip_gen: v7x
topology: tpu7x:2x2x1
jax: 0.10.2.dev20260603
libtpu: 0.0.44.dev20260713+nightly
codegen_flags: <defaults>
</compile_context>

<pallas_src>
import jax
import jax.numpy as jnp
from jax import lax
from jax.experimental import pallas as pl
from jax.experimental.pallas import tpu as pltpu
from jax.experimental.pallas import tpu_sc as plsc

N_NODES = 10000
N_EDGES = 320000
HIDDEN = 128
EDGE_DIM = 16

NC = 2
NS = 16
NW = NC * NS
CHUNK = 80
E_PAD = 327680
PER_TILE = E_PAD // NW
NCHUNK = PER_TILE // CHUNK
HALF = PER_TILE // 2
NSUPER = NCHUNK // 2
SWORDS = CHUNK * HIDDEN
AGG_ROWS = 10240
ROWS_PER_TILE = AGG_ROWS // NS


def _edge_mlp_body(at_ref, w_ref, b_ref, idx_ref, o_ref, src_ref, dst_ref):
    e = lax.dot_general(
        at_ref[...], w_ref[...], (((0,), (0,)), ((), ())),
        preferred_element_type=jnp.float32,
    ) + b_ref[...]
    ra = e[:HALF].astype(jnp.bfloat16).astype(jnp.float32)
    rb = e[HALF:].astype(jnp.bfloat16).astype(jnp.float32)
    ia = lax.shift_right_logical(lax.bitcast_convert_type(ra, jnp.int32), 16)
    ib = lax.bitcast_convert_type(rb, jnp.int32) & jnp.int32(-65536)
    o_ref[...] = (ia | ib).reshape(o_ref.shape)
    be = src_ref.shape[0]
    eid = pl.program_id(0) * be + lax.broadcasted_iota(jnp.int32, (be,), 0)
    valid = eid < N_EDGES
    src_ref[...] = jnp.where(valid, idx_ref[0, :], eid & 8191)
    dst_ref[...] = jnp.where(valid, idx_ref[1, :], N_NODES + (eid & 127))


def _edge_mlp(edge_attr, W_e, b_e, edge_index):
    be = PER_TILE
    grid = E_PAD // be
    return pl.pallas_call(
        _edge_mlp_body,
        grid=(grid,),
        in_specs=[
            pl.BlockSpec((EDGE_DIM, be), lambda i: (0, i)),
            pl.BlockSpec((EDGE_DIM, HIDDEN), lambda i: (0, 0)),
            pl.BlockSpec((1, HIDDEN), lambda i: (0, 0)),
            pl.BlockSpec((2, be), lambda i: (0, i)),
        ],
        out_specs=[
            pl.BlockSpec((be * HIDDEN // 2,), lambda i: (i,)),
            pl.BlockSpec((be,), lambda i: (i,)),
            pl.BlockSpec((be,), lambda i: (i,)),
        ],
        out_shape=[
            jax.ShapeDtypeStruct((E_PAD * HIDDEN // 2,), jnp.int32),
            jax.ShapeDtypeStruct((E_PAD,), jnp.int32),
            jax.ShapeDtypeStruct((E_PAD,), jnp.int32),
        ],
    )(edge_attr.T, W_e, b_e.reshape(1, HIDDEN), edge_index)


def _linearize_body(x_ref, o_ref):
    o_ref[...] = x_ref[...].reshape(o_ref.shape)


def _linearize(x):
    bn = 1000
    grid = N_NODES // bn
    return pl.pallas_call(
        _linearize_body,
        grid=(grid,),
        in_specs=[pl.BlockSpec((bn, HIDDEN), lambda i: (i, 0))],
        out_specs=pl.BlockSpec((bn * HIDDEN,), lambda i: (i,)),
        out_shape=jax.ShapeDtypeStruct((N_NODES * HIDDEN,), jnp.float32),
    )(x)


def _sc_body(x_hbm, src_hbm, dst_hbm, e_hbm, out_hbm,
             srcb0, srcb1, dstb0, dstb1, ebuf0, ebuf1, xbuf0, xbuf1,
             agg, esem0, esem1, isem0, isem1, ssem0, ssem1):
    cid = lax.axis_index("c")
    sid = lax.axis_index("s")
    wid = cid * NS + sid
    base = wid * PER_TILE

    zero16 = jnp.zeros((16,), jnp.float32)

    def zfill(i, _):
        for k in range(HIDDEN // 16):
            xbuf0[i, pl.ds(k * 16, 16)] = zero16
        return 0

    lax.fori_loop(0, CHUNK, zfill, 0)
    for t in range(ROWS_PER_TILE // CHUNK):
        pltpu.sync_copy(
            xbuf0, agg.at[pl.ds(sid * ROWS_PER_TILE + t * CHUNK, CHUNK)]
        )
    plsc.subcore_barrier()

    bufs = (
        (ebuf0, xbuf0, srcb0, dstb0, esem0, isem0, ssem0),
        (ebuf1, xbuf1, srcb1, dstb1, esem1, isem1, ssem1),
    )
    ewords = wid * (HALF * HIDDEN)

    def voff(v):
        return base + (v % 2) * HALF + (v // 2) * CHUNK

    def issue_idx(v, b):
        sb, db, isem = bufs[b][2], bufs[b][3], bufs[b][5]
        off = voff(v)
        pltpu.async_copy(src_hbm.at[pl.ds(off, CHUNK)], sb, isem)
        pltpu.async_copy(dst_hbm.at[pl.ds(off, CHUNK)], db, isem)

    def wait_idx(b):
        sb, db, isem = bufs[b][2], bufs[b][3], bufs[b][5]
        pltpu.make_async_copy(src_hbm.at[pl.ds(0, CHUNK)], sb, isem).wait()
        pltpu.make_async_copy(src_hbm.at[pl.ds(0, CHUNK)], db, isem).wait()

    def issue_e(s, sb):
        eb, esem = bufs[sb][0], bufs[sb][4]
        pltpu.async_copy(
            e_hbm.at[pl.ds(ewords + s * SWORDS, SWORDS)], eb, esem)

    def wait_e(sb):
        eb, esem = bufs[sb][0], bufs[sb][4]
        pltpu.make_async_copy(e_hbm.at[pl.ds(0, SWORDS)], eb, esem).wait()

    def issue_x(v, b):
        xb, sb = bufs[b][1], bufs[b][2]
        pltpu.async_copy(x_hbm.at[sb], xb, bufs[b][5])

    def wait_x(b):
        xb = bufs[b][1]
        pltpu.make_async_copy(x_hbm.at[pl.ds(0, CHUNK)], xb,
                              bufs[b][5]).wait()

    def wait_scatter(b):
        xb, db, ssem = bufs[b][1], bufs[b][3], bufs[b][6]
        pltpu.make_async_copy(xb, agg.at[db], ssem).wait()

    def compute(h, sb, b):
        eb, xb, db, ssem = (bufs[sb][0], bufs[b][1], bufs[b][3],
                            bufs[b][6])

        def erow(i, _):
            for g in range(HIDDEN // 16):
                vi = eb[pl.ds(i * HIDDEN + g * 16, 16)]
                if h == 0:
                    ef = lax.bitcast_convert_type(vi << 16, jnp.float32)
                else:
                    ef = lax.bitcast_convert_type(
                        vi & jnp.int32(-65536), jnp.float32)
                sl = pl.ds(g * 16, 16)
                xb[i, sl] = jnp.maximum(ef + xb[i, sl], 0.0)
            return 0

        lax.fori_loop(0, CHUNK, erow, 0)
        pltpu.async_copy(xb, agg.at[db], ssem, add=True)

    issue_idx(0, 0)
    issue_idx(1, 1)
    issue_e(0, 0)
    wait_idx(0)
    issue_x(0, 0)

    def step(v, h, sb):
        b = h

        @pl.when(jnp.logical_and(v + 1 < NCHUNK, v >= 1))
        def _():
            wait_scatter(1 - b)

        @pl.when(v + 1 < NCHUNK)
        def _():
            wait_idx(1 - b)
            issue_x(v + 1, 1 - b)

        if h == 0:
            wait_e(sb)

            @pl.when(v + 2 < NCHUNK)
            def _():
                issue_e(v // 2 + 1, 1 - sb)

        wait_x(b)
        compute(h, sb, b)

        @pl.when(v + 2 < NCHUNK)
        def _():
            issue_idx(v + 2, b)

    def quad_body(j, _):
        for q in range(4):
            step(j * 4 + q, q % 2, q // 2)
        return 0

    lax.fori_loop(0, NCHUNK // 4, quad_body, 0)
    wait_scatter(0)
    wait_scatter(1)
    plsc.subcore_barrier()

    rb = pl.ds(sid * ROWS_PER_TILE, ROWS_PER_TILE)
    pltpu.sync_copy(agg.at[rb], out_hbm.at[cid].at[rb])


def _sc_aggregate(x, src3, dst3, e):
    mesh = plsc.VectorSubcoreMesh(core_axis_name="c", subcore_axis_name="s")
    k = pl.kernel(
        _sc_body,
        out_type=jax.ShapeDtypeStruct((NC, AGG_ROWS, HIDDEN), jnp.float32),
        mesh=mesh,
        scratch_types=[
            pltpu.VMEM((CHUNK,), jnp.int32),
            pltpu.VMEM((CHUNK,), jnp.int32),
            pltpu.VMEM((CHUNK,), jnp.int32),
            pltpu.VMEM((CHUNK,), jnp.int32),
            pltpu.VMEM((SWORDS,), jnp.int32),
            pltpu.VMEM((SWORDS,), jnp.int32),
            pltpu.VMEM((CHUNK, HIDDEN), jnp.float32),
            pltpu.VMEM((CHUNK, HIDDEN), jnp.float32),
            pltpu.VMEM_SHARED((AGG_ROWS, HIDDEN), jnp.float32),
            pltpu.SemaphoreType.DMA,
            pltpu.SemaphoreType.DMA,
            pltpu.SemaphoreType.DMA,
            pltpu.SemaphoreType.DMA,
            pltpu.SemaphoreType.DMA,
            pltpu.SemaphoreType.DMA,
        ],
    )
    return k(x, src3, dst3, e)


def _node_mlp_body(x_ref, a_ref, w1_ref, b1_ref, w2_ref, b2_ref,
                   g_ref, bt_ref, o_ref):
    x = x_ref[...]
    h = x + a_ref[0] + a_ref[1]
    h = jnp.maximum(
        jnp.dot(h, w1_ref[...], preferred_element_type=jnp.float32)
        + b1_ref[...], 0.0)
    h = (jnp.dot(h, w2_ref[...], preferred_element_type=jnp.float32)
         + b2_ref[...])
    mean = jnp.mean(h, axis=0, keepdims=True)
    var = jnp.mean((h - mean) ** 2, axis=0, keepdims=True)
    h = (h - mean) * lax.rsqrt(var + 1e-5) * g_ref[...] + bt_ref[...]
    o_ref[...] = jnp.maximum(h, 0.0) + x


def _node_mlp(x, aggs, W1, b1, W2, b2, gamma, beta):
    return pl.pallas_call(
        _node_mlp_body,
        grid=(1,),
        in_specs=[
            pl.BlockSpec((N_NODES, HIDDEN), lambda i: (0, 0)),
            pl.BlockSpec((NC, N_NODES, HIDDEN), lambda i: (0, 0, 0)),
            pl.BlockSpec((HIDDEN, HIDDEN), lambda i: (0, 0)),
            pl.BlockSpec((1, HIDDEN), lambda i: (0, 0)),
            pl.BlockSpec((HIDDEN, HIDDEN), lambda i: (0, 0)),
            pl.BlockSpec((1, HIDDEN), lambda i: (0, 0)),
            pl.BlockSpec((1, HIDDEN), lambda i: (0, 0)),
            pl.BlockSpec((1, HIDDEN), lambda i: (0, 0)),
        ],
        out_specs=pl.BlockSpec((N_NODES, HIDDEN), lambda i: (0, 0)),
        out_shape=jax.ShapeDtypeStruct((N_NODES, HIDDEN), jnp.float32),
    )(x, aggs, W1, b1.reshape(1, HIDDEN), W2, b2.reshape(1, HIDDEN),
      gamma.reshape(1, HIDDEN), beta.reshape(1, HIDDEN))


def kernel(x, edge_index, edge_attr, W_e, b_e, W1, b1, W2, b2, gamma, beta):
    e, src, dst = _edge_mlp(edge_attr, W_e, b_e,
                            edge_index.astype(jnp.int32))
    x_lin = _linearize(x).reshape(N_NODES, HIDDEN)
    aggs = _sc_aggregate(x_lin, src, dst, e)
    return _node_mlp(x, aggs, W1, b1, W2, b2, gamma, beta)

# --- scband reference (transcript-rebuilt; emitter-appended) ---
"""Pipeline reference for scband-gineblock-60601988547138 (READ-ONLY COPY).

The authoritative reference and input builder live on the scoring server;
editing this copy changes nothing except your own understanding.
"""

import jax, jax.numpy as jnp
import numpy as np

N_NODES = 10000
N_EDGES = 320000
HIDDEN = 128
EDGE_DIM = 16


def setup_inputs(seed: int = 0) -> dict:
    key = jax.random.key(seed)
    ks = [jax.random.fold_in(key, i) for i in range(12)]
    x = jax.random.normal(ks[0], (N_NODES, HIDDEN), dtype=jnp.float32)
    edge_index = jax.random.randint(ks[1], (2, N_EDGES), 0, N_NODES, dtype=jnp.int64)
    edge_attr = jax.random.normal(ks[2], (N_EDGES, EDGE_DIM), dtype=jnp.float32)
    s = 1.0 / np.sqrt(HIDDEN)
    se = 1.0 / np.sqrt(EDGE_DIM)
    W_e = jax.random.uniform(ks[3], (EDGE_DIM, HIDDEN), minval=-se, maxval=se, dtype=jnp.float32)
    b_e = jax.random.uniform(ks[4], (HIDDEN,), minval=-se, maxval=se, dtype=jnp.float32)
    W1 = jax.random.uniform(ks[5], (HIDDEN, HIDDEN), minval=-s, maxval=s, dtype=jnp.float32)
    b1 = jax.random.uniform(ks[6], (HIDDEN,), minval=-s, maxval=s, dtype=jnp.float32)
    W2 = jax.random.uniform(ks[7], (HIDDEN, HIDDEN), minval=-s, maxval=s, dtype=jnp.float32)
    b2 = jax.random.uniform(ks[8], (HIDDEN,), minval=-s, maxval=s, dtype=jnp.float32)
    gamma = jnp.ones((HIDDEN,), dtype=jnp.float32)
    beta = jnp.zeros((HIDDEN,), dtype=jnp.float32)
    return {"x": x, "edge_index": edge_index, "edge_attr": edge_attr,
            "W_e": W_e, "b_e": b_e, "W1": W1, "b1": b1, "W2": W2, "b2": b2,
            "gamma": gamma, "beta": beta}


def reference(x, edge_index, edge_attr, W_e, b_e, W1, b1, W2, b2, gamma, beta):
    residual = x
    src = edge_index[0]
    dst = edge_index[1]
    # GINEConv: project edge features to hidden dim, message = relu(x_src + e)
    e = edge_attr @ W_e + b_e
    m = jax.nn.relu(x[src] + e)
    # sum-aggregate messages at destination nodes (scatter-add)
    agg = jnp.zeros((x.shape[0], x.shape[1]), dtype=x.dtype).at[dst].add(m)
    eps = 0.0
    h = (1.0 + eps) * x + agg
    # MLP: Linear -> ReLU -> Linear
    h = jax.nn.relu(h @ W1 + b1) @ W2 + b2
    # BatchNorm1d over node dimension (training-mode batch statistics)
    mean = jnp.mean(h, axis=0)
    var = jnp.var(h, axis=0)
    h = (h - mean) / jnp.sqrt(var + 1e-5) * gamma + beta
    h = jax.nn.relu(h)
    # dropout is identity in eval mode (deterministic reference)
    return h + residual

if __name__ == "__main__":
    import jax
    _d = setup_inputs()
    print(jax.jit(kernel)(*tuple(_d.values())))

</pallas_src>

<mosaic_0001>
#map = affine_map<(d0, d1) -> (0, 0)>
#map1 = affine_map<(d0, d1) -> (0)>
#map2 = affine_map<(d0, d1) -> (0, 0, 0)>
module attributes {stable_mosaic.version = 14 : i64} {
  func.func @_sc_body(%arg0: i32, %arg1: i32, %arg2: memref<10000x128xf32, #tpu.memory_space<hbm>>, %arg3: memref<327680xi32, #tpu.memory_space<hbm>>, %arg4: memref<327680xi32, #tpu.memory_space<hbm>>, %arg5: memref<20971520xi32, #tpu.memory_space<hbm>>, %arg6: memref<2x10240x128xf32, #tpu.memory_space<hbm>>, %arg7: memref<80xi32, #tpu.memory_space<vmem>>, %arg8: memref<80xi32, #tpu.memory_space<vmem>>, %arg9: memref<80xi32, #tpu.memory_space<vmem>>, %arg10: memref<80xi32, #tpu.memory_space<vmem>>, %arg11: memref<10240xi32, #tpu.memory_space<vmem>>, %arg12: memref<10240xi32, #tpu.memory_space<vmem>>, %arg13: memref<80x128xf32, #tpu.memory_space<vmem>>, %arg14: memref<80x128xf32, #tpu.memory_space<vmem>>, %arg15: memref<10240x128xf32, #tpu.memory_space<vmem_shared>>, %arg16: memref<!tpu.dma_semaphore, #tpu.memory_space<semaphore_mem>>, %arg17: memref<!tpu.dma_semaphore, #tpu.memory_space<semaphore_mem>>, %arg18: memref<!tpu.dma_semaphore, #tpu.memory_space<semaphore_mem>>, %arg19: memref<!tpu.dma_semaphore, #tpu.memory_space<semaphore_mem>>, %arg20: memref<!tpu.dma_semaphore, #tpu.memory_space<semaphore_mem>>, %arg21: memref<!tpu.dma_semaphore, #tpu.memory_space<semaphore_mem>>) attributes {dimension_semantics = [#tpu.dimension_semantics<core_parallel>, #tpu.dimension_semantics<subcore_parallel>], iteration_bounds = array<i64: 2, 16>, scalar_prefetch = 0 : i64, scratch_operands = 15 : i64, tpu.core_type = #tpu.core_type<sc_vector_subcore>, window_params = [{transform_indices = #map}, {transform_indices = #map1}, {transform_indices = #map1}, {transform_indices = #map1}, {transform_indices = #map2}]} {
    %mul3A = arith.constant 16 : i32
    %mul3A_0 = arith.muli %arg0, %mul3A : i32
    %add3A = arith.addi %mul3A_0, %arg1 : i32
    %mul3A_1 = arith.constant 10240 : i32
    %mul3A_2 = arith.muli %add3A, %mul3A_1 : i32
    %broadcast_in_dim3A = arith.constant 0.000000e+00 : f32
    %broadcast_in_dim3A_3 = vector.broadcast %broadcast_in_dim3A : f32 to vector<16xf32>
    %scan3A = arith.constant 0 : i32
    %scan3A_4 = arith.constant 0 : i32
    %scan3A_5 = arith.constant 80 : i32
    %scan3A_6 = arith.addi %scan3A_4, %scan3A_5 : i32
    %scan3A_7 = arith.constant 1 : i32
    %scan3A_8 = scf.for %scan3A_89 = %scan3A_4 to %scan3A_6 step %scan3A_7 iter_args(%scan3A_90 = %scan3A) -> (i32)  : i32 {
      %swap3A = arith.index_cast %scan3A_89 : i32 to index
      %swap3A_91 = arith.constant 0 : index
      %swap3A_92 = tpu.vector_load %arg13[%swap3A, %swap3A_91] {strides = array<i32>} : memref<80x128xf32, #tpu.memory_space<vmem>>, vector<1x16xf32>,
      %swap3A_93 = vector.shape_cast %swap3A_92 : vector<1x16xf32> to vector<16xf32>
      %swap3A_94 = vector.shape_cast %broadcast_in_dim3A_3 : vector<16xf32> to vector<1x16xf32>
      tpu.vector_store %arg13[%swap3A, %swap3A_91], %swap3A_94 {strides = array<i32>} : memref<80x128xf32, #tpu.memory_space<vmem>>, vector<1x16xf32>,
      %swap3A_95 = arith.index_cast %scan3A_89 : i32 to index
      %swap3A_96 = arith.constant 16 : index
      %swap3A_97 = tpu.vector_load %arg13[%swap3A_95, %swap3A_96] {strides = array<i32>} : memref<80x128xf32, #tpu.memory_space<vmem>>, vector<1x16xf32>,
      %swap3A_98 = vector.shape_cast %swap3A_97 : vector<1x16xf32> to vector<16xf32>
      %swap3A_99 = vector.shape_cast %broadcast_in_dim3A_3 : vector<16xf32> to vector<1x16xf32>
      tpu.vector_store %arg13[%swap3A_95, %swap3A_96], %swap3A_99 {strides = array<i32>} : memref<80x128xf32, #tpu.memory_space<vmem>>, vector<1x16xf32>,
      %swap3A_100 = arith.index_cast %scan3A_89 : i32 to index
      %swap3A_101 = arith.constant 32 : index
      %swap3A_102 = tpu.vector_load %arg13[%swap3A_100, %swap3A_101] {strides = array<i32>} : memref<80x128xf32, #tpu.memory_space<vmem>>, vector<1x16xf32>,
      %swap3A_103 = vector.shape_cast %swap3A_102 : vector<1x16xf32> to vector<16xf32>
      %swap3A_104 = vector.shape_cast %broadcast_in_dim3A_3 : vector<16xf32> to vector<1x16xf32>
      tpu.vector_store %arg13[%swap3A_100, %swap3A_101], %swap3A_104 {strides = array<i32>} : memref<80x128xf32, #tpu.memory_space<vmem>>, vector<1x16xf32>,
      %swap3A_105 = arith.index_cast %scan3A_89 : i32 to index
      %swap3A_106 = arith.constant 48 : index
      %swap3A_107 = tpu.vector_load %arg13[%swap3A_105, %swap3A_106] {strides = array<i32>} : memref<80x128xf32, #tpu.memory_space<vmem>>, vector<1x16xf32>,
      %swap3A_108 = vector.shape_cast %swap3A_107 : vector<1x16xf32> to vector<16xf32>
      %swap3A_109 = vector.shape_cast %broadcast_in_dim3A_3 : vector<16xf32> to vector<1x16xf32>
      tpu.vector_store %arg13[%swap3A_105, %swap3A_106], %swap3A_109 {strides = array<i32>} : memref<80x128xf32, #tpu.memory_space<vmem>>, vector<1x16xf32>,
      %swap3A_110 = arith.index_cast %scan3A_89 : i32 to index
      %swap3A_111 = arith.constant 64 : index
      %swap3A_112 = tpu.vector_load %arg13[%swap3A_110, %swap3A_111] {strides = array<i32>} : memref<80x128xf32, #tpu.memory_space<vmem>>, vector<1x16xf32>,
      %swap3A_113 = vector.shape_cast %swap3A_112 : vector<1x16xf32> to vector<16xf32>
      %swap3A_114 = vector.shape_cast %broadcast_in_dim3A_3 : vector<16xf32> to vector<1x16xf32>
      tpu.vector_store %arg13[%swap3A_110, %swap3A_111], %swap3A_114 {strides = array<i32>} : memref<80x128xf32, #tpu.memory_space<vmem>>, vector<1x16xf32>,
      %swap3A_115 = arith.index_cast %scan3A_89 : i32 to index
      %swap3A_116 = arith.constant 80 : index
      %swap3A_117 = tpu.vector_load %arg13[%swap3A_115, %swap3A_116] {strides = array<i32>} : memref<80x128xf32, #tpu.memory_space<vmem>>, vector<1x16xf32>,
      %swap3A_118 = vector.shape_cast %swap3A_117 : vector<1x16xf32> to vector<16xf32>
      %swap3A_119 = vector.shape_cast %broadcast_in_dim3A_3 : vector<16xf32> to vector<1x16xf32>
      tpu.vector_store %arg13[%swap3A_115, %swap3A_116], %swap3A_119 {strides = array<i32>} : memref<80x128xf32, #tpu.memory_space<vmem>>, vector<1x16xf32>,
      %swap3A_120 = arith.index_cast %scan3A_89 : i32 to index
      %swap3A_121 = arith.constant 96 : index
      %swap3A_122 = tpu.vector_load %arg13[%swap3A_120, %swap3A_121] {strides = array<i32>} : memref<80x128xf32, #tpu.memory_space<vmem>>, vector<1x16xf32>,
      %swap3A_123 = vector.shape_cast %swap3A_122 : vector<1x16xf32> to vector<16xf32>
      %swap3A_124 = vector.shape_cast %broadcast_in_dim3A_3 : vector<16xf32> to vector<1x16xf32>
      tpu.vector_store %arg13[%swap3A_120, %swap3A_121], %swap3A_124 {strides = array<i32>} : memref<80x128xf32, #tpu.memory_space<vmem>>, vector<1x16xf32>,
      %swap3A_125 = arith.index_cast %scan3A_89 : i32 to index
      %swap3A_126 = arith.constant 112 : index
      %swap3A_127 = tpu.vector_load %arg13[%swap3A_125, %swap3A_126] {strides = array<i32>} : memref<80x128xf32, #tpu.memory_space<vmem>>, vector<1x16xf32>,
      %swap3A_128 = vector.shape_cast %swap3A_127 : vector<1x16xf32> to vector<16xf32>
      %swap3A_129 = vector.shape_cast %broadcast_in_dim3A_3 : vector<16xf32> to vector<1x16xf32>
      tpu.vector_store %arg13[%swap3A_125, %swap3A_126], %swap3A_129 {strides = array<i32>} : memref<80x128xf32, #tpu.memory_space<vmem>>, vector<1x16xf32>,
      %scan3A_130 = arith.constant 0 : i32
      scf.yield %scan3A_130 : i32
    }
    %scan3A_9 = arith.constant 80 : i32
    %mul3A_10 = arith.constant 640 : i32
    %mul3A_11 = arith.muli %arg1, %mul3A_10 : i32
    %add3A_12 = arith.constant 0 : i32
    %add3A_13 = arith.addi %mul3A_11, %add3A_12 : i32
    "tpu.region"() ({
      %run_scoped3A = tpu.sem_alloc : memref<!tpu.dma_semaphore, #tpu.memory_space<semaphore_mem>>
      %dma_start3A_89 = arith.constant 0 : i32
      %dma_start3A_90 = tpu.memref_slice %arg15[%add3A_13, %dma_start3A_89] : memref<10240x128xf32, #tpu.memory_space<vmem_shared>> -> memref<80x128xf32, #tpu.memory_space<vmem_shared>>
      %dma_start3A_91 = arith.constant 0 : i32
      %dma_start3A_92 = tpu.memref_slice %arg15[%add3A_13, %dma_start3A_91] : memref<10240x128xf32, #tpu.memory_space<vmem_shared>> -> memref<80x128xf32, #tpu.memory_space<vmem_shared>>
      tpu.enqueue_dma source(%arg13 : memref<80x128xf32, #tpu.memory_space<vmem>>) target(%dma_start3A_92 : memref<80x128xf32, #tpu.memory_space<vmem_shared>>) target_semaphore(%run_scoped3A : memref<!tpu.dma_semaphore, #tpu.memory_space<semaphore_mem>>)
      %dma_wait3A_93 = arith.constant 0 : i32
      %dma_wait3A_94 = tpu.memref_slice %arg15[%add3A_13, %dma_wait3A_93] : memref<10240x128xf32, #tpu.memory_space<vmem_shared>> -> memref<80x128xf32, #tpu.memory_space<vmem_shared>>
      %dma_wait3A_95 = arith.constant 0 : i32
      %dma_wait3A_96 = tpu.memref_slice %arg15[%add3A_13, %dma_wait3A_95] : memref<10240x128xf32, #tpu.memory_space<vmem_shared>> -> memref<80x128xf32, #tpu.memory_space<vmem_shared>>
      tpu.wait_dma2 semaphore(%run_scoped3A : memref<!tpu.dma_semaphore, #tpu.memory_space<semaphore_mem>>) src(%arg13 : memref<80x128xf32, #tpu.memory_space<vmem>>) dst(%dma_wait3A_96 : memref<80x128xf32, #tpu.memory_space<vmem_shared>>)
      tpu.yield
    }) : () -> ()
    %mul3A_14 = arith.constant 640 : i32
    %mul3A_15 = arith.muli %arg1, %mul3A_14 : i32
    %add3A_16 = arith.constant 80 : i32
    %add3A_17 = arith.addi %mul3A_15, %add3A_16 : i32
    "tpu.region"() ({
      %run_scoped3A = tpu.sem_alloc : memref<!tpu.dma_semaphore, #tpu.memory_space<semaphore_mem>>
      %dma_start3A_89 = arith.constant 0 : i32
      %dma_start3A_90 = tpu.memref_slice %arg15[%add3A_17, %dma_start3A_89] : memref<10240x128xf32, #tpu.memory_space<vmem_shared>> -> memref<80x128xf32, #tpu.memory_space<vmem_shared>>
      %dma_start3A_91 = arith.constant 0 : i32
      %dma_start3A_92 = tpu.memref_slice %arg15[%add3A_17, %dma_start3A_91] : memref<10240x128xf32, #tpu.memory_space<vmem_shared>> -> memref<80x128xf32, #tpu.memory_space<vmem_shared>>
      tpu.enqueue_dma source(%arg13 : memref<80x128xf32, #tpu.memory_space<vmem>>) target(%dma_start3A_92 : memref<80x128xf32, #tpu.memory_space<vmem_shared>>) target_semaphore(%run_scoped3A : memref<!tpu.dma_semaphore, #tpu.memory_space<semaphore_mem>>)
      %dma_wait3A_93 = arith.constant 0 : i32
      %dma_wait3A_94 = tpu.memref_slice %arg15[%add3A_17, %dma_wait3A_93] : memref<10240x128xf32, #tpu.memory_space<vmem_shared>> -> memref<80x128xf32, #tpu.memory_space<vmem_shared>>
      %dma_wait3A_95 = arith.constant 0 : i32
      %dma_wait3A_96 = tpu.memref_slice %arg15[%add3A_17, %dma_wait3A_95] : memref<10240x128xf32, #tpu.memory_space<vmem_shared>> -> memref<80x128xf32, #tpu.memory_space<vmem_shared>>
      tpu.wait_dma2 semaphore(%run_scoped3A : memref<!tpu.dma_semaphore, #tpu.memory_space<semaphore_mem>>) src(%arg13 : memref<80x128xf32, #tpu.memory_space<vmem>>) dst(%dma_wait3A_96 : memref<80x128xf32, #tpu.memory_space<vmem_shared>>)
      tpu.yield
    }) : () -> ()
    %mul3A_18 = arith.constant 640 : i32
    %mul3A_19 = arith.muli %arg1, %mul3A_18 : i32
    %add3A_20 = arith.constant 160 : i32
    %add3A_21 = arith.addi %mul3A_19, %add3A_20 : i32
    "tpu.region"() ({
      %run_scoped3A = tpu.sem_alloc : memref<!tpu.dma_semaphore, #tpu.memory_space<semaphore_mem>>
      %dma_start3A_89 = arith.constant 0 : i32
      %dma_start3A_90 = tpu.memref_slice %arg15[%add3A_21, %dma_start3A_89] : memref<10240x128xf32, #tpu.memory_space<vmem_shared>> -> memref<80x128xf32, #tpu.memory_space<vmem_shared>>
      %dma_start3A_91 = arith.constant 0 : i32
      %dma_start3A_92 = tpu.memref_slice %arg15[%add3A_21, %dma_start3A_91] : memref<10240x128xf32, #tpu.memory_space<vmem_shared>> -> memref<80x128xf32, #tpu.memory_space<vmem_shared>>
      tpu.enqueue_dma source(%arg13 : memref<80x128xf32, #tpu.memory_space<vmem>>) target(%dma_start3A_92 : memref<80x128xf32, #tpu.memory_space<vmem_shared>>) target_semaphore(%run_scoped3A : memref<!tpu.dma_semaphore, #tpu.memory_space<semaphore_mem>>)
      %dma_wait3A_93 = arith.constant 0 : i32
      %dma_wait3A_94 = tpu.memref_slice %arg15[%add3A_21, %dma_wait3A_93] : memref<10240x128xf32, #tpu.memory_space<vmem_shared>> -> memref<80x128xf32, #tpu.memory_space<vmem_shared>>
      %dma_wait3A_95 = arith.constant 0 : i32
      %dma_wait3A_96 = tpu.memref_slice %arg15[%add3A_21, %dma_wait3A_95] : memref<10240x128xf32, #tpu.memory_space<vmem_shared>> -> memref<80x128xf32, #tpu.memory_space<vmem_shared>>
      tpu.wait_dma2 semaphore(%run_scoped3A : memref<!tpu.dma_semaphore, #tpu.memory_space<semaphore_mem>>) src(%arg13 : memref<80x128xf32, #tpu.memory_space<vmem>>) dst(%dma_wait3A_96 : memref<80x128xf32, #tpu.memory_space<vmem_shared>>)
      tpu.yield
    }) : () -> ()
    %mul3A_22 = arith.constant 640 : i32
    %mul3A_23 = arith.muli %arg1, %mul3A_22 : i32
    %add3A_24 = arith.constant 240 : i32
    %add3A_25 = arith.addi %mul3A_23, %add3A_24 : i32
    "tpu.region"() ({
      %run_scoped3A = tpu.sem_alloc : memref<!tpu.dma_semaphore, #tpu.memory_space<semaphore_mem>>
      %dma_start3A_89 = arith.constant 0 : i32
      %dma_start3A_90 = tpu.memref_slice %arg15[%add3A_25, %dma_start3A_89] : memref<10240x128xf32, #tpu.memory_space<vmem_shared>> -> memref<80x128xf32, #tpu.memory_space<vmem_shared>>
      %dma_start3A_91 = arith.constant 0 : i32
      %dma_start3A_92 = tpu.memref_slice %arg15[%add3A_25, %dma_start3A_91] : memref<10240x128xf32, #tpu.memory_space<vmem_shared>> -> memref<80x128xf32, #tpu.memory_space<vmem_shared>>
      tpu.enqueue_dma source(%arg13 : memref<80x128xf32, #tpu.memory_space<vmem>>) target(%dma_start3A_92 : memref<80x128xf32, #tpu.memory_space<vmem_shared>>) target_semaphore(%run_scoped3A : memref<!tpu.dma_semaphore, #tpu.memory_space<semaphore_mem>>)
      %dma_wait3A_93 = arith.constant 0 : i32
      %dma_wait3A_94 = tpu.memref_slice %arg15[%add3A_25, %dma_wait3A_93] : memref<10240x128xf32, #tpu.memory_space<vmem_shared>> -> memref<80x128xf32, #tpu.memory_space<vmem_shared>>
      %dma_wait3A_95 = arith.constant 0 : i32
      %dma_wait3A_96 = tpu.memref_slice %arg15[%add3A_25, %dma_wait3A_95] : memref<10240x128xf32, #tpu.memory_space<vmem_shared>> -> memref<80x128xf32, #tpu.memory_space<vmem_shared>>
      tpu.wait_dma2 semaphore(%run_scoped3A : memref<!tpu.dma_semaphore, #tpu.memory_space<semaphore_mem>>) src(%arg13 : memref<80x128xf32, #tpu.memory_space<vmem>>) dst(%dma_wait3A_96 : memref<80x128xf32, #tpu.memory_space<vmem_shared>>)
      tpu.yield
    }) : () -> ()
    %mul3A_26 = arith.constant 640 : i32
    %mul3A_27 = arith.muli %arg1, %mul3A_26 : i32
    %add3A_28 = arith.constant 320 : i32
    %add3A_29 = arith.addi %mul3A_27, %add3A_28 : i32
    "tpu.region"() ({
      %run_scoped3A = tpu.sem_alloc : memref<!tpu.dma_semaphore, #tpu.memory_space<semaphore_mem>>
      %dma_start3A_89 = arith.constant 0 : i32
      %dma_start3A_90 = tpu.memref_slice %arg15[%add3A_29, %dma_start3A_89] : memref<10240x128xf32, #tpu.memory_space<vmem_shared>> -> memref<80x128xf32, #tpu.memory_space<vmem_shared>>
      %dma_start3A_91 = arith.constant 0 : i32
      %dma_start3A_92 = tpu.memref_slice %arg15[%add3A_29, %dma_start3A_91] : memref<10240x128xf32, #tpu.memory_space<vmem_shared>> -> memref<80x128xf32, #tpu.memory_space<vmem_shared>>
      tpu.enqueue_dma source(%arg13 : memref<80x128xf32, #tpu.memory_space<vmem>>) target(%dma_start3A_92 : memref<80x128xf32, #tpu.memory_space<vmem_shared>>) target_semaphore(%run_scoped3A : memref<!tpu.dma_semaphore, #tpu.memory_space<semaphore_mem>>)
      %dma_wait3A_93 = arith.constant 0 : i32
      %dma_wait3A_94 = tpu.memref_slice %arg15[%add3A_29, %dma_wait3A_93] : memref<10240x128xf32, #tpu.memory_space<vmem_shared>> -> memref<80x128xf32, #tpu.memory_space<vmem_shared>>
      %dma_wait3A_95 = arith.constant 0 : i32
      %dma_wait3A_96 = tpu.memref_slice %arg15[%add3A_29, %dma_wait3A_95] : memref<10240x128xf32, #tpu.memory_space<vmem_shared>> -> memref<80x128xf32, #tpu.memory_space<vmem_shared>>
      tpu.wait_dma2 semaphore(%run_scoped3A : memref<!tpu.dma_semaphore, #tpu.memory_space<semaphore_mem>>) src(%arg13 : memref<80x128xf32, #tpu.memory_space<vmem>>) dst(%dma_wait3A_96 : memref<80x128xf32, #tpu.memory_space<vmem_shared>>)
      tpu.yield
    }) : () -> ()
    %mul3A_30 = arith.constant 640 : i32
    %mul3A_31 = arith.muli %arg1, %mul3A_30 : i32
    %add3A_32 = arith.constant 400 : i32
    %add3A_33 = arith.addi %mul3A_31, %add3A_32 : i32
    "tpu.region"() ({
      %run_scoped3A = tpu.sem_alloc : memref<!tpu.dma_semaphore, #tpu.memory_space<semaphore_mem>>
      %dma_start3A_89 = arith.constant 0 : i32
      %dma_start3A_90 = tpu.memref_slice %arg15[%add3A_33, %dma_start3A_89] : memref<10240x128xf32, #tpu.memory_space<vmem_shared>> -> memref<80x128xf32, #tpu.memory_space<vmem_shared>>
      %dma_start3A_91 = arith.constant 0 : i32
      %dma_start3A_92 = tpu.memref_slice %arg15[%add3A_33, %dma_start3A_91] : memref<10240x128xf32, #tpu.memory_space<vmem_shared>> -> memref<80x128xf32, #tpu.memory_space<vmem_shared>>
      tpu.enqueue_dma source(%arg13 : memref<80x128xf32, #tpu.memory_space<vmem>>) target(%dma_start3A_92 : memref<80x128xf32, #tpu.memory_space<vmem_shared>>) target_semaphore(%run_scoped3A : memref<!tpu.dma_semaphore, #tpu.memory_space<semaphore_mem>>)
      %dma_wait3A_93 = arith.constant 0 : i32
      %dma_wait3A_94 = tpu.memref_slice %arg15[%add3A_33, %dma_wait3A_93] : memref<10240x128xf32, #tpu.memory_space<vmem_shared>> -> memref<80x128xf32, #tpu.memory_space<vmem_shared>>
      %dma_wait3A_95 = arith.constant 0 : i32
      %dma_wait3A_96 = tpu.memref_slice %arg15[%add3A_33, %dma_wait3A_95] : memref<10240x128xf32, #tpu.memory_space<vmem_shared>> -> memref<80x128xf32, #tpu.memory_space<vmem_shared>>
      tpu.wait_dma2 semaphore(%run_scoped3A : memref<!tpu.dma_semaphore, #tpu.memory_space<semaphore_mem>>) src(%arg13 : memref<80x128xf32, #tpu.memory_space<vmem>>) dst(%dma_wait3A_96 : memref<80x128xf32, #tpu.memory_space<vmem_shared>>)
      tpu.yield
    }) : () -> ()
    %mul3A_34 = arith.constant 640 : i32
    %mul3A_35 = arith.muli %arg1, %mul3A_34 : i32
    %add3A_36 = arith.constant 480 : i32
    %add3A_37 = arith.addi %mul3A_35, %add3A_36 : i32
    "tpu.region"() ({
      %run_scoped3A = tpu.sem_alloc : memref<!tpu.dma_semaphore, #tpu.memory_space<semaphore_mem>>
      %dma_start3A_89 = arith.constant 0 : i32
      %dma_start3A_90 = tpu.memref_slice %arg15[%add3A_37, %dma_start3A_89] : memref<10240x128xf32, #tpu.memory_space<vmem_shared>> -> memref<80x128xf32, #tpu.memory_space<vmem_shared>>
      %dma_start3A_91 = arith.constant 0 : i32
      %dma_start3A_92 = tpu.memref_slice %arg15[%add3A_37, %dma_start3A_91] : memref<10240x128xf32, #tpu.memory_space<vmem_shared>> -> memref<80x128xf32, #tpu.memory_space<vmem_shared>>
      tpu.enqueue_dma source(%arg13 : memref<80x128xf32, #tpu.memory_space<vmem>>) target(%dma_start3A_92 : memref<80x128xf32, #tpu.memory_space<vmem_shared>>) target_semaphore(%run_scoped3A : memref<!tpu.dma_semaphore, #tpu.memory_space<semaphore_mem>>)
      %dma_wait3A_93 = arith.constant 0 : i32
      %dma_wait3A_94 = tpu.memref_slice %arg15[%add3A_37, %dma_wait3A_93] : memref<10240x128xf32, #tpu.memory_space<vmem_shared>> -> memref<80x128xf32, #tpu.memory_space<vmem_shared>>
      %dma_wait3A_95 = arith.constant 0 : i32
      %dma_wait3A_96 = tpu.memref_slice %arg15[%add3A_37, %dma_wait3A_95] : memref<10240x128xf32, #tpu.memory_space<vmem_shared>> -> memref<80x128xf32, #tpu.memory_space<vmem_shared>>
      tpu.wait_dma2 semaphore(%run_scoped3A : memref<!tpu.dma_semaphore, #tpu.memory_space<semaphore_mem>>) src(%arg13 : memref<80x128xf32, #tpu.memory_space<vmem>>) dst(%dma_wait3A_96 : memref<80x128xf32, #tpu.memory_space<vmem_shared>>)
      tpu.yield
    }) : () -> ()
    %mul3A_38 = arith.constant 640 : i32
    %mul3A_39 = arith.muli %arg1, %mul3A_38 : i32
    %add3A_40 = arith.constant 560 : i32
    %add3A_41 = arith.addi %mul3A_39, %add3A_40 : i32
    "tpu.region"() ({
      %run_scoped3A = tpu.sem_alloc : memref<!tpu.dma_semaphore, #tpu.memory_space<semaphore_mem>>
      %dma_start3A_89 = arith.constant 0 : i32
      %dma_start3A_90 = tpu.memref_slice %arg15[%add3A_41, %dma_start3A_89] : memref<10240x128xf32, #tpu.memory_space<vmem_shared>> -> memref<80x128xf32, #tpu.memory_space<vmem_shared>>
      %dma_start3A_91 = arith.constant 0 : i32
      %dma_start3A_92 = tpu.memref_slice %arg15[%add3A_41, %dma_start3A_91] : memref<10240x128xf32, #tpu.memory_space<vmem_shared>> -> memref<80x128xf32, #tpu.memory_space<vmem_shared>>
      tpu.enqueue_dma source(%arg13 : memref<80x128xf32, #tpu.memory_space<vmem>>) target(%dma_start3A_92 : memref<80x128xf32, #tpu.memory_space<vmem_shared>>) target_semaphore(%run_scoped3A : memref<!tpu.dma_semaphore, #tpu.memory_space<semaphore_mem>>)
      %dma_wait3A_93 = arith.constant 0 : i32
      %dma_wait3A_94 = tpu.memref_slice %arg15[%add3A_41, %dma_wait3A_93] : memref<10240x128xf32, #tpu.memory_space<vmem_shared>> -> memref<80x128xf32, #tpu.memory_space<vmem_shared>>
      %dma_wait3A_95 = arith.constant 0 : i32
      %dma_wait3A_96 = tpu.memref_slice %arg15[%add3A_41, %dma_wait3A_95] : memref<10240x128xf32, #tpu.memory_space<vmem_shared>> -> memref<80x128xf32, #tpu.memory_space<vmem_shared>>
      tpu.wait_dma2 semaphore(%run_scoped3A : memref<!tpu.dma_semaphore, #tpu.memory_space<semaphore_mem>>) src(%arg13 : memref<80x128xf32, #tpu.memory_space<vmem>>) dst(%dma_wait3A_96 : memref<80x128xf32, #tpu.memory_space<vmem_shared>>)
      tpu.yield
    }) : () -> ()
    %barrier3A = arith.constant 0 : index
    tpu.barrier barrier_id(%barrier3A)
    %mul3A_42 = arith.constant 655360 : i32
    %mul3A_43 = arith.muli %add3A, %mul3A_42 : i32
    %add3A_44 = arith.constant 0 : i32
    %add3A_45 = arith.addi %mul3A_2, %add3A_44 : i32
    %add3A_46 = arith.constant 0 : i32
    %add3A_47 = arith.addi %add3A_45, %add3A_46 : i32
    %dma_start3A = tpu.memref_slice %arg3[%add3A_47] : memref<327680xi32, #tpu.memory_space<hbm>> -> memref<80xi32, #tpu.memory_space<hbm>>
    %dma_start3A_48 = tpu.memref_slice %arg3[%add3A_47] : memref<327680xi32, #tpu.memory_space<hbm>> -> memref<80xi32, #tpu.memory_space<hbm>>
    tpu.enqueue_dma source(%dma_start3A_48 : memref<80xi32, #tpu.memory_space<hbm>>) target(%arg7 : memref<80xi32, #tpu.memory_space<vmem>>) target_semaphore(%arg18 : memref<!tpu.dma_semaphore, #tpu.memory_space<semaphore_mem>>)
    %dma_start3A_49 = tpu.memref_slice %arg4[%add3A_47] : memref<327680xi32, #tpu.memory_space<hbm>> -> memref<80xi32, #tpu.memory_space<hbm>>
    %dma_start3A_50 = tpu.memref_slice %arg4[%add3A_47] : memref<327680xi32, #tpu.memory_space<hbm>> -> memref<80xi32, #tpu.memory_space<hbm>>
    tpu.enqueue_dma source(%dma_start3A_50 : memref<80xi32, #tpu.memory_space<hbm>>) target(%arg9 : memref<80xi32, #tpu.memory_space<vmem>>) target_semaphore(%arg18 : memref<!tpu.dma_semaphore, #tpu.memory_space<semaphore_mem>>)
    %add3A_51 = arith.constant 5120 : i32
    %add3A_52 = arith.addi %mul3A_2, %add3A_51 : i32
    %add3A_53 = arith.constant 0 : i32
    %add3A_54 = arith.addi %add3A_52, %add3A_53 : i32
    %dma_start3A_55 = tpu.memref_slice %arg3[%add3A_54] : memref<327680xi32, #tpu.memory_space<hbm>> -> memref<80xi32, #tpu.memory_space<hbm>>
    %dma_start3A_56 = tpu.memref_slice %arg3[%add3A_54] : memref<327680xi32, #tpu.memory_space<hbm>> -> memref<80xi32, #tpu.memory_space<hbm>>
    tpu.enqueue_dma source(%dma_start3A_56 : memref<80xi32, #tpu.memory_space<hbm>>) target(%arg8 : memref<80xi32, #tpu.memory_space<vmem>>) target_semaphore(%arg19 : memref<!tpu.dma_semaphore, #tpu.memory_space<semaphore_mem>>)
    %dma_start3A_57 = tpu.memref_slice %arg4[%add3A_54] : memref<327680xi32, #tpu.memory_space<hbm>> -> memref<80xi32, #tpu.memory_space<hbm>>
    %dma_start3A_58 = tpu.memref_slice %arg4[%add3A_54] : memref<327680xi32, #tpu.memory_space<hbm>> -> memref<80xi32, #tpu.memory_space<hbm>>
    tpu.enqueue_dma source(%dma_start3A_58 : memref<80xi32, #tpu.memory_space<hbm>>) target(%arg10 : memref<80xi32, #tpu.memory_space<vmem>>) target_semaphore(%arg19 : memref<!tpu.dma_semaphore, #tpu.memory_space<semaphore_mem>>)
    %add3A_59 = arith.constant 0 : i32
    %add3A_60 = arith.addi %mul3A_43, %add3A_59 : i32
    %dma_start3A_61 = tpu.memref_slice %arg5[%add3A_60] : memref<20971520xi32, #tpu.memory_space<hbm>> -> memref<10240xi32, #tpu.memory_space<hbm>>
    %dma_start3A_62 = tpu.memref_slice %arg5[%add3A_60] : memref<20971520xi32, #tpu.memory_space<hbm>> -> memref<10240xi32, #tpu.memory_space<hbm>>
    tpu.enqueue_dma source(%dma_start3A_62 : memref<10240xi32, #tpu.memory_space<hbm>>) target(%arg11 : memref<10240xi32, #tpu.memory_space<vmem>>) target_semaphore(%arg16 : memref<!tpu.dma_semaphore, #tpu.memory_space<semaphore_mem>>)
    %dma_wait3A = arith.constant 0 : i32
    %dma_wait3A_63 = tpu.memref_slice %arg3[%dma_wait3A] : memref<327680xi32, #tpu.memory_space<hbm>> -> memref<80xi32, #tpu.memory_space<hbm>>
    %dma_wait3A_64 = arith.constant 0 : i32
    %dma_wait3A_65 = tpu.memref_slice %arg3[%dma_wait3A_64] : memref<327680xi32, #tpu.memory_space<hbm>> -> memref<80xi32, #tpu.memory_space<hbm>>
    tpu.wait_dma2 semaphore(%arg18 : memref<!tpu.dma_semaphore, #tpu.memory_space<semaphore_mem>>) src(%dma_wait3A_65 : memref<80xi32, #tpu.memory_space<hbm>>) dst(%arg7 : memref<80xi32, #tpu.memory_space<vmem>>)
    %dma_wait3A_66 = arith.constant 0 : i32
    %dma_wait3A_67 = tpu.memref_slice %arg3[%dma_wait3A_66] : memref<327680xi32, #tpu.memory_space<hbm>> -> memref<80xi32, #tpu.memory_space<hbm>>
    %dma_wait3A_68 = arith.constant 0 : i32
    %dma_wait3A_69 = tpu.memref_slice %arg3[%dma_wait3A_68] : memref<327680xi32, #tpu.memory_space<hbm>> -> memref<80xi32, #tpu.memory_space<hbm>>
    tpu.wait_dma2 semaphore(%arg18 : memref<!tpu.dma_semaphore, #tpu.memory_space<semaphore_mem>>) src(%dma_wait3A_69 : memref<80xi32, #tpu.memory_space<hbm>>) dst(%arg9 : memref<80xi32, #tpu.memory_space<vmem>>)
    %dma_start3A_70 = arith.constant 0 : i32
    %dma_start3A_71 = arith.constant 0 : i32
    %dma_start3A_72 = tpu.memref_slice %arg2[%dma_start3A_70, %dma_start3A_71] : memref<10000x128xf32, #tpu.memory_space<hbm>> -> memref<10000x128xf32, #tpu.memory_space<hbm>>
    tpu.enqueue_indirect_dma source(%dma_start3A_72 : memref<10000x128xf32, #tpu.memory_space<hbm>>) target(%arg13 : memref<80x128xf32, #tpu.memory_space<vmem>>) offsets(%arg7 : memref<80xi32, #tpu.memory_space<vmem>>) semaphore(%arg18 : memref<!tpu.dma_semaphore, #tpu.memory_space<semaphore_mem>>)
    %scan3A_73 = arith.constant 0 : i32
    %scan3A_74 = arith.constant 0 : i32
    %scan3A_75 = arith.constant 32 : i32
    %scan3A_76 = arith.addi %scan3A_74, %scan3A_75 : i32
    %scan3A_77 = arith.constant 1 : i32
    %scan3A_78 = scf.for %scan3A_89 = %scan3A_74 to %scan3A_76 step %scan3A_77 iter_args(%scan3A_90 = %scan3A_73) -> (i32)  : i32 {
      %mul3A_91 = arith.constant 4 : i32
      %mul3A_92 = arith.muli %scan3A_89, %mul3A_91 : i32
      %add3A_93 = arith.constant 0 : i32
      %add3A_94 = arith.addi %mul3A_92, %add3A_93 : i32
      %add3A_95 = arith.constant 1 : i32
      %add3A_96 = arith.addi %add3A_94, %add3A_95 : i32
      %lt3A = arith.constant 128 : i32
      %lt3A_97 = arith.cmpi slt, %add3A_96, %lt3A : i32
      %ge3A = arith.constant 1 : i32
      %ge3A_98 = arith.cmpi sge, %add3A_94, %ge3A : i32
      %and3A = arith.andi %lt3A_97, %ge3A_98 : i1
      %convert_element_type3A = arith.extui %and3A : i1 to i32
      %cond3A = arith.constant 0 : i32
      %cond3A_99 = arith.cmpi ne, %convert_element_type3A, %cond3A : i32
      scf.if %cond3A_99 {
        %dma_wait3A_285 = arith.constant 0 : i32
        %dma_wait3A_286 = arith.constant 0 : i32
        %dma_wait3A_287 = tpu.memref_slice %arg15[%dma_wait3A_285, %dma_wait3A_286] : memref<10240x128xf32, #tpu.memory_space<vmem_shared>> -> memref<10240x128xf32, #tpu.memory_space<vmem_shared>>
        tpu.wait_indirect_dma semaphore(%arg21 : memref<!tpu.dma_semaphore, #tpu.memory_space<semaphore_mem>>) src(%arg14 : memref<80x128xf32, #tpu.memory_space<vmem>>) dst(%dma_wait3A_287 : memref<10240x128xf32, #tpu.memory_space<vmem_shared>>)
      } else {
      }
      %add3A_100 = arith.constant 1 : i32
      %add3A_101 = arith.addi %add3A_94, %add3A_100 : i32
      %lt3A_102 = arith.constant 128 : i32
      %lt3A_103 = arith.cmpi slt, %add3A_101, %lt3A_102 : i32
      %convert_element_type3A_104 = arith.extui %lt3A_103 : i1 to i32
      %cond3A_105 = arith.constant 0 : i32
      %cond3A_106 = arith.cmpi ne, %convert_element_type3A_104, %cond3A_105 : i32
      scf.if %cond3A_106 {
        %dma_wait3A_285 = arith.constant 0 : i32
        %dma_wait3A_286 = tpu.memref_slice %arg3[%dma_wait3A_285] : memref<327680xi32, #tpu.memory_space<hbm>> -> memref<80xi32, #tpu.memory_space<hbm>>
        %dma_wait3A_287 = arith.constant 0 : i32
        %dma_wait3A_288 = tpu.memref_slice %arg3[%dma_wait3A_287] : memref<327680xi32, #tpu.memory_space<hbm>> -> memref<80xi32, #tpu.memory_space<hbm>>
        tpu.wait_dma2 semaphore(%arg19 : memref<!tpu.dma_semaphore, #tpu.memory_space<semaphore_mem>>) src(%dma_wait3A_288 : memref<80xi32, #tpu.memory_space<hbm>>) dst(%arg8 : memref<80xi32, #tpu.memory_space<vmem>>)
        %dma_wait3A_289 = arith.constant 0 : i32
        %dma_wait3A_290 = tpu.memref_slice %arg3[%dma_wait3A_289] : memref<327680xi32, #tpu.memory_space<hbm>> -> memref<80xi32, #tpu.memory_space<hbm>>
        %dma_wait3A_291 = arith.constant 0 : i32
        %dma_wait3A_292 = tpu.memref_slice %arg3[%dma_wait3A_291] : memref<327680xi32, #tpu.memory_space<hbm>> -> memref<80xi32, #tpu.memory_space<hbm>>
        tpu.wait_dma2 semaphore(%arg19 : memref<!tpu.dma_semaphore, #tpu.memory_space<semaphore_mem>>) src(%dma_wait3A_292 : memref<80xi32, #tpu.memory_space<hbm>>) dst(%arg10 : memref<80xi32, #tpu.memory_space<vmem>>)
        %add3A_293 = arith.constant 1 : i32
        %add3A_294 = arith.addi %add3A_94, %add3A_293 : i32
        %dma_start3A_295 = arith.constant 0 : i32
        %dma_start3A_296 = arith.constant 0 : i32
        %dma_start3A_297 = tpu.memref_slice %arg2[%dma_start3A_295, %dma_start3A_296] : memref<10000x128xf32, #tpu.memory_space<hbm>> -> memref<10000x128xf32, #tpu.memory_space<hbm>>
        tpu.enqueue_indirect_dma source(%dma_start3A_297 : memref<10000x128xf32, #tpu.memory_space<hbm>>) target(%arg14 : memref<80x128xf32, #tpu.memory_space<vmem>>) offsets(%arg8 : memref<80xi32, #tpu.memory_space<vmem>>) semaphore(%arg19 : memref<!tpu.dma_semaphore, #tpu.memory_space<semaphore_mem>>)
      } else {
      }
      %dma_wait3A_107 = arith.constant 0 : i32
      %dma_wait3A_108 = tpu.memref_slice %arg5[%dma_wait3A_107] : memref<20971520xi32, #tpu.memory_space<hbm>> -> memref<10240xi32, #tpu.memory_space<hbm>>
      %dma_wait3A_109 = arith.constant 0 : i32
      %dma_wait3A_110 = tpu.memref_slice %arg5[%dma_wait3A_109] : memref<20971520xi32, #tpu.memory_space<hbm>> -> memref<10240xi32, #tpu.memory_space<hbm>>
      tpu.wait_dma2 semaphore(%arg16 : memref<!tpu.dma_semaphore, #tpu.memory_space<semaphore_mem>>) src(%dma_wait3A_110 : memref<10240xi32, #tpu.memory_space<hbm>>) dst(%arg11 : memref<10240xi32, #tpu.memory_space<vmem>>)
      %add3A_111 = arith.constant 2 : i32
      %add3A_112 = arith.addi %add3A_94, %add3A_111 : i32
      %lt3A_113 = arith.constant 128 : i32
      %lt3A_114 = arith.cmpi slt, %add3A_112, %lt3A_113 : i32
      %convert_element_type3A_115 = arith.extui %lt3A_114 : i1 to i32
      %cond3A_116 = arith.constant 0 : i32
      %cond3A_117 = arith.cmpi ne, %convert_element_type3A_115, %cond3A_116 : i32
      scf.if %cond3A_117 {
        %jit3A = arith.constant 2 : i32
        %div3A = arith.divsi %add3A_94, %jit3A : i32
        %sign3A = arith.constant 0 : i32
        %sign3A_285 = arith.cmpi sgt, %add3A_94, %sign3A : i32
        %sign3A_286 = arith.extui %sign3A_285 : i1 to i32
        %sign3A_287 = arith.constant 0 : i32
        %sign3A_288 = arith.cmpi slt, %add3A_94, %sign3A_287 : i32
        %sign3A_289 = arith.extui %sign3A_288 : i1 to i32
        %sign3A_290 = arith.subi %sign3A_286, %sign3A_289 : i32
        %sign3A_291 = arith.constant 0 : i32
        %sign3A_292 = arith.cmpi sgt, %jit3A, %sign3A_291 : i32
        %sign3A_293 = arith.extui %sign3A_292 : i1 to i32
        %sign3A_294 = arith.constant 0 : i32
        %sign3A_295 = arith.cmpi slt, %jit3A, %sign3A_294 : i32
        %sign3A_296 = arith.extui %sign3A_295 : i1 to i32
        %sign3A_297 = arith.subi %sign3A_293, %sign3A_296 : i32
        %ne3A = arith.cmpi ne, %sign3A_290, %sign3A_297 : i32
        %rem3A = arith.remsi %add3A_94, %jit3A : i32
        %ne3A_298 = arith.constant 0 : i32
        %ne3A_299 = arith.cmpi ne, %rem3A, %ne3A_298 : i32
        %and3A_300 = arith.andi %ne3A, %ne3A_299 : i1
        %sub3A = arith.constant 1 : i32
        %sub3A_301 = arith.subi %div3A, %sub3A : i32
        %select_n3A = arith.select %and3A_300, %sub3A_301, %div3A : i32
        %add3A_302 = arith.constant 1 : i32
        %add3A_303 = arith.addi %select_n3A, %add3A_302 : i32
        %mul3A_304 = arith.constant 10240 : i32
        %mul3A_305 = arith.muli %add3A_303, %mul3A_304 : i32
        %add3A_306 = arith.addi %mul3A_43, %mul3A_305 : i32
        %dma_start3A_307 = tpu.memref_slice %arg5[%add3A_306] : memref<20971520xi32, #tpu.memory_space<hbm>> -> memref<10240xi32, #tpu.memory_space<hbm>>
        %dma_start3A_308 = tpu.memref_slice %arg5[%add3A_306] : memref<20971520xi32, #tpu.memory_space<hbm>> -> memref<10240xi32, #tpu.memory_space<hbm>>
        tpu.enqueue_dma source(%dma_start3A_308 : memref<10240xi32, #tpu.memory_space<hbm>>) target(%arg12 : memref<10240xi32, #tpu.memory_space<vmem>>) target_semaphore(%arg17 : memref<!tpu.dma_semaphore, #tpu.memory_space<semaphore_mem>>)
      } else {
      }
      %dma_wait3A_118 = arith.constant 0 : i32
      %dma_wait3A_119 = arith.constant 0 : i32
      %dma_wait3A_120 = tpu.memref_slice %arg2[%dma_wait3A_118, %dma_wait3A_119] : memref<10000x128xf32, #tpu.memory_space<hbm>> -> memref<80x128xf32, #tpu.memory_space<hbm>>
      %dma_wait3A_121 = arith.constant 0 : i32
      %dma_wait3A_122 = arith.constant 0 : i32
      %dma_wait3A_123 = tpu.memref_slice %arg2[%dma_wait3A_121, %dma_wait3A_122] : memref<10000x128xf32, #tpu.memory_space<hbm>> -> memref<80x128xf32, #tpu.memory_space<hbm>>
      tpu.wait_dma2 semaphore(%arg18 : memref<!tpu.dma_semaphore, #tpu.memory_space<semaphore_mem>>) src(%dma_wait3A_123 : memref<80x128xf32, #tpu.memory_space<hbm>>) dst(%arg13 : memref<80x128xf32, #tpu.memory_space<vmem>>)
      %scan3A_124 = arith.constant 0 : i32
      %scan3A_125 = arith.constant 0 : i32
      %scan3A_126 = arith.constant 80 : i32
      %scan3A_127 = arith.addi %scan3A_125, %scan3A_126 : i32
      %scan3A_128 = arith.constant 1 : i32
      %scan3A_129 = scf.for %scan3A_285 = %scan3A_125 to %scan3A_127 step %scan3A_128 iter_args(%scan3A_286 = %scan3A_124) -> (i32)  : i32 {
        %mul3A_287 = arith.constant 128 : i32
        %mul3A_288 = arith.muli %scan3A_285, %mul3A_287 : i32
        %add3A_289 = arith.constant 0 : i32
        %add3A_290 = arith.addi %mul3A_288, %add3A_289 : i32
        %get3A = arith.index_cast %add3A_290 : i32 to index
        %get3A_291 = tpu.vector_load %arg11[%get3A] {strides = array<i32>} : memref<10240xi32, #tpu.memory_space<vmem>>, vector<16xi32>,
        %get3A_292 = vector.shape_cast %get3A_291 : vector<16xi32> to vector<16xi32>
        %shift_left3A = arith.constant 16 : i32
        %shift_left3A_293 = vector.broadcast %shift_left3A : i32 to vector<16xi32>
        %shift_left3A_294 = arith.shli %get3A_292, %shift_left3A_293 : vector<16xi32>
        %bitcast_convert_type3A = tpu.bitcast %shift_left3A_294 : vector<16xi32> -> vector<16xf32>
        %get3A_295 = arith.index_cast %scan3A_285 : i32 to index
        %get3A_296 = arith.constant 0 : index
        %get3A_297 = tpu.vector_load %arg13[%get3A_295, %get3A_296] {strides = array<i32>} : memref<80x128xf32, #tpu.memory_space<vmem>>, vector<1x16xf32>,
        %get3A_298 = vector.shape_cast %get3A_297 : vector<1x16xf32> to vector<16xf32>
        %add3A_299 = arith.addf %bitcast_convert_type3A, %get3A_298 : vector<16xf32>
        %max3A = arith.constant 0.000000e+00 : f32
        %max3A_300 = vector.broadcast %max3A : f32 to vector<16xf32>
        %max3A_301 = arith.maximumf %add3A_299, %max3A_300 : vector<16xf32>
        %swap3A = arith.index_cast %scan3A_285 : i32 to index
        %swap3A_302 = arith.constant 0 : index
        %swap3A_303 = tpu.vector_load %arg13[%swap3A, %swap3A_302] {strides = array<i32>} : memref<80x128xf32, #tpu.memory_space<vmem>>, vector<1x16xf32>,
        %swap3A_304 = vector.shape_cast %swap3A_303 : vector<1x16xf32> to vector<16xf32>
        %swap3A_305 = vector.shape_cast %max3A_301 : vector<16xf32> to vector<1x16xf32>
        tpu.vector_store %arg13[%swap3A, %swap3A_302], %swap3A_305 {strides = array<i32>} : memref<80x128xf32, #tpu.memory_space<vmem>>, vector<1x16xf32>,
        %mul3A_306 = arith.constant 128 : i32
        %mul3A_307 = arith.muli %scan3A_285, %mul3A_306 : i32
        %add3A_308 = arith.constant 16 : i32
        %add3A_309 = arith.addi %mul3A_307, %add3A_308 : i32
        %get3A_310 = arith.index_cast %add3A_309 : i32 to index
        %get3A_311 = tpu.vector_load %arg11[%get3A_310] {strides = array<i32>} : memref<10240xi32, #tpu.memory_space<vmem>>, vector<16xi32>,
        %get3A_312 = vector.shape_cast %get3A_311 : vector<16xi32> to vector<16xi32>
        %shift_left3A_313 = arith.constant 16 : i32
        %shift_left3A_314 = vector.broadcast %shift_left3A_313 : i32 to vector<16xi32>
        %shift_left3A_315 = arith.shli %get3A_312, %shift_left3A_314 : vector<16xi32>
        %bitcast_convert_type3A_316 = tpu.bitcast %shift_left3A_315 : vector<16xi32> -> vector<16xf32>
        %get3A_317 = arith.index_cast %scan3A_285 : i32 to index
        %get3A_318 = arith.constant 16 : index
        %get3A_319 = tpu.vector_load %arg13[%get3A_317, %get3A_318] {strides = array<i32>} : memref<80x128xf32, #tpu.memory_space<vmem>>, vector<1x16xf32>,
        %get3A_320 = vector.shape_cast %get3A_319 : vector<1x16xf32> to vector<16xf32>
        %add3A_321 = arith.addf %bitcast_convert_type3A_316, %get3A_320 : vector<16xf32>
        %max3A_322 = arith.constant 0.000000e+00 : f32
        %max3A_323 = vector.broadcast %max3A_322 : f32 to vector<16xf32>
        %max3A_324 = arith.maximumf %add3A_321, %max3A_323 : vector<16xf32>
        %swap3A_325 = arith.index_cast %scan3A_285 : i32 to index
        %swap3A_326 = arith.constant 16 : index
        %swap3A_327 = tpu.vector_load %arg13[%swap3A_325, %swap3A_326] {strides = array<i32>} : memref<80x128xf32, #tpu.memory_space<vmem>>, vector<1x16xf32>,
        %swap3A_328 = vector.shape_cast %swap3A_327 : vector<1x16xf32> to vector<16xf32>
        %swap3A_329 = vector.shape_cast %max3A_324 : vector<16xf32> to vector<1x16xf32>
        tpu.vector_store %arg13[%swap3A_325, %swap3A_326], %swap3A_329 {strides = array<i32>} : memref<80x128xf32, #tpu.memory_space<vmem>>, vector<1x16xf32>,
        %mul3A_330 = arith.constant 128 : i32
        %mul3A_331 = arith.muli %scan3A_285, %mul3A_330 : i32
        %add3A_332 = arith.constant 32 : i32
        %add3A_333 = arith.addi %mul3A_331, %add3A_332 : i32
        %get3A_334 = arith.index_cast %add3A_333 : i32 to index
        %get3A_335 = tpu.vector_load %arg11[%get3A_334] {strides = array<i32>} : memref<10240xi32, #tpu.memory_space<vmem>>, vector<16xi32>,
        %get3A_336 = vector.shape_cast %get3A_335 : vector<16xi32> to vector<16xi32>
        %shift_left3A_337 = arith.constant 16 : i32
        %shift_left3A_338 = vector.broadcast %shift_left3A_337 : i32 to vector<16xi32>
        %shift_left3A_339 = arith.shli %get3A_336, %shift_left3A_338 : vector<16xi32>
        %bitcast_convert_type3A_340 = tpu.bitcast %shift_left3A_339 : vector<16xi32> -> vector<16xf32>
        %get3A_341 = arith.index_cast %scan3A_285 : i32 to index
        %get3A_342 = arith.constant 32 : index
        %get3A_343 = tpu.vector_load %arg13[%get3A_341, %get3A_342] {strides = array<i32>} : memref<80x128xf32, #tpu.memory_space<vmem>>, vector<1x16xf32>,
        %get3A_344 = vector.shape_cast %get3A_343 : vector<1x16xf32> to vector<16xf32>
        %add3A_345 = arith.addf %bitcast_convert_type3A_340, %get3A_344 : vector<16xf32>
        %max3A_346 = arith.constant 0.000000e+00 : f32
        %max3A_347 = vector.broadcast %max3A_346 : f32 to vector<16xf32>
        %max3A_348 = arith.maximumf %add3A_345, %max3A_347 : vector<16xf32>
        %swap3A_349 = arith.index_cast %scan3A_285 : i32 to index
        %swap3A_350 = arith.constant 32 : index
        %swap3A_351 = tpu.vector_load %arg13[%swap3A_349, %swap3A_350] {strides = array<i32>} : memref<80x128xf32, #tpu.memory_space<vmem>>, vector<1x16xf32>,
        %swap3A_352 = vector.shape_cast %swap3A_351 : vector<1x16xf32> to vector<16xf32>
        %swap3A_353 = vector.shape_cast %max3A_348 : vector<16xf32> to vector<1x16xf32>
        tpu.vector_store %arg13[%swap3A_349, %swap3A_350], %swap3A_353 {strides = array<i32>} : memref<80x128xf32, #tpu.memory_space<vmem>>, vector<1x16xf32>,
        %mul3A_354 = arith.constant 128 : i32
        %mul3A_355 = arith.muli %scan3A_285, %mul3A_354 : i32
        %add3A_356 = arith.constant 48 : i32
        %add3A_357 = arith.addi %mul3A_355, %add3A_356 : i32
        %get3A_358 = arith.index_cast %add3A_357 : i32 to index
        %get3A_359 = tpu.vector_load %arg11[%get3A_358] {strides = array<i32>} : memref<10240xi32, #tpu.memory_space<vmem>>, vector<16xi32>,
        %get3A_360 = vector.shape_cast %get3A_359 : vector<16xi32> to vector<16xi32>
        %shift_left3A_361 = arith.constant 16 : i32
        %shift_left3A_362 = vector.broadcast %shift_left3A_361 : i32 to vector<16xi32>
        %shift_left3A_363 = arith.shli %get3A_360, %shift_left3A_362 : vector<16xi32>
        %bitcast_convert_type3A_364 = tpu.bitcast %shift_left3A_363 : vector<16xi32> -> vector<16xf32>
        %get3A_365 = arith.index_cast %scan3A_285 : i32 to index
        %get3A_366 = arith.constant 48 : index
        %get3A_367 = tpu.vector_load %arg13[%get3A_365, %get3A_366] {strides = array<i32>} : memref<80x128xf32, #tpu.memory_space<vmem>>, vector<1x16xf32>,
        %get3A_368 = vector.shape_cast %get3A_367 : vector<1x16xf32> to vector<16xf32>
        %add3A_369 = arith.addf %bitcast_convert_type3A_364, %get3A_368 : vector<16xf32>
        %max3A_370 = arith.constant 0.000000e+00 : f32
        %max3A_371 = vector.broadcast %max3A_370 : f32 to vector<16xf32>
        %max3A_372 = arith.maximumf %add3A_369, %max3A_371 : vector<16xf32>
        %swap3A_373 = arith.index_cast %scan3A_285 : i32 to index
        %swap3A_374 = arith.constant 48 : index
        %swap3A_375 = tpu.vector_load %arg13[%swap3A_373, %swap3A_374] {strides = array<i32>} : memref<80x128xf32, #tpu.memory_space<vmem>>, vector<1x16xf32>,
        %swap3A_376 = vector.shape_cast %swap3A_375 : vector<1x16xf32> to vector<16xf32>
        %swap3A_377 = vector.shape_cast %max3A_372 : vector<16xf32> to vector<1x16xf32>
        tpu.vector_store %arg13[%swap3A_373, %swap3A_374], %swap3A_377 {strides = array<i32>} : memref<80x128xf32, #tpu.memory_space<vmem>>, vector<1x16xf32>,
        %mul3A_378 = arith.constant 128 : i32
        %mul3A_379 = arith.muli %scan3A_285, %mul3A_378 : i32
        %add3A_380 = arith.constant 64 : i32
        %add3A_381 = arith.addi %mul3A_379, %add3A_380 : i32
        %get3A_382 = arith.index_cast %add3A_381 : i32 to index
        %get3A_383 = tpu.vector_load %arg11[%get3A_382] {strides = array<i32>} : memref<10240xi32, #tpu.memory_space<vmem>>, vector<16xi32>,
        %get3A_384 = vector.shape_cast %get3A_383 : vector<16xi32> to vector<16xi32>
        %shift_left3A_385 = arith.constant 16 : i32
        %shift_left3A_386 = vector.broadcast %shift_left3A_385 : i32 to vector<16xi32>
        %shift_left3A_387 = arith.shli %get3A_384, %shift_left3A_386 : vector<16xi32>
        %bitcast_convert_type3A_388 = tpu.bitcast %shift_left3A_387 : vector<16xi32> -> vector<16xf32>
        %get3A_389 = arith.index_cast %scan3A_285 : i32 to index
        %get3A_390 = arith.constant 64 : index
        %get3A_391 = tpu.vector_load %arg13[%get3A_389, %get3A_390] {strides = array<i32>} : memref<80x128xf32, #tpu.memory_space<vmem>>, vector<1x16xf32>,
        %get3A_392 = vector.shape_cast %get3A_391 : vector<1x16xf32> to vector<16xf32>
        %add3A_393 = arith.addf %bitcast_convert_type3A_388, %get3A_392 : vector<16xf32>
        %max3A_394 = arith.constant 0.000000e+00 : f32
        %max3A_395 = vector.broadcast %max3A_394 : f32 to vector<16xf32>
        %max3A_396 = arith.maximumf %add3A_393, %max3A_395 : vector<16xf32>
        %swap3A_397 = arith.index_cast %scan3A_285 : i32 to index
        %swap3A_398 = arith.constant 64 : index
        %swap3A_399 = tpu.vector_load %arg13[%swap3A_397, %swap3A_398] {strides = array<i32>} : memref<80x128xf32, #tpu.memory_space<vmem>>, vector<1x16xf32>,
        %swap3A_400 = vector.shape_cast %swap3A_399 : vector<1x16xf32> to vector<16xf32>
        %swap3A_401 = vector.shape_cast %max3A_396 : vector<16xf32> to vector<1x16xf32>
        tpu.vector_store %arg13[%swap3A_397, %swap3A_398], %swap3A_401 {strides = array<i32>} : memref<80x128xf32, #tpu.memory_space<vmem>>, vector<1x16xf32>,
        %mul3A_402 = arith.constant 128 : i32
        %mul3A_403 = arith.muli %scan3A_285, %mul3A_402 : i32
        %add3A_404 = arith.constant 80 : i32
        %add3A_405 = arith.addi %mul3A_403, %add3A_404 : i32
        %get3A_406 = arith.index_cast %add3A_405 : i32 to index
        %get3A_407 = tpu.vector_load %arg11[%get3A_406] {strides = array<i32>} : memref<10240xi32, #tpu.memory_space<vmem>>, vector<16xi32>,
        %get3A_408 = vector.shape_cast %get3A_407 : vector<16xi32> to vector<16xi32>
        %shift_left3A_409 = arith.constant 16 : i32
        %shift_left3A_410 = vector.broadcast %shift_left3A_409 : i32 to vector<16xi32>
        %shift_left3A_411 = arith.shli %get3A_408, %shift_left3A_410 : vector<16xi32>
        %bitcast_convert_type3A_412 = tpu.bitcast %shift_left3A_411 : vector<16xi32> -> vector<16xf32>
        %get3A_413 = arith.index_cast %scan3A_285 : i32 to index
        %get3A_414 = arith.constant 80 : index
        %get3A_415 = tpu.vector_load %arg13[%get3A_413, %get3A_414] {strides = array<i32>} : memref<80x128xf32, #tpu.memory_space<vmem>>, vector<1x16xf32>,
        %get3A_416 = vector.shape_cast %get3A_415 : vector<1x16xf32> to vector<16xf32>
        %add3A_417 = arith.addf %bitcast_convert_type3A_412, %get3A_416 : vector<16xf32>
        %max3A_418 = arith.constant 0.000000e+00 : f32
        %max3A_419 = vector.broadcast %max3A_418 : f32 to vector<16xf32>
        %max3A_420 = arith.maximumf %add3A_417, %max3A_419 : vector<16xf32>
        %swap3A_421 = arith.index_cast %scan3A_285 : i32 to index
        %swap3A_422 = arith.constant 80 : index
        %swap3A_423 = tpu.vector_load %arg13[%swap3A_421, %swap3A_422] {strides = array<i32>} : memref<80x128xf32, #tpu.memory_space<vmem>>, vector<1x16xf32>,
        %swap3A_424 = vector.shape_cast %swap3A_423 : vector<1x16xf32> to vector<16xf32>
        %swap3A_425 = vector.shape_cast %max3A_420 : vector<16xf32> to vector<1x16xf32>
        tpu.vector_store %arg13[%swap3A_421, %swap3A_422], %swap3A_425 {strides = array<i32>} : memref<80x128xf32, #tpu.memory_space<vmem>>, vector<1x16xf32>,
        %mul3A_426 = arith.constant 128 : i32
        %mul3A_427 = arith.muli %scan3A_285, %mul3A_426 : i32
        %add3A_428 = arith.constant 96 : i32
        %add3A_429 = arith.addi %mul3A_427, %add3A_428 : i32
        %get3A_430 = arith.index_cast %add3A_429 : i32 to index
        %get3A_431 = tpu.vector_load %arg11[%get3A_430] {strides = array<i32>} : memref<10240xi32, #tpu.memory_space<vmem>>, vector<16xi32>,
        %get3A_432 = vector.shape_cast %get3A_431 : vector<16xi32> to vector<16xi32>
        %shift_left3A_433 = arith.constant 16 : i32
        %shift_left3A_434 = vector.broadcast %shift_left3A_433 : i32 to vector<16xi32>
        %shift_left3A_435 = arith.shli %get3A_432, %shift_left3A_434 : vector<16xi32>
        %bitcast_convert_type3A_436 = tpu.bitcast %shift_left3A_435 : vector<16xi32> -> vector<16xf32>
        %get3A_437 = arith.index_cast %scan3A_285 : i32 to index
        %get3A_438 = arith.constant 96 : index
        %get3A_439 = tpu.vector_load %arg13[%get3A_437, %get3A_438] {strides = array<i32>} : memref<80x128xf32, #tpu.memory_space<vmem>>, vector<1x16xf32>,
        %get3A_440 = vector.shape_cast %get3A_439 : vector<1x16xf32> to vector<16xf32>
        %add3A_441 = arith.addf %bitcast_convert_type3A_436, %get3A_440 : vector<16xf32>
        %max3A_442 = arith.constant 0.000000e+00 : f32
        %max3A_443 = vector.broadcast %max3A_442 : f32 to vector<16xf32>
        %max3A_444 = arith.maximumf %add3A_441, %max3A_443 : vector<16xf32>
        %swap3A_445 = arith.index_cast %scan3A_285 : i32 to index
        %swap3A_446 = arith.constant 96 : index
        %swap3A_447 = tpu.vector_load %arg13[%swap3A_445, %swap3A_446] {strides = array<i32>} : memref<80x128xf32, #tpu.memory_space<vmem>>, vector<1x16xf32>,
        %swap3A_448 = vector.shape_cast %swap3A_447 : vector<1x16xf32> to vector<16xf32>
        %swap3A_449 = vector.shape_cast %max3A_444 : vector<16xf32> to vector<1x16xf32>
        tpu.vector_store %arg13[%swap3A_445, %swap3A_446], %swap3A_449 {strides = array<i32>} : memref<80x128xf32, #tpu.memory_space<vmem>>, vector<1x16xf32>,
        %mul3A_450 = arith.constant 128 : i32
        %mul3A_451 = arith.muli %scan3A_285, %mul3A_450 : i32
        %add3A_452 = arith.constant 112 : i32
        %add3A_453 = arith.addi %mul3A_451, %add3A_452 : i32
        %get3A_454 = arith.index_cast %add3A_453 : i32 to index
        %get3A_455 = tpu.vector_load %arg11[%get3A_454] {strides = array<i32>} : memref<10240xi32, #tpu.memory_space<vmem>>, vector<16xi32>,
        %get3A_456 = vector.shape_cast %get3A_455 : vector<16xi32> to vector<16xi32>
        %shift_left3A_457 = arith.constant 16 : i32
        %shift_left3A_458 = vector.broadcast %shift_left3A_457 : i32 to vector<16xi32>
        %shift_left3A_459 = arith.shli %get3A_456, %shift_left3A_458 : vector<16xi32>
        %bitcast_convert_type3A_460 = tpu.bitcast %shift_left3A_459 : vector<16xi32> -> vector<16xf32>
        %get3A_461 = arith.index_cast %scan3A_285 : i32 to index
        %get3A_462 = arith.constant 112 : index
        %get3A_463 = tpu.vector_load %arg13[%get3A_461, %get3A_462] {strides = array<i32>} : memref<80x128xf32, #tpu.memory_space<vmem>>, vector<1x16xf32>,
        %get3A_464 = vector.shape_cast %get3A_463 : vector<1x16xf32> to vector<16xf32>
        %add3A_465 = arith.addf %bitcast_convert_type3A_460, %get3A_464 : vector<16xf32>
        %max3A_466 = arith.constant 0.000000e+00 : f32
        %max3A_467 = vector.broadcast %max3A_466 : f32 to vector<16xf32>
        %max3A_468 = arith.maximumf %add3A_465, %max3A_467 : vector<16xf32>
        %swap3A_469 = arith.index_cast %scan3A_285 : i32 to index
        %swap3A_470 = arith.constant 112 : index
        %swap3A_471 = tpu.vector_load %arg13[%swap3A_469, %swap3A_470] {strides = array<i32>} : memref<80x128xf32, #tpu.memory_space<vmem>>, vector<1x16xf32>,
        %swap3A_472 = vector.shape_cast %swap3A_471 : vector<1x16xf32> to vector<16xf32>
        %swap3A_473 = vector.shape_cast %max3A_468 : vector<16xf32> to vector<1x16xf32>
        tpu.vector_store %arg13[%swap3A_469, %swap3A_470], %swap3A_473 {strides = array<i32>} : memref<80x128xf32, #tpu.memory_space<vmem>>, vector<1x16xf32>,
        %scan3A_474 = arith.constant 0 : i32
        scf.yield %scan3A_474 : i32
      }
      %scan3A_130 = arith.constant 80 : i32
      %dma_start3A_131 = arith.constant 0 : i32
      %dma_start3A_132 = arith.constant 0 : i32
      %dma_start3A_133 = tpu.memref_slice %arg15[%dma_start3A_131, %dma_start3A_132] : memref<10240x128xf32, #tpu.memory_space<vmem_shared>> -> memref<10240x128xf32, #tpu.memory_space<vmem_shared>>
      tpu.enqueue_indirect_dma source(%arg13 : memref<80x128xf32, #tpu.memory_space<vmem>>) target(%dma_start3A_133 : memref<10240x128xf32, #tpu.memory_space<vmem_shared>>) offsets(%arg9 : memref<80xi32, #tpu.memory_space<vmem>>) semaphore(%arg20 : memref<!tpu.dma_semaphore, #tpu.memory_space<semaphore_mem>>) {add = true}
      %add3A_134 = arith.constant 2 : i32
      %add3A_135 = arith.addi %add3A_94, %add3A_134 : i32
      %lt3A_136 = arith.constant 128 : i32
      %lt3A_137 = arith.cmpi slt, %add3A_135, %lt3A_136 : i32
      %convert_element_type3A_138 = arith.extui %lt3A_137 : i1 to i32
      %cond3A_139 = arith.constant 0 : i32
      %cond3A_140 = arith.cmpi ne, %convert_element_type3A_138, %cond3A_139 : i32
      scf.if %cond3A_140 {
        %add3A_285 = arith.constant 2 : i32
        %add3A_286 = arith.addi %add3A_94, %add3A_285 : i32
        %jit3A = arith.constant 2 : i32
        %eq3A = arith.constant 0 : i32
        %eq3A_287 = arith.cmpi eq, %jit3A, %eq3A : i32
        %jit3A_288 = arith.constant 1 : i32
        %select_n3A = arith.select %eq3A_287, %jit3A_288, %jit3A : i32
        %rem3A = arith.remsi %add3A_286, %select_n3A : i32
        %ne3A = arith.constant 0 : i32
        %ne3A_289 = arith.cmpi ne, %rem3A, %ne3A : i32
        %lt3A_290 = arith.constant 0 : i32
        %lt3A_291 = arith.cmpi slt, %rem3A, %lt3A_290 : i32
        %lt3A_292 = arith.constant 0 : i32
        %lt3A_293 = arith.cmpi slt, %select_n3A, %lt3A_292 : i32
        %ne3A_294 = arith.xori %lt3A_291, %lt3A_293 : i1
        %and3A_295 = arith.andi %ne3A_294, %ne3A_289 : i1
        %add3A_296 = arith.addi %rem3A, %select_n3A : i32
        %select_n3A_297 = arith.select %and3A_295, %add3A_296, %rem3A : i32
        %mul3A_298 = arith.constant 5120 : i32
        %mul3A_299 = arith.muli %select_n3A_297, %mul3A_298 : i32
        %add3A_300 = arith.addi %mul3A_2, %mul3A_299 : i32
        %jit3A_301 = arith.constant 2 : i32
        %div3A = arith.divsi %add3A_286, %jit3A_301 : i32
        %sign3A = arith.constant 0 : i32
        %sign3A_302 = arith.cmpi sgt, %add3A_286, %sign3A : i32
        %sign3A_303 = arith.extui %sign3A_302 : i1 to i32
        %sign3A_304 = arith.constant 0 : i32
        %sign3A_305 = arith.cmpi slt, %add3A_286, %sign3A_304 : i32
        %sign3A_306 = arith.extui %sign3A_305 : i1 to i32
        %sign3A_307 = arith.subi %sign3A_303, %sign3A_306 : i32
        %sign3A_308 = arith.constant 0 : i32
        %sign3A_309 = arith.cmpi sgt, %jit3A_301, %sign3A_308 : i32
        %sign3A_310 = arith.extui %sign3A_309 : i1 to i32
        %sign3A_311 = arith.constant 0 : i32
        %sign3A_312 = arith.cmpi slt, %jit3A_301, %sign3A_311 : i32
        %sign3A_313 = arith.extui %sign3A_312 : i1 to i32
        %sign3A_314 = arith.subi %sign3A_310, %sign3A_313 : i32
        %ne3A_315 = arith.cmpi ne, %sign3A_307, %sign3A_314 : i32
        %rem3A_316 = arith.remsi %add3A_286, %jit3A_301 : i32
        %ne3A_317 = arith.constant 0 : i32
        %ne3A_318 = arith.cmpi ne, %rem3A_316, %ne3A_317 : i32
        %and3A_319 = arith.andi %ne3A_315, %ne3A_318 : i1
        %sub3A = arith.constant 1 : i32
        %sub3A_320 = arith.subi %div3A, %sub3A : i32
        %select_n3A_321 = arith.select %and3A_319, %sub3A_320, %div3A : i32
        %mul3A_322 = arith.constant 80 : i32
        %mul3A_323 = arith.muli %select_n3A_321, %mul3A_322 : i32
        %add3A_324 = arith.addi %add3A_300, %mul3A_323 : i32
        %dma_start3A_325 = tpu.memref_slice %arg3[%add3A_324] : memref<327680xi32, #tpu.memory_space<hbm>> -> memref<80xi32, #tpu.memory_space<hbm>>
        %dma_start3A_326 = tpu.memref_slice %arg3[%add3A_324] : memref<327680xi32, #tpu.memory_space<hbm>> -> memref<80xi32, #tpu.memory_space<hbm>>
        tpu.enqueue_dma source(%dma_start3A_326 : memref<80xi32, #tpu.memory_space<hbm>>) target(%arg7 : memref<80xi32, #tpu.memory_space<vmem>>) target_semaphore(%arg18 : memref<!tpu.dma_semaphore, #tpu.memory_space<semaphore_mem>>)
        %dma_start3A_327 = tpu.memref_slice %arg4[%add3A_324] : memref<327680xi32, #tpu.memory_space<hbm>> -> memref<80xi32, #tpu.memory_space<hbm>>
        %dma_start3A_328 = tpu.memref_slice %arg4[%add3A_324] : memref<327680xi32, #tpu.memory_space<hbm>> -> memref<80xi32, #tpu.memory_space<hbm>>
        tpu.enqueue_dma source(%dma_start3A_328 : memref<80xi32, #tpu.memory_space<hbm>>) target(%arg9 : memref<80xi32, #tpu.memory_space<vmem>>) target_semaphore(%arg18 : memref<!tpu.dma_semaphore, #tpu.memory_space<semaphore_mem>>)
      } else {
      }
      %mul3A_141 = arith.constant 4 : i32
      %mul3A_142 = arith.muli %scan3A_89, %mul3A_141 : i32
      %add3A_143 = arith.constant 1 : i32
      %add3A_144 = arith.addi %mul3A_142, %add3A_143 : i32
      %add3A_145 = arith.constant 1 : i32
      %add3A_146 = arith.addi %add3A_144, %add3A_145 : i32
      %lt3A_147 = arith.constant 128 : i32
      %lt3A_148 = arith.cmpi slt, %add3A_146, %lt3A_147 : i32
      %ge3A_149 = arith.constant 1 : i32
      %ge3A_150 = arith.cmpi sge, %add3A_144, %ge3A_149 : i32
      %and3A_151 = arith.andi %lt3A_148, %ge3A_150 : i1
      %convert_element_type3A_152 = arith.extui %and3A_151 : i1 to i32
      %cond3A_153 = arith.constant 0 : i32
      %cond3A_154 = arith.cmpi ne, %convert_element_type3A_152, %cond3A_153 : i32
      scf.if %cond3A_154 {
        %dma_wait3A_285 = arith.constant 0 : i32
        %dma_wait3A_286 = arith.constant 0 : i32
        %dma_wait3A_287 = tpu.memref_slice %arg15[%dma_wait3A_285, %dma_wait3A_286] : memref<10240x128xf32, #tpu.memory_space<vmem_shared>> -> memref<10240x128xf32, #tpu.memory_space<vmem_shared>>
        tpu.wait_indirect_dma semaphore(%arg20 : memref<!tpu.dma_semaphore, #tpu.memory_space<semaphore_mem>>) src(%arg13 : memref<80x128xf32, #tpu.memory_space<vmem>>) dst(%dma_wait3A_287 : memref<10240x128xf32, #tpu.memory_space<vmem_shared>>)
      } else {
      }
      %add3A_155 = arith.constant 1 : i32
      %add3A_156 = arith.addi %add3A_144, %add3A_155 : i32
      %lt3A_157 = arith.constant 128 : i32
      %lt3A_158 = arith.cmpi slt, %add3A_156, %lt3A_157 : i32
      %convert_element_type3A_159 = arith.extui %lt3A_158 : i1 to i32
      %cond3A_160 = arith.constant 0 : i32
      %cond3A_161 = arith.cmpi ne, %convert_element_type3A_159, %cond3A_160 : i32
      scf.if %cond3A_161 {
        %dma_wait3A_285 = arith.constant 0 : i32
        %dma_wait3A_286 = tpu.memref_slice %arg3[%dma_wait3A_285] : memref<327680xi32, #tpu.memory_space<hbm>> -> memref<80xi32, #tpu.memory_space<hbm>>
        %dma_wait3A_287 = arith.constant 0 : i32
        %dma_wait3A_288 = tpu.memref_slice %arg3[%dma_wait3A_287] : memref<327680xi32, #tpu.memory_space<hbm>> -> memref<80xi32, #tpu.memory_space<hbm>>
        tpu.wait_dma2 semaphore(%arg18 : memref<!tpu.dma_semaphore, #tpu.memory_space<semaphore_mem>>) src(%dma_wait3A_288 : memref<80xi32, #tpu.memory_space<hbm>>) dst(%arg7 : memref<80xi32, #tpu.memory_space<vmem>>)
        %dma_wait3A_289 = arith.constant 0 : i32
        %dma_wait3A_290 = tpu.memref_slice %arg3[%dma_wait3A_289] : memref<327680xi32, #tpu.memory_space<hbm>> -> memref<80xi32, #tpu.memory_space<hbm>>
        %dma_wait3A_291 = arith.constant 0 : i32
        %dma_wait3A_292 = tpu.memref_slice %arg3[%dma_wait3A_291] : memref<327680xi32, #tpu.memory_space<hbm>> -> memref<80xi32, #tpu.memory_space<hbm>>
        tpu.wait_dma2 semaphore(%arg18 : memref<!tpu.dma_semaphore, #tpu.memory_space<semaphore_mem>>) src(%dma_wait3A_292 : memref<80xi32, #tpu.memory_space<hbm>>) dst(%arg9 : memref<80xi32, #tpu.memory_space<vmem>>)
        %add3A_293 = arith.constant 1 : i32
        %add3A_294 = arith.addi %add3A_144, %add3A_293 : i32
        %dma_start3A_295 = arith.constant 0 : i32
        %dma_start3A_296 = arith.constant 0 : i32
        %dma_start3A_297 = tpu.memref_slice %arg2[%dma_start3A_295, %dma_start3A_296] : memref<10000x128xf32, #tpu.memory_space<hbm>> -> memref<10000x128xf32, #tpu.memory_space<hbm>>
        tpu.enqueue_indirect_dma source(%dma_start3A_297 : memref<10000x128xf32, #tpu.memory_space<hbm>>) target(%arg13 : memref<80x128xf32, #tpu.memory_space<vmem>>) offsets(%arg7 : memref<80xi32, #tpu.memory_space<vmem>>) semaphore(%arg18 : memref<!tpu.dma_semaphore, #tpu.memory_space<semaphore_mem>>)
      } else {
      }
      %dma_wait3A_162 = arith.constant 0 : i32
      %dma_wait3A_163 = arith.constant 0 : i32
      %dma_wait3A_164 = tpu.memref_slice %arg2[%dma_wait3A_162, %dma_wait3A_163] : memref<10000x128xf32, #tpu.memory_space<hbm>> -> memref<80x128xf32, #tpu.memory_space<hbm>>
      %dma_wait3A_165 = arith.constant 0 : i32
      %dma_wait3A_166 = arith.constant 0 : i32
      %dma_wait3A_167 = tpu.memref_slice %arg2[%dma_wait3A_165, %dma_wait3A_166] : memref<10000x128xf32, #tpu.memory_space<hbm>> -> memref<80x128xf32, #tpu.memory_space<hbm>>
      tpu.wait_dma2 semaphore(%arg19 : memref<!tpu.dma_semaphore, #tpu.memory_space<semaphore_mem>>) src(%dma_wait3A_167 : memref<80x128xf32, #tpu.memory_space<hbm>>) dst(%arg14 : memref<80x128xf32, #tpu.memory_space<vmem>>)
      %scan3A_168 = arith.constant 0 : i32
      %scan3A_169 = arith.constant 0 : i32
      %scan3A_170 = arith.constant 80 : i32
      %scan3A_171 = arith.addi %scan3A_169, %scan3A_170 : i32
      %scan3A_172 = arith.constant 1 : i32
      %scan3A_173 = scf.for %scan3A_285 = %scan3A_169 to %scan3A_171 step %scan3A_172 iter_args(%scan3A_286 = %scan3A_168) -> (i32)  : i32 {
        %mul3A_287 = arith.constant 128 : i32
        %mul3A_288 = arith.muli %scan3A_285, %mul3A_287 : i32
        %add3A_289 = arith.constant 0 : i32
        %add3A_290 = arith.addi %mul3A_288, %add3A_289 : i32
        %get3A = arith.index_cast %add3A_290 : i32 to index
        %get3A_291 = tpu.vector_load %arg11[%get3A] {strides = array<i32>} : memref<10240xi32, #tpu.memory_space<vmem>>, vector<16xi32>,
        %get3A_292 = vector.shape_cast %get3A_291 : vector<16xi32> to vector<16xi32>
        %and3A_293 = arith.constant -65536 : i32
        %and3A_294 = vector.broadcast %and3A_293 : i32 to vector<16xi32>
        %and3A_295 = arith.andi %get3A_292, %and3A_294 : vector<16xi32>
        %bitcast_convert_type3A = tpu.bitcast %and3A_295 : vector<16xi32> -> vector<16xf32>
        %get3A_296 = arith.index_cast %scan3A_285 : i32 to index
        %get3A_297 = arith.constant 0 : index
        %get3A_298 = tpu.vector_load %arg14[%get3A_296, %get3A_297] {strides = array<i32>} : memref<80x128xf32, #tpu.memory_space<vmem>>, vector<1x16xf32>,
        %get3A_299 = vector.shape_cast %get3A_298 : vector<1x16xf32> to vector<16xf32>
        %add3A_300 = arith.addf %bitcast_convert_type3A, %get3A_299 : vector<16xf32>
        %max3A = arith.constant 0.000000e+00 : f32
        %max3A_301 = vector.broadcast %max3A : f32 to vector<16xf32>
        %max3A_302 = arith.maximumf %add3A_300, %max3A_301 : vector<16xf32>
        %swap3A = arith.index_cast %scan3A_285 : i32 to index
        %swap3A_303 = arith.constant 0 : index
        %swap3A_304 = tpu.vector_load %arg14[%swap3A, %swap3A_303] {strides = array<i32>} : memref<80x128xf32, #tpu.memory_space<vmem>>, vector<1x16xf32>,
        %swap3A_305 = vector.shape_cast %swap3A_304 : vector<1x16xf32> to vector<16xf32>
        %swap3A_306 = vector.shape_cast %max3A_302 : vector<16xf32> to vector<1x16xf32>
        tpu.vector_store %arg14[%swap3A, %swap3A_303], %swap3A_306 {strides = array<i32>} : memref<80x128xf32, #tpu.memory_space<vmem>>, vector<1x16xf32>,
        %mul3A_307 = arith.constant 128 : i32
        %mul3A_308 = arith.muli %scan3A_285, %mul3A_307 : i32
        %add3A_309 = arith.constant 16 : i32
        %add3A_310 = arith.addi %mul3A_308, %add3A_309 : i32
        %get3A_311 = arith.index_cast %add3A_310 : i32 to index
        %get3A_312 = tpu.vector_load %arg11[%get3A_311] {strides = array<i32>} : memref<10240xi32, #tpu.memory_space<vmem>>, vector<16xi32>,
        %get3A_313 = vector.shape_cast %get3A_312 : vector<16xi32> to vector<16xi32>
        %and3A_314 = arith.constant -65536 : i32
        %and3A_315 = vector.broadcast %and3A_314 : i32 to vector<16xi32>
        %and3A_316 = arith.andi %get3A_313, %and3A_315 : vector<16xi32>
        %bitcast_convert_type3A_317 = tpu.bitcast %and3A_316 : vector<16xi32> -> vector<16xf32>
        %get3A_318 = arith.index_cast %scan3A_285 : i32 to index
        %get3A_319 = arith.constant 16 : index
        %get3A_320 = tpu.vector_load %arg14[%get3A_318, %get3A_319] {strides = array<i32>} : memref<80x128xf32, #tpu.memory_space<vmem>>, vector<1x16xf32>,
        %get3A_321 = vector.shape_cast %get3A_320 : vector<1x16xf32> to vector<16xf32>
        %add3A_322 = arith.addf %bitcast_convert_type3A_317, %get3A_321 : vector<16xf32>
        %max3A_323 = arith.constant 0.000000e+00 : f32
        %max3A_324 = vector.broadcast %max3A_323 : f32 to vector<16xf32>
        %max3A_325 = arith.maximumf %add3A_322, %max3A_324 : vector<16xf32>
        %swap3A_326 = arith.index_cast %scan3A_285 : i32 to index
        %swap3A_327 = arith.constant 16 : index
        %swap3A_328 = tpu.vector_load %arg14[%swap3A_326, %swap3A_327] {strides = array<i32>} : memref<80x128xf32, #tpu.memory_space<vmem>>, vector<1x16xf32>,
        %swap3A_329 = vector.shape_cast %swap3A_328 : vector<1x16xf32> to vector<16xf32>
        %swap3A_330 = vector.shape_cast %max3A_325 : vector<16xf32> to vector<1x16xf32>
        tpu.vector_store %arg14[%swap3A_326, %swap3A_327], %swap3A_330 {strides = array<i32>} : memref<80x128xf32, #tpu.memory_space<vmem>>, vector<1x16xf32>,
        %mul3A_331 = arith.constant 128 : i32
        %mul3A_332 = arith.muli %scan3A_285, %mul3A_331 : i32
        %add3A_333 = arith.constant 32 : i32
        %add3A_334 = arith.addi %mul3A_332, %add3A_333 : i32
        %get3A_335 = arith.index_cast %add3A_334 : i32 to index
        %get3A_336 = tpu.vector_load %arg11[%get3A_335] {strides = array<i32>} : memref<10240xi32, #tpu.memory_space<vmem>>, vector<16xi32>,
        %get3A_337 = vector.shape_cast %get3A_336 : vector<16xi32> to vector<16xi32>
        %and3A_338 = arith.constant -65536 : i32
        %and3A_339 = vector.broadcast %and3A_338 : i32 to vector<16xi32>
        %and3A_340 = arith.andi %get3A_337, %and3A_339 : vector<16xi32>
        %bitcast_convert_type3A_341 = tpu.bitcast %and3A_340 : vector<16xi32> -> vector<16xf32>
        %get3A_342 = arith.index_cast %scan3A_285 : i32 to index
        %get3A_343 = arith.constant 32 : index
        %get3A_344 = tpu.vector_load %arg14[%get3A_342, %get3A_343] {strides = array<i32>} : memref<80x128xf32, #tpu.memory_space<vmem>>, vector<1x16xf32>,
        %get3A_345 = vector.shape_cast %get3A_344 : vector<1x16xf32> to vector<16xf32>
        %add3A_346 = arith.addf %bitcast_convert_type3A_341, %get3A_345 : vector<16xf32>
        %max3A_347 = arith.constant 0.000000e+00 : f32
        %max3A_348 = vector.broadcast %max3A_347 : f32 to vector<16xf32>
        %max3A_349 = arith.maximumf %add3A_346, %max3A_348 : vector<16xf32>
        %swap3A_350 = arith.index_cast %scan3A_285 : i32 to index
        %swap3A_351 = arith.constant 32 : index
        %swap3A_352 = tpu.vector_load %arg14[%swap3A_350, %swap3A_351] {strides = array<i32>} : memref<80x128xf32, #tpu.memory_space<vmem>>, vector<1x16xf32>,
        %swap3A_353 = vector.shape_cast %swap3A_352 : vector<1x16xf32> to vector<16xf32>
        %swap3A_354 = vector.shape_cast %max3A_349 : vector<16xf32> to vector<1x16xf32>
        tpu.vector_store %arg14[%swap3A_350, %swap3A_351], %swap3A_354 {strides = array<i32>} : memref<80x128xf32, #tpu.memory_space<vmem>>, vector<1x16xf32>,
        %mul3A_355 = arith.constant 128 : i32
        %mul3A_356 = arith.muli %scan3A_285, %mul3A_355 : i32
        %add3A_357 = arith.constant 48 : i32
        %add3A_358 = arith.addi %mul3A_356, %add3A_357 : i32
        %get3A_359 = arith.index_cast %add3A_358 : i32 to index
        %get3A_360 = tpu.vector_load %arg11[%get3A_359] {strides = array<i32>} : memref<10240xi32, #tpu.memory_space<vmem>>, vector<16xi32>,
        %get3A_361 = vector.shape_cast %get3A_360 : vector<16xi32> to vector<16xi32>
        %and3A_362 = arith.constant -65536 : i32
        %and3A_363 = vector.broadcast %and3A_362 : i32 to vector<16xi32>
        %and3A_364 = arith.andi %get3A_361, %and3A_363 : vector<16xi32>
        %bitcast_convert_type3A_365 = tpu.bitcast %and3A_364 : vector<16xi32> -> vector<16xf32>
        %get3A_366 = arith.index_cast %scan3A_285 : i32 to index
        %get3A_367 = arith.constant 48 : index
        %get3A_368 = tpu.vector_load %arg14[%get3A_366, %get3A_367] {strides = array<i32>} : memref<80x128xf32, #tpu.memory_space<vmem>>, vector<1x16xf32>,
        %get3A_369 = vector.shape_cast %get3A_368 : vector<1x16xf32> to vector<16xf32>
        %add3A_370 = arith.addf %bitcast_convert_type3A_365, %get3A_369 : vector<16xf32>
        %max3A_371 = arith.constant 0.000000e+00 : f32
        %max3A_372 = vector.broadcast %max3A_371 : f32 to vector<16xf32>
        %max3A_373 = arith.maximumf %add3A_370, %max3A_372 : vector<16xf32>
        %swap3A_374 = arith.index_cast %scan3A_285 : i32 to index
        %swap3A_375 = arith.constant 48 : index
        %swap3A_376 = tpu.vector_load %arg14[%swap3A_374, %swap3A_375] {strides = array<i32>} : memref<80x128xf32, #tpu.memory_space<vmem>>, vector<1x16xf32>,
        %swap3A_377 = vector.shape_cast %swap3A_376 : vector<1x16xf32> to vector<16xf32>
        %swap3A_378 = vector.shape_cast %max3A_373 : vector<16xf32> to vector<1x16xf32>
        tpu.vector_store %arg14[%swap3A_374, %swap3A_375], %swap3A_378 {strides = array<i32>} : memref<80x128xf32, #tpu.memory_space<vmem>>, vector<1x16xf32>,
        %mul3A_379 = arith.constant 128 : i32
        %mul3A_380 = arith.muli %scan3A_285, %mul3A_379 : i32
        %add3A_381 = arith.constant 64 : i32
        %add3A_382 = arith.addi %mul3A_380, %add3A_381 : i32
        %get3A_383 = arith.index_cast %add3A_382 : i32 to index
        %get3A_384 = tpu.vector_load %arg11[%get3A_383] {strides = array<i32>} : memref<10240xi32, #tpu.memory_space<vmem>>, vector<16xi32>,
        %get3A_385 = vector.shape_cast %get3A_384 : vector<16xi32> to vector<16xi32>
        %and3A_386 = arith.constant -65536 : i32
        %and3A_387 = vector.broadcast %and3A_386 : i32 to vector<16xi32>
        %and3A_388 = arith.andi %get3A_385, %and3A_387 : vector<16xi32>
        %bitcast_convert_type3A_389 = tpu.bitcast %and3A_388 : vector<16xi32> -> vector<16xf32>
        %get3A_390 = arith.index_cast %scan3A_285 : i32 to index
        %get3A_391 = arith.constant 64 : index
        %get3A_392 = tpu.vector_load %arg14[%get3A_390, %get3A_391] {strides = array<i32>} : memref<80x128xf32, #tpu.memory_space<vmem>>, vector<1x16xf32>,
        %get3A_393 = vector.shape_cast %get3A_392 : vector<1x16xf32> to vector<16xf32>
        %add3A_394 = arith.addf %bitcast_convert_type3A_389, %get3A_393 : vector<16xf32>
        %max3A_395 = arith.constant 0.000000e+00 : f32
        %max3A_396 = vector.broadcast %max3A_395 : f32 to vector<16xf32>
        %max3A_397 = arith.maximumf %add3A_394, %max3A_396 : vector<16xf32>
        %swap3A_398 = arith.index_cast %scan3A_285 : i32 to index
        %swap3A_399 = arith.constant 64 : index
        %swap3A_400 = tpu.vector_load %arg14[%swap3A_398, %swap3A_399] {strides = array<i32>} : memref<80x128xf32, #tpu.memory_space<vmem>>, vector<1x16xf32>,
        %swap3A_401 = vector.shape_cast %swap3A_400 : vector<1x16xf32> to vector<16xf32>
        %swap3A_402 = vector.shape_cast %max3A_397 : vector<16xf32> to vector<1x16xf32>
        tpu.vector_store %arg14[%swap3A_398, %swap3A_399], %swap3A_402 {strides = array<i32>} : memref<80x128xf32, #tpu.memory_space<vmem>>, vector<1x16xf32>,
        %mul3A_403 = arith.constant 128 : i32
        %mul3A_404 = arith.muli %scan3A_285, %mul3A_403 : i32
        %add3A_405 = arith.constant 80 : i32
        %add3A_406 = arith.addi %mul3A_404, %add3A_405 : i32
        %get3A_407 = arith.index_cast %add3A_406 : i32 to index
        %get3A_408 = tpu.vector_load %arg11[%get3A_407] {strides = array<i32>} : memref<10240xi32, #tpu.memory_space<vmem>>, vector<16xi32>,
        %get3A_409 = vector.shape_cast %get3A_408 : vector<16xi32> to vector<16xi32>
        %and3A_410 = arith.constant -65536 : i32
        %and3A_411 = vector.broadcast %and3A_410 : i32 to vector<16xi32>
        %and3A_412 = arith.andi %get3A_409, %and3A_411 : vector<16xi32>
        %bitcast_convert_type3A_413 = tpu.bitcast %and3A_412 : vector<16xi32> -> vector<16xf32>
        %get3A_414 = arith.index_cast %scan3A_285 : i32 to index
        %get3A_415 = arith.constant 80 : index
        %get3A_416 = tpu.vector_load %arg14[%get3A_414, %get3A_415] {strides = array<i32>} : memref<80x128xf32, #tpu.memory_space<vmem>>, vector<1x16xf32>,
        %get3A_417 = vector.shape_cast %get3A_416 : vector<1x16xf32> to vector<16xf32>
        %add3A_418 = arith.addf %bitcast_convert_type3A_413, %get3A_417 : vector<16xf32>
        %max3A_419 = arith.constant 0.000000e+00 : f32
        %max3A_420 = vector.broadcast %max3A_419 : f32 to vector<16xf32>
        %max3A_421 = arith.maximumf %add3A_418, %max3A_420 : vector<16xf32>
        %swap3A_422 = arith.index_cast %scan3A_285 : i32 to index
        %swap3A_423 = arith.constant 80 : index
        %swap3A_424 = tpu.vector_load %arg14[%swap3A_422, %swap3A_423] {strides = array<i32>} : memref<80x128xf32, #tpu.memory_space<vmem>>, vector<1x16xf32>,
        %swap3A_425 = vector.shape_cast %swap3A_424 : vector<1x16xf32> to vector<16xf32>
        %swap3A_426 = vector.shape_cast %max3A_421 : vector<16xf32> to vector<1x16xf32>
        tpu.vector_store %arg14[%swap3A_422, %swap3A_423], %swap3A_426 {strides = array<i32>} : memref<80x128xf32, #tpu.memory_space<vmem>>, vector<1x16xf32>,
        %mul3A_427 = arith.constant 128 : i32
        %mul3A_428 = arith.muli %scan3A_285, %mul3A_427 : i32
        %add3A_429 = arith.constant 96 : i32
        %add3A_430 = arith.addi %mul3A_428, %add3A_429 : i32
        %get3A_431 = arith.index_cast %add3A_430 : i32 to index
        %get3A_432 = tpu.vector_load %arg11[%get3A_431] {strides = array<i32>} : memref<10240xi32, #tpu.memory_space<vmem>>, vector<16xi32>,
        %get3A_433 = vector.shape_cast %get3A_432 : vector<16xi32> to vector<16xi32>
        %and3A_434 = arith.constant -65536 : i32
        %and3A_435 = vector.broadcast %and3A_434 : i32 to vector<16xi32>
        %and3A_436 = arith.andi %get3A_433, %and3A_435 : vector<16xi32>
        %bitcast_convert_type3A_437 = tpu.bitcast %and3A_436 : vector<16xi32> -> vector<16xf32>
        %get3A_438 = arith.index_cast %scan3A_285 : i32 to index
        %get3A_439 = arith.constant 96 : index
        %get3A_440 = tpu.vector_load %arg14[%get3A_438, %get3A_439] {strides = array<i32>} : memref<80x128xf32, #tpu.memory_space<vmem>>, vector<1x16xf32>,
        %get3A_441 = vector.shape_cast %get3A_440 : vector<1x16xf32> to vector<16xf32>
        %add3A_442 = arith.addf %bitcast_convert_type3A_437, %get3A_441 : vector<16xf32>
        %max3A_443 = arith.constant 0.000000e+00 : f32
        %max3A_444 = vector.broadcast %max3A_443 : f32 to vector<16xf32>
        %max3A_445 = arith.maximumf %add3A_442, %max3A_444 : vector<16xf32>
        %swap3A_446 = arith.index_cast %scan3A_285 : i32 to index
        %swap3A_447 = arith.constant 96 : index
        %swap3A_448 = tpu.vector_load %arg14[%swap3A_446, %swap3A_447] {strides = array<i32>} : memref<80x128xf32, #tpu.memory_space<vmem>>, vector<1x16xf32>,
        %swap3A_449 = vector.shape_cast %swap3A_448 : vector<1x16xf32> to vector<16xf32>
        %swap3A_450 = vector.shape_cast %max3A_445 : vector<16xf32> to vector<1x16xf32>
        tpu.vector_store %arg14[%swap3A_446, %swap3A_447], %swap3A_450 {strides = array<i32>} : memref<80x128xf32, #tpu.memory_space<vmem>>, vector<1x16xf32>,
        %mul3A_451 = arith.constant 128 : i32
        %mul3A_452 = arith.muli %scan3A_285, %mul3A_451 : i32
        %add3A_453 = arith.constant 112 : i32
        %add3A_454 = arith.addi %mul3A_452, %add3A_453 : i32
        %get3A_455 = arith.index_cast %add3A_454 : i32 to index
        %get3A_456 = tpu.vector_load %arg11[%get3A_455] {strides = array<i32>} : memref<10240xi32, #tpu.memory_space<vmem>>, vector<16xi32>,
        %get3A_457 = vector.shape_cast %get3A_456 : vector<16xi32> to vector<16xi32>
        %and3A_458 = arith.constant -65536 : i32
        %and3A_459 = vector.broadcast %and3A_458 : i32 to vector<16xi32>
        %and3A_460 = arith.andi %get3A_457, %and3A_459 : vector<16xi32>
        %bitcast_convert_type3A_461 = tpu.bitcast %and3A_460 : vector<16xi32> -> vector<16xf32>
        %get3A_462 = arith.index_cast %scan3A_285 : i32 to index
        %get3A_463 = arith.constant 112 : index
        %get3A_464 = tpu.vector_load %arg14[%get3A_462, %get3A_463] {strides = array<i32>} : memref<80x128xf32, #tpu.memory_space<vmem>>, vector<1x16xf32>,
        %get3A_465 = vector.shape_cast %get3A_464 : vector<1x16xf32> to vector<16xf32>
        %add3A_466 = arith.addf %bitcast_convert_type3A_461, %get3A_465 : vector<16xf32>
        %max3A_467 = arith.constant 0.000000e+00 : f32
        %max3A_468 = vector.broadcast %max3A_467 : f32 to vector<16xf32>
        %max3A_469 = arith.maximumf %add3A_466, %max3A_468 : vector<16xf32>
        %swap3A_470 = arith.index_cast %scan3A_285 : i32 to index
        %swap3A_471 = arith.constant 112 : index
        %swap3A_472 = tpu.vector_load %arg14[%swap3A_470, %swap3A_471] {strides = array<i32>} : memref<80x128xf32, #tpu.memory_space<vmem>>, vector<1x16xf32>,
        %swap3A_473 = vector.shape_cast %swap3A_472 : vector<1x16xf32> to vector<16xf32>
        %swap3A_474 = vector.shape_cast %max3A_469 : vector<16xf32> to vector<1x16xf32>
        tpu.vector_store %arg14[%swap3A_470, %swap3A_471], %swap3A_474 {strides = array<i32>} : memref<80x128xf32, #tpu.memory_space<vmem>>, vector<1x16xf32>,
        %scan3A_475 = arith.constant 0 : i32
        scf.yield %scan3A_475 : i32
      }
      %scan3A_174 = arith.constant 80 : i32
      %dma_start3A_175 = arith.constant 0 : i32
      %dma_start3A_176 = arith.constant 0 : i32
      %dma_start3A_177 = tpu.memref_slice %arg15[%dma_start3A_175, %dma_start3A_176] : memref<10240x128xf32, #tpu.memory_space<vmem_shared>> -> memref<10240x128xf32, #tpu.memory_space<vmem_shared>>
      tpu.enqueue_indirect_dma source(%arg14 : memref<80x128xf32, #tpu.memory_space<vmem>>) target(%dma_start3A_177 : memref<10240x128xf32, #tpu.memory_space<vmem_shared>>) offsets(%arg10 : memref<80xi32, #tpu.memory_space<vmem>>) semaphore(%arg21 : memref<!tpu.dma_semaphore, #tpu.memory_space<semaphore_mem>>) {add = true}
      %add3A_178 = arith.constant 2 : i32
      %add3A_179 = arith.addi %add3A_144, %add3A_178 : i32
      %lt3A_180 = arith.constant 128 : i32
      %lt3A_181 = arith.cmpi slt, %add3A_179, %lt3A_180 : i32
      %convert_element_type3A_182 = arith.extui %lt3A_181 : i1 to i32
      %cond3A_183 = arith.constant 0 : i32
      %cond3A_184 = arith.cmpi ne, %convert_element_type3A_182, %cond3A_183 : i32
      scf.if %cond3A_184 {
        %add3A_285 = arith.constant 2 : i32
        %add3A_286 = arith.addi %add3A_144, %add3A_285 : i32
        %jit3A = arith.constant 2 : i32
        %eq3A = arith.constant 0 : i32
        %eq3A_287 = arith.cmpi eq, %jit3A, %eq3A : i32
        %jit3A_288 = arith.constant 1 : i32
        %select_n3A = arith.select %eq3A_287, %jit3A_288, %jit3A : i32
        %rem3A = arith.remsi %add3A_286, %select_n3A : i32
        %ne3A = arith.constant 0 : i32
        %ne3A_289 = arith.cmpi ne, %rem3A, %ne3A : i32
        %lt3A_290 = arith.constant 0 : i32
        %lt3A_291 = arith.cmpi slt, %rem3A, %lt3A_290 : i32
        %lt3A_292 = arith.constant 0 : i32
        %lt3A_293 = arith.cmpi slt, %select_n3A, %lt3A_292 : i32
        %ne3A_294 = arith.xori %lt3A_291, %lt3A_293 : i1
        %and3A_295 = arith.andi %ne3A_294, %ne3A_289 : i1
        %add3A_296 = arith.addi %rem3A, %select_n3A : i32
        %select_n3A_297 = arith.select %and3A_295, %add3A_296, %rem3A : i32
        %mul3A_298 = arith.constant 5120 : i32
        %mul3A_299 = arith.muli %select_n3A_297, %mul3A_298 : i32
        %add3A_300 = arith.addi %mul3A_2, %mul3A_299 : i32
        %jit3A_301 = arith.constant 2 : i32
        %div3A = arith.divsi %add3A_286, %jit3A_301 : i32
        %sign3A = arith.constant 0 : i32
        %sign3A_302 = arith.cmpi sgt, %add3A_286, %sign3A : i32
        %sign3A_303 = arith.extui %sign3A_302 : i1 to i32
        %sign3A_304 = arith.constant 0 : i32
        %sign3A_305 = arith.cmpi slt, %add3A_286, %sign3A_304 : i32
        %sign3A_306 = arith.extui %sign3A_305 : i1 to i32
        %sign3A_307 = arith.subi %sign3A_303, %sign3A_306 : i32
        %sign3A_308 = arith.constant 0 : i32
        %sign3A_309 = arith.cmpi sgt, %jit3A_301, %sign3A_308 : i32
        %sign3A_310 = arith.extui %sign3A_309 : i1 to i32
        %sign3A_311 = arith.constant 0 : i32
        %sign3A_312 = arith.cmpi slt, %jit3A_301, %sign3A_311 : i32
        %sign3A_313 = arith.extui %sign3A_312 : i1 to i32
        %sign3A_314 = arith.subi %sign3A_310, %sign3A_313 : i32
        %ne3A_315 = arith.cmpi ne, %sign3A_307, %sign3A_314 : i32
        %rem3A_316 = arith.remsi %add3A_286, %jit3A_301 : i32
        %ne3A_317 = arith.constant 0 : i32
        %ne3A_318 = arith.cmpi ne, %rem3A_316, %ne3A_317 : i32
        %and3A_319 = arith.andi %ne3A_315, %ne3A_318 : i1
        %sub3A = arith.constant 1 : i32
        %sub3A_320 = arith.subi %div3A, %sub3A : i32
        %select_n3A_321 = arith.select %and3A_319, %sub3A_320, %div3A : i32
        %mul3A_322 = arith.constant 80 : i32
        %mul3A_323 = arith.muli %select_n3A_321, %mul3A_322 : i32
        %add3A_324 = arith.addi %add3A_300, %mul3A_323 : i32
        %dma_start3A_325 = tpu.memref_slice %arg3[%add3A_324] : memref<327680xi32, #tpu.memory_space<hbm>> -> memref<80xi32, #tpu.memory_space<hbm>>
        %dma_start3A_326 = tpu.memref_slice %arg3[%add3A_324] : memref<327680xi32, #tpu.memory_space<hbm>> -> memref<80xi32, #tpu.memory_space<hbm>>
        tpu.enqueue_dma source(%dma_start3A_326 : memref<80xi32, #tpu.memory_space<hbm>>) target(%arg8 : memref<80xi32, #tpu.memory_space<vmem>>) target_semaphore(%arg19 : memref<!tpu.dma_semaphore, #tpu.memory_space<semaphore_mem>>)
        %dma_start3A_327 = tpu.memref_slice %arg4[%add3A_324] : memref<327680xi32, #tpu.memory_space<hbm>> -> memref<80xi32, #tpu.memory_space<hbm>>
        %dma_start3A_328 = tpu.memref_slice %arg4[%add3A_324] : memref<327680xi32, #tpu.memory_space<hbm>> -> memref<80xi32, #tpu.memory_space<hbm>>
        tpu.enqueue_dma source(%dma_start3A_328 : memref<80xi32, #tpu.memory_space<hbm>>) target(%arg10 : memref<80xi32, #tpu.memory_space<vmem>>) target_semaphore(%arg19 : memref<!tpu.dma_semaphore, #tpu.memory_space<semaphore_mem>>)
      } else {
      }
      %mul3A_185 = arith.constant 4 : i32
      %mul3A_186 = arith.muli %scan3A_89, %mul3A_185 : i32
      %add3A_187 = arith.constant 2 : i32
      %add3A_188 = arith.addi %mul3A_186, %add3A_187 : i32
      %add3A_189 = arith.constant 1 : i32
      %add3A_190 = arith.addi %add3A_188, %add3A_189 : i32
      %lt3A_191 = arith.constant 128 : i32
      %lt3A_192 = arith.cmpi slt, %add3A_190, %lt3A_191 : i32
      %ge3A_193 = arith.constant 1 : i32
      %ge3A_194 = arith.cmpi sge, %add3A_188, %ge3A_193 : i32
      %and3A_195 = arith.andi %lt3A_192, %ge3A_194 : i1
      %convert_element_type3A_196 = arith.extui %and3A_195 : i1 to i32
      %cond3A_197 = arith.constant 0 : i32
      %cond3A_198 = arith.cmpi ne, %convert_element_type3A_196, %cond3A_197 : i32
      scf.if %cond3A_198 {
        %dma_wait3A_285 = arith.constant 0 : i32
        %dma_wait3A_286 = arith.constant 0 : i32
        %dma_wait3A_287 = tpu.memref_slice %arg15[%dma_wait3A_285, %dma_wait3A_286] : memref<10240x128xf32, #tpu.memory_space<vmem_shared>> -> memref<10240x128xf32, #tpu.memory_space<vmem_shared>>
        tpu.wait_indirect_dma semaphore(%arg21 : memref<!tpu.dma_semaphore, #tpu.memory_space<semaphore_mem>>) src(%arg14 : memref<80x128xf32, #tpu.memory_space<vmem>>) dst(%dma_wait3A_287 : memref<10240x128xf32, #tpu.memory_space<vmem_shared>>)
      } else {
      }
      %add3A_199 = arith.constant 1 : i32
      %add3A_200 = arith.addi %add3A_188, %add3A_199 : i32
      %lt3A_201 = arith.constant 128 : i32
      %lt3A_202 = arith.cmpi slt, %add3A_200, %lt3A_201 : i32
      %convert_element_type3A_203 = arith.extui %lt3A_202 : i1 to i32
      %cond3A_204 = arith.constant 0 : i32
      %cond3A_205 = arith.cmpi ne, %convert_element_type3A_203, %cond3A_204 : i32
      scf.if %cond3A_205 {
        %dma_wait3A_285 = arith.constant 0 : i32
        %dma_wait3A_286 = tpu.memref_slice %arg3[%dma_wait3A_285] : memref<327680xi32, #tpu.memory_space<hbm>> -> memref<80xi32, #tpu.memory_space<hbm>>
        %dma_wait3A_287 = arith.constant 0 : i32
        %dma_wait3A_288 = tpu.memref_slice %arg3[%dma_wait3A_287] : memref<327680xi32, #tpu.memory_space<hbm>> -> memref<80xi32, #tpu.memory_space<hbm>>
        tpu.wait_dma2 semaphore(%arg19 : memref<!tpu.dma_semaphore, #tpu.memory_space<semaphore_mem>>) src(%dma_wait3A_288 : memref<80xi32, #tpu.memory_space<hbm>>) dst(%arg8 : memref<80xi32, #tpu.memory_space<vmem>>)
        %dma_wait3A_289 = arith.constant 0 : i32
        %dma_wait3A_290 = tpu.memref_slice %arg3[%dma_wait3A_289] : memref<327680xi32, #tpu.memory_space<hbm>> -> memref<80xi32, #tpu.memory_space<hbm>>
        %dma_wait3A_291 = arith.constant 0 : i32
        %dma_wait3A_292 = tpu.memref_slice %arg3[%dma_wait3A_291] : memref<327680xi32, #tpu.memory_space<hbm>> -> memref<80xi32, #tpu.memory_space<hbm>>
        tpu.wait_dma2 semaphore(%arg19 : memref<!tpu.dma_semaphore, #tpu.memory_space<semaphore_mem>>) src(%dma_wait3A_292 : memref<80xi32, #tpu.memory_space<hbm>>) dst(%arg10 : memref<80xi32, #tpu.memory_space<vmem>>)
        %add3A_293 = arith.constant 1 : i32
        %add3A_294 = arith.addi %add3A_188, %add3A_293 : i32
        %dma_start3A_295 = arith.constant 0 : i32
        %dma_start3A_296 = arith.constant 0 : i32
        %dma_start3A_297 = tpu.memref_slice %arg2[%dma_start3A_295, %dma_start3A_296] : memref<10000x128xf32, #tpu.memory_space<hbm>> -> memref<10000x128xf32, #tpu.memory_space<hbm>>
        tpu.enqueue_indirect_dma source(%dma_start3A_297 : memref<10000x128xf32, #tpu.memory_space<hbm>>) target(%arg14 : memref<80x128xf32, #tpu.memory_space<vmem>>) offsets(%arg8 : memref<80xi32, #tpu.memory_space<vmem>>) semaphore(%arg19 : memref<!tpu.dma_semaphore, #tpu.memory_space<semaphore_mem>>)
      } else {
      }
      %dma_wait3A_206 = arith.constant 0 : i32
      %dma_wait3A_207 = tpu.memref_slice %arg5[%dma_wait3A_206] : memref<20971520xi32, #tpu.memory_space<hbm>> -> memref<10240xi32, #tpu.memory_space<hbm>>
      %dma_wait3A_208 = arith.constant 0 : i32
      %dma_wait3A_209 = tpu.memref_slice %arg5[%dma_wait3A_208] : memref<20971520xi32, #tpu.memory_space<hbm>> -> memref<10240xi32, #tpu.memory_space<hbm>>
      tpu.wait_dma2 semaphore(%arg17 : memref<!tpu.dma_semaphore, #tpu.memory_space<semaphore_mem>>) src(%dma_wait3A_209 : memref<10240xi32, #tpu.memory_space<hbm>>) dst(%arg12 : memref<10240xi32, #tpu.memory_space<vmem>>)
      %add3A_210 = arith.constant 2 : i32
      %add3A_211 = arith.addi %add3A_188, %add3A_210 : i32
      %lt3A_212 = arith.constant 128 : i32
      %lt3A_213 = arith.cmpi slt, %add3A_211, %lt3A_212 : i32
      %convert_element_type3A_214 = arith.extui %lt3A_213 : i1 to i32
      %cond3A_215 = arith.constant 0 : i32
      %cond3A_216 = arith.cmpi ne, %convert_element_type3A_214, %cond3A_215 : i32
      scf.if %cond3A_216 {
        %jit3A = arith.constant 2 : i32
        %div3A = arith.divsi %add3A_188, %jit3A : i32
        %sign3A = arith.constant 0 : i32
        %sign3A_285 = arith.cmpi sgt, %add3A_188, %sign3A : i32
        %sign3A_286 = arith.extui %sign3A_285 : i1 to i32
        %sign3A_287 = arith.constant 0 : i32
        %sign3A_288 = arith.cmpi slt, %add3A_188, %sign3A_287 : i32
        %sign3A_289 = arith.extui %sign3A_288 : i1 to i32
        %sign3A_290 = arith.subi %sign3A_286, %sign3A_289 : i32
        %sign3A_291 = arith.constant 0 : i32
        %sign3A_292 = arith.cmpi sgt, %jit3A, %sign3A_291 : i32
        %sign3A_293 = arith.extui %sign3A_292 : i1 to i32
        %sign3A_294 = arith.constant 0 : i32
        %sign3A_295 = arith.cmpi slt, %jit3A, %sign3A_294 : i32
        %sign3A_296 = arith.extui %sign3A_295 : i1 to i32
        %sign3A_297 = arith.subi %sign3A_293, %sign3A_296 : i32
        %ne3A = arith.cmpi ne, %sign3A_290, %sign3A_297 : i32
        %rem3A = arith.remsi %add3A_188, %jit3A : i32
        %ne3A_298 = arith.constant 0 : i32
        %ne3A_299 = arith.cmpi ne, %rem3A, %ne3A_298 : i32
        %and3A_300 = arith.andi %ne3A, %ne3A_299 : i1
        %sub3A = arith.constant 1 : i32
        %sub3A_301 = arith.subi %div3A, %sub3A : i32
        %select_n3A = arith.select %and3A_300, %sub3A_301, %div3A : i32
        %add3A_302 = arith.constant 1 : i32
        %add3A_303 = arith.addi %select_n3A, %add3A_302 : i32
        %mul3A_304 = arith.constant 10240 : i32
        %mul3A_305 = arith.muli %add3A_303, %mul3A_304 : i32
        %add3A_306 = arith.addi %mul3A_43, %mul3A_305 : i32
        %dma_start3A_307 = tpu.memref_slice %arg5[%add3A_306] : memref<20971520xi32, #tpu.memory_space<hbm>> -> memref<10240xi32, #tpu.memory_space<hbm>>
        %dma_start3A_308 = tpu.memref_slice %arg5[%add3A_306] : memref<20971520xi32, #tpu.memory_space<hbm>> -> memref<10240xi32, #tpu.memory_space<hbm>>
        tpu.enqueue_dma source(%dma_start3A_308 : memref<10240xi32, #tpu.memory_space<hbm>>) target(%arg11 : memref<10240xi32, #tpu.memory_space<vmem>>) target_semaphore(%arg16 : memref<!tpu.dma_semaphore, #tpu.memory_space<semaphore_mem>>)
      } else {
      }
      %dma_wait3A_217 = arith.constant 0 : i32
      %dma_wait3A_218 = arith.constant 0 : i32
      %dma_wait3A_219 = tpu.memref_slice %arg2[%dma_wait3A_217, %dma_wait3A_218] : memref<10000x128xf32, #tpu.memory_space<hbm>> -> memref<80x128xf32, #tpu.memory_space<hbm>>
      %dma_wait3A_220 = arith.constant 0 : i32
      %dma_wait3A_221 = arith.constant 0 : i32
      %dma_wait3A_222 = tpu.memref_slice %arg2[%dma_wait3A_220, %dma_wait3A_221] : memref<10000x128xf32, #tpu.memory_space<hbm>> -> memref<80x128xf32, #tpu.memory_space<hbm>>
      tpu.wait_dma2 semaphore(%arg18 : memref<!tpu.dma_semaphore, #tpu.memory_space<semaphore_mem>>) src(%dma_wait3A_222 : memref<80x128xf32, #tpu.memory_space<hbm>>) dst(%arg13 : memref<80x128xf32, #tpu.memory_space<vmem>>)
      %scan3A_223 = arith.constant 0 : i32
      %scan3A_224 = arith.constant 0 : i32
      %scan3A_225 = arith.constant 80 : i32
      %scan3A_226 = arith.addi %scan3A_224, %scan3A_225 : i32
      %scan3A_227 = arith.constant 1 : i32
      %scan3A_228 = scf.for %scan3A_285 = %scan3A_224 to %scan3A_226 step %scan3A_227 iter_args(%scan3A_286 = %scan3A_223) -> (i32)  : i32 {
        %mul3A_287 = arith.constant 128 : i32
        %mul3A_288 = arith.muli %scan3A_285, %mul3A_287 : i32
        %add3A_289 = arith.constant 0 : i32
        %add3A_290 = arith.addi %mul3A_288, %add3A_289 : i32
        %get3A = arith.index_cast %add3A_290 : i32 to index
        %get3A_291 = tpu.vector_load %arg12[%get3A] {strides = array<i32>} : memref<10240xi32, #tpu.memory_space<vmem>>, vector<16xi32>,
        %get3A_292 = vector.shape_cast %get3A_291 : vector<16xi32> to vector<16xi32>
        %shift_left3A = arith.constant 16 : i32
        %shift_left3A_293 = vector.broadcast %shift_left3A : i32 to vector<16xi32>
        %shift_left3A_294 = arith.shli %get3A_292, %shift_left3A_293 : vector<16xi32>
        %bitcast_convert_type3A = tpu.bitcast %shift_left3A_294 : vector<16xi32> -> vector<16xf32>
        %get3A_295 = arith.index_cast %scan3A_285 : i32 to index
        %get3A_296 = arith.constant 0 : index
        %get3A_297 = tpu.vector_load %arg13[%get3A_295, %get3A_296] {strides = array<i32>} : memref<80x128xf32, #tpu.memory_space<vmem>>, vector<1x16xf32>,
        %get3A_298 = vector.shape_cast %get3A_297 : vector<1x16xf32> to vector<16xf32>
        %add3A_299 = arith.addf %bitcast_convert_type3A, %get3A_298 : vector<16xf32>
        %max3A = arith.constant 0.000000e+00 : f32
        %max3A_300 = vector.broadcast %max3A : f32 to vector<16xf32>
        %max3A_301 = arith.maximumf %add3A_299, %max3A_300 : vector<16xf32>
        %swap3A = arith.index_cast %scan3A_285 : i32 to index
        %swap3A_302 = arith.constant 0 : index
        %swap3A_303 = tpu.vector_load %arg13[%swap3A, %swap3A_302] {strides = array<i32>} : memref<80x128xf32, #tpu.memory_space<vmem>>, vector<1x16xf32>,
        %swap3A_304 = vector.shape_cast %swap3A_303 : vector<1x16xf32> to vector<16xf32>
        %swap3A_305 = vector.shape_cast %max3A_301 : vector<16xf32> to vector<1x16xf32>
        tpu.vector_store %arg13[%swap3A, %swap3A_302], %swap3A_305 {strides = array<i32>} : memref<80x128xf32, #tpu.memory_space<vmem>>, vector<1x16xf32>,
        %mul3A_306 = arith.constant 128 : i32
        %mul3A_307 = arith.muli %scan3A_285, %mul3A_306 : i32
        %add3A_308 = arith.constant 16 : i32
        %add3A_309 = arith.addi %mul3A_307, %add3A_308 : i32
        %get3A_310 = arith.index_cast %add3A_309 : i32 to index
        %get3A_311 = tpu.vector_load %arg12[%get3A_310] {strides = array<i32>} : memref<10240xi32, #tpu.memory_space<vmem>>, vector<16xi32>,
        %get3A_312 = vector.shape_cast %get3A_311 : vector<16xi32> to vector<16xi32>
        %shift_left3A_313 = arith.constant 16 : i32
        %shift_left3A_314 = vector.broadcast %shift_left3A_313 : i32 to vector<16xi32>
        %shift_left3A_315 = arith.shli %get3A_312, %shift_left3A_314 : vector<16xi32>
        %bitcast_convert_type3A_316 = tpu.bitcast %shift_left3A_315 : vector<16xi32> -> vector<16xf32>
        %get3A_317 = arith.index_cast %scan3A_285 : i32 to index
        %get3A_318 = arith.constant 16 : index
        %get3A_319 = tpu.vector_load %arg13[%get3A_317, %get3A_318] {strides = array<i32>} : memref<80x128xf32, #tpu.memory_space<vmem>>, vector<1x16xf32>,
        %get3A_320 = vector.shape_cast %get3A_319 : vector<1x16xf32> to vector<16xf32>
        %add3A_321 = arith.addf %bitcast_convert_type3A_316, %get3A_320 : vector<16xf32>
        %max3A_322 = arith.constant 0.000000e+00 : f32
        %max3A_323 = vector.broadcast %max3A_322 : f32 to vector<16xf32>
        %max3A_324 = arith.maximumf %add3A_321, %max3A_323 : vector<16xf32>
        %swap3A_325 = arith.index_cast %scan3A_285 : i32 to index
        %swap3A_326 = arith.constant 16 : index
        %swap3A_327 = tpu.vector_load %arg13[%swap3A_325, %swap3A_326] {strides = array<i32>} : memref<80x128xf32, #tpu.memory_space<vmem>>, vector<1x16xf32>,
        %swap3A_328 = vector.shape_cast %swap3A_327 : vector<1x16xf32> to vector<16xf32>
        %swap3A_329 = vector.shape_cast %max3A_324 : vector<16xf32> to vector<1x16xf32>
        tpu.vector_store %arg13[%swap3A_325, %swap3A_326], %swap3A_329 {strides = array<i32>} : memref<80x128xf32, #tpu.memory_space<vmem>>, vector<1x16xf32>,
        %mul3A_330 = arith.constant 128 : i32
        %mul3A_331 = arith.muli %scan3A_285, %mul3A_330 : i32
        %add3A_332 = arith.constant 32 : i32
        %add3A_333 = arith.addi %mul3A_331, %add3A_332 : i32
        %get3A_334 = arith.index_cast %add3A_333 : i32 to index
        %get3A_335 = tpu.vector_load %arg12[%get3A_334] {strides = array<i32>} : memref<10240xi32, #tpu.memory_space<vmem>>, vector<16xi32>,
        %get3A_336 = vector.shape_cast %get3A_335 : vector<16xi32> to vector<16xi32>
        %shift_left3A_337 = arith.constant 16 : i32
        %shift_left3A_338 = vector.broadcast %shift_left3A_337 : i32 to vector<16xi32>
        %shift_left3A_339 = arith.shli %get3A_336, %shift_left3A_338 : vector<16xi32>
        %bitcast_convert_type3A_340 = tpu.bitcast %shift_left3A_339 : vector<16xi32> -> vector<16xf32>
        %get3A_341 = arith.index_cast %scan3A_285 : i32 to index
        %get3A_342 = arith.constant 32 : index
        %get3A_343 = tpu.vector_load %arg13[%get3A_341, %get3A_342] {strides = array<i32>} : memref<80x128xf32, #tpu.memory_space<vmem>>, vector<1x16xf32>,
        %get3A_344 = vector.shape_cast %get3A_343 : vector<1x16xf32> to vector<16xf32>
        %add3A_345 = arith.addf %bitcast_convert_type3A_340, %get3A_344 : vector<16xf32>
        %max3A_346 = arith.constant 0.000000e+00 : f32
        %max3A_347 = vector.broadcast %max3A_346 : f32 to vector<16xf32>
        %max3A_348 = arith.maximumf %add3A_345, %max3A_347 : vector<16xf32>
        %swap3A_349 = arith.index_cast %scan3A_285 : i32 to index
        %swap3A_350 = arith.constant 32 : index
        %swap3A_351 = tpu.vector_load %arg13[%swap3A_349, %swap3A_350] {strides = array<i32>} : memref<80x128xf32, #tpu.memory_space<vmem>>, vector<1x16xf32>,
        %swap3A_352 = vector.shape_cast %swap3A_351 : vector<1x16xf32> to vector<16xf32>
        %swap3A_353 = vector.shape_cast %max3A_348 : vector<16xf32> to vector<1x16xf32>
        tpu.vector_store %arg13[%swap3A_349, %swap3A_350], %swap3A_353 {strides = array<i32>} : memref<80x128xf32, #tpu.memory_space<vmem>>, vector<1x16xf32>,
        %mul3A_354 = arith.constant 128 : i32
        %mul3A_355 = arith.muli %scan3A_285, %mul3A_354 : i32
        %add3A_356 = arith.constant 48 : i32
        %add3A_357 = arith.addi %mul3A_355, %add3A_356 : i32
        %get3A_358 = arith.index_cast %add3A_357 : i32 to index
        %get3A_359 = tpu.vector_load %arg12[%get3A_358] {strides = array<i32>} : memref<10240xi32, #tpu.memory_space<vmem>>, vector<16xi32>,
        %get3A_360 = vector.shape_cast %get3A_359 : vector<16xi32> to vector<16xi32>
        %shift_left3A_361 = arith.constant 16 : i32
        %shift_left3A_362 = vector.broadcast %shift_left3A_361 : i32 to vector<16xi32>
        %shift_left3A_363 = arith.shli %get3A_360, %shift_left3A_362 : vector<16xi32>
        %bitcast_convert_type3A_364 = tpu.bitcast %shift_left3A_363 : vector<16xi32> -> vector<16xf32>
        %get3A_365 = arith.index_cast %scan3A_285 : i32 to index
        %get3A_366 = arith.constant 48 : index
        %get3A_367 = tpu.vector_load %arg13[%get3A_365, %get3A_366] {strides = array<i32>} : memref<80x128xf32, #tpu.memory_space<vmem>>, vector<1x16xf32>,
        %get3A_368 = vector.shape_cast %get3A_367 : vector<1x16xf32> to vector<16xf32>
        %add3A_369 = arith.addf %bitcast_convert_type3A_364, %get3A_368 : vector<16xf32>
        %max3A_370 = arith.constant 0.000000e+00 : f32
        %max3A_371 = vector.broadcast %max3A_370 : f32 to vector<16xf32>
        %max3A_372 = arith.maximumf %add3A_369, %max3A_371 : vector<16xf32>
        %swap3A_373 = arith.index_cast %scan3A_285 : i32 to index
        %swap3A_374 = arith.constant 48 : index
        %swap3A_375 = tpu.vector_load %arg13[%swap3A_373, %swap3A_374] {strides = array<i32>} : memref<80x128xf32, #tpu.memory_space<vmem>>, vector<1x16xf32>,
        %swap3A_376 = vector.shape_cast %swap3A_375 : vector<1x16xf32> to vector<16xf32>
        %swap3A_377 = vector.shape_cast %max3A_372 : vector<16xf32> to vector<1x16xf32>
        tpu.vector_store %arg13[%swap3A_373, %swap3A_374], %swap3A_377 {strides = array<i32>} : memref<80x128xf32, #tpu.memory_space<vmem>>, vector<1x16xf32>,
        %mul3A_378 = arith.constant 128 : i32
        %mul3A_379 = arith.muli %scan3A_285, %mul3A_378 : i32
        %add3A_380 = arith.constant 64 : i32
        %add3A_381 = arith.addi %mul3A_379, %add3A_380 : i32
        %get3A_382 = arith.index_cast %add3A_381 : i32 to index
        %get3A_383 = tpu.vector_load %arg12[%get3A_382] {strides = array<i32>} : memref<10240xi32, #tpu.memory_space<vmem>>, vector<16xi32>,
        %get3A_384 = vector.shape_cast %get3A_383 : vector<16xi32> to vector<16xi32>
        %shift_left3A_385 = arith.constant 16 : i32
        %shift_left3A_386 = vector.broadcast %shift_left3A_385 : i32 to vector<16xi32>
        %shift_left3A_387 = arith.shli %get3A_384, %shift_left3A_386 : vector<16xi32>
        %bitcast_convert_type3A_388 = tpu.bitcast %shift_left3A_387 : vector<16xi32> -> vector<16xf32>
        %get3A_389 = arith.index_cast %scan3A_285 : i32 to index
        %get3A_390 = arith.constant 64 : index
        %get3A_391 = tpu.vector_load %arg13[%get3A_389, %get3A_390] {strides = array<i32>} : memref<80x128xf32, #tpu.memory_space<vmem>>, vector<1x16xf32>,
        %get3A_392 = vector.shape_cast %get3A_391 : vector<1x16xf32> to vector<16xf32>
        %add3A_393 = arith.addf %bitcast_convert_type3A_388, %get3A_392 : vector<16xf32>
        %max3A_394 = arith.constant 0.000000e+00 : f32
        %max3A_395 = vector.broadcast %max3A_394 : f32 to vector<16xf32>
        %max3A_396 = arith.maximumf %add3A_393, %max3A_395 : vector<16xf32>
        %swap3A_397 = arith.index_cast %scan3A_285 : i32 to index
        %swap3A_398 = arith.constant 64 : index
        %swap3A_399 = tpu.vector_load %arg13[%swap3A_397, %swap3A_398] {strides = array<i32>} : memref<80x128xf32, #tpu.memory_space<vmem>>, vector<1x16xf32>,
        %swap3A_400 = vector.shape_cast %swap3A_399 : vector<1x16xf32> to vector<16xf32>
        %swap3A_401 = vector.shape_cast %max3A_396 : vector<16xf32> to vector<1x16xf32>
        tpu.vector_store %arg13[%swap3A_397, %swap3A_398], %swap3A_401 {strides = array<i32>} : memref<80x128xf32, #tpu.memory_space<vmem>>, vector<1x16xf32>,
        %mul3A_402 = arith.constant 128 : i32
        %mul3A_403 = arith.muli %scan3A_285, %mul3A_402 : i32
        %add3A_404 = arith.constant 80 : i32
        %add3A_405 = arith.addi %mul3A_403, %add3A_404 : i32
        %get3A_406 = arith.index_cast %add3A_405 : i32 to index
        %get3A_407 = tpu.vector_load %arg12[%get3A_406] {strides = array<i32>} : memref<10240xi32, #tpu.memory_space<vmem>>, vector<16xi32>,
        %get3A_408 = vector.shape_cast %get3A_407 : vector<16xi32> to vector<16xi32>
        %shift_left3A_409 = arith.constant 16 : i32
        %shift_left3A_410 = vector.broadcast %shift_left3A_409 : i32 to vector<16xi32>
        %shift_left3A_411 = arith.shli %get3A_408, %shift_left3A_410 : vector<16xi32>
        %bitcast_convert_type3A_412 = tpu.bitcast %shift_left3A_411 : vector<16xi32> -> vector<16xf32>
        %get3A_413 = arith.index_cast %scan3A_285 : i32 to index
        %get3A_414 = arith.constant 80 : index
        %get3A_415 = tpu.vector_load %arg13[%get3A_413, %get3A_414] {strides = array<i32>} : memref<80x128xf32, #tpu.memory_space<vmem>>, vector<1x16xf32>,
        %get3A_416 = vector.shape_cast %get3A_415 : vector<1x16xf32> to vector<16xf32>
        %add3A_417 = arith.addf %bitcast_convert_type3A_412, %get3A_416 : vector<16xf32>
        %max3A_418 = arith.constant 0.000000e+00 : f32
        %max3A_419 = vector.broadcast %max3A_418 : f32 to vector<16xf32>
        %max3A_420 = arith.maximumf %add3A_417, %max3A_419 : vector<16xf32>
        %swap3A_421 = arith.index_cast %scan3A_285 : i32 to index
        %swap3A_422 = arith.constant 80 : index
        %swap3A_423 = tpu.vector_load %arg13[%swap3A_421, %swap3A_422] {strides = array<i32>} : memref<80x128xf32, #tpu.memory_space<vmem>>, vector<1x16xf32>,
        %swap3A_424 = vector.shape_cast %swap3A_423 : vector<1x16xf32> to vector<16xf32>
        %swap3A_425 = vector.shape_cast %max3A_420 : vector<16xf32> to vector<1x16xf32>
        tpu.vector_store %arg13[%swap3A_421, %swap3A_422], %swap3A_425 {strides = array<i32>} : memref<80x128xf32, #tpu.memory_space<vmem>>, vector<1x16xf32>,
        %mul3A_426 = arith.constant 128 : i32
        %mul3A_427 = arith.muli %scan3A_285, %mul3A_426 : i32
        %add3A_428 = arith.constant 96 : i32
        %add3A_429 = arith.addi %mul3A_427, %add3A_428 : i32
        %get3A_430 = arith.index_cast %add3A_429 : i32 to index
        %get3A_431 = tpu.vector_load %arg12[%get3A_430] {strides = array<i32>} : memref<10240xi32, #tpu.memory_space<vmem>>, vector<16xi32>,
        %get3A_432 = vector.shape_cast %get3A_431 : vector<16xi32> to vector<16xi32>
        %shift_left3A_433 = arith.constant 16 : i32
        %shift_left3A_434 = vector.broadcast %shift_left3A_433 : i32 to vector<16xi32>
        %shift_left3A_435 = arith.shli %get3A_432, %shift_left3A_434 : vector<16xi32>
        %bitcast_convert_type3A_436 = tpu.bitcast %shift_left3A_435 : vector<16xi32> -> vector<16xf32>
        %get3A_437 = arith.index_cast %scan3A_285 : i32 to index
        %get3A_438 = arith.constant 96 : index
        %get3A_439 = tpu.vector_load %arg13[%get3A_437, %get3A_438] {strides = array<i32>} : memref<80x128xf32, #tpu.memory_space<vmem>>, vector<1x16xf32>,
        %get3A_440 = vector.shape_cast %get3A_439 : vector<1x16xf32> to vector<16xf32>
        %add3A_441 = arith.addf %bitcast_convert_type3A_436, %get3A_440 : vector<16xf32>
        %max3A_442 = arith.constant 0.000000e+00 : f32
        %max3A_443 = vector.broadcast %max3A_442 : f32 to vector<16xf32>
        %max3A_444 = arith.maximumf %add3A_441, %max3A_443 : vector<16xf32>
        %swap3A_445 = arith.index_cast %scan3A_285 : i32 to index
        %swap3A_446 = arith.constant 96 : index
        %swap3A_447 = tpu.vector_load %arg13[%swap3A_445, %swap3A_446] {strides = array<i32>} : memref<80x128xf32, #tpu.memory_space<vmem>>, vector<1x16xf32>,
        %swap3A_448 = vector.shape_cast %swap3A_447 : vector<1x16xf32> to vector<16xf32>
        %swap3A_449 = vector.shape_cast %max3A_444 : vector<16xf32> to vector<1x16xf32>
        tpu.vector_store %arg13[%swap3A_445, %swap3A_446], %swap3A_449 {strides = array<i32>} : memref<80x128xf32, #tpu.memory_space<vmem>>, vector<1x16xf32>,
        %mul3A_450 = arith.constant 128 : i32
        %mul3A_451 = arith.muli %scan3A_285, %mul3A_450 : i32
        %add3A_452 = arith.constant 112 : i32
        %add3A_453 = arith.addi %mul3A_451, %add3A_452 : i32
        %get3A_454 = arith.index_cast %add3A_453 : i32 to index
        %get3A_455 = tpu.vector_load %arg12[%get3A_454] {strides = array<i32>} : memref<10240xi32, #tpu.memory_space<vmem>>, vector<16xi32>,
        %get3A_456 = vector.shape_cast %get3A_455 : vector<16xi32> to vector<16xi32>
        %shift_left3A_457 = arith.constant 16 : i32
        %shift_left3A_458 = vector.broadcast %shift_left3A_457 : i32 to vector<16xi32>
        %shift_left3A_459 = arith.shli %get3A_456, %shift_left3A_458 : vector<16xi32>
        %bitcast_convert_type3A_460 = tpu.bitcast %shift_left3A_459 : vector<16xi32> -> vector<16xf32>
        %get3A_461 = arith.index_cast %scan3A_285 : i32 to index
        %get3A_462 = arith.constant 112 : index
        %get3A_463 = tpu.vector_load %arg13[%get3A_461, %get3A_462] {strides = array<i32>} : memref<80x128xf32, #tpu.memory_space<vmem>>, vector<1x16xf32>,
        %get3A_464 = vector.shape_cast %get3A_463 : vector<1x16xf32> to vector<16xf32>
        %add3A_465 = arith.addf %bitcast_convert_type3A_460, %get3A_464 : vector<16xf32>
        %max3A_466 = arith.constant 0.000000e+00 : f32
        %max3A_467 = vector.broadcast %max3A_466 : f32 to vector<16xf32>
        %max3A_468 = arith.maximumf %add3A_465, %max3A_467 : vector<16xf32>
        %swap3A_469 = arith.index_cast %scan3A_285 : i32 to index
        %swap3A_470 = arith.constant 112 : index
        %swap3A_471 = tpu.vector_load %arg13[%swap3A_469, %swap3A_470] {strides = array<i32>} : memref<80x128xf32, #tpu.memory_space<vmem>>, vector<1x16xf32>,
        %swap3A_472 = vector.shape_cast %swap3A_471 : vector<1x16xf32> to vector<16xf32>
        %swap3A_473 = vector.shape_cast %max3A_468 : vector<16xf32> to vector<1x16xf32>
        tpu.vector_store %arg13[%swap3A_469, %swap3A_470], %swap3A_473 {strides = array<i32>} : memref<80x128xf32, #tpu.memory_space<vmem>>, vector<1x16xf32>,
        %scan3A_474 = arith.constant 0 : i32
        scf.yield %scan3A_474 : i32
      }
      %scan3A_229 = arith.constant 80 : i32
      %dma_start3A_230 = arith.constant 0 : i32
      %dma_start3A_231 = arith.constant 0 : i32
      %dma_start3A_232 = tpu.memref_slice %arg15[%dma_start3A_230, %dma_start3A_231] : memref<10240x128xf32, #tpu.memory_space<vmem_shared>> -> memref<10240x128xf32, #tpu.memory_space<vmem_shared>>
      tpu.enqueue_indirect_dma source(%arg13 : memref<80x128xf32, #tpu.memory_space<vmem>>) target(%dma_start3A_232 : memref<10240x128xf32, #tpu.memory_space<vmem_shared>>) offsets(%arg9 : memref<80xi32, #tpu.memory_space<vmem>>) semaphore(%arg20 : memref<!tpu.dma_semaphore, #tpu.memory_space<semaphore_mem>>) {add = true}
      %add3A_233 = arith.constant 2 : i32
      %add3A_234 = arith.addi %add3A_188, %add3A_233 : i32
      %lt3A_235 = arith.constant 128 : i32
      %lt3A_236 = arith.cmpi slt, %add3A_234, %lt3A_235 : i32
      %convert_element_type3A_237 = arith.extui %lt3A_236 : i1 to i32
      %cond3A_238 = arith.constant 0 : i32
      %cond3A_239 = arith.cmpi ne, %convert_element_type3A_237, %cond3A_238 : i32
      scf.if %cond3A_239 {
        %add3A_285 = arith.constant 2 : i32
        %add3A_286 = arith.addi %add3A_188, %add3A_285 : i32
        %jit3A = arith.constant 2 : i32
        %eq3A = arith.constant 0 : i32
        %eq3A_287 = arith.cmpi eq, %jit3A, %eq3A : i32
        %jit3A_288 = arith.constant 1 : i32
        %select_n3A = arith.select %eq3A_287, %jit3A_288, %jit3A : i32
        %rem3A = arith.remsi %add3A_286, %select_n3A : i32
        %ne3A = arith.constant 0 : i32
        %ne3A_289 = arith.cmpi ne, %rem3A, %ne3A : i32
        %lt3A_290 = arith.constant 0 : i32
        %lt3A_291 = arith.cmpi slt, %rem3A, %lt3A_290 : i32
        %lt3A_292 = arith.constant 0 : i32
        %lt3A_293 = arith.cmpi slt, %select_n3A, %lt3A_292 : i32
        %ne3A_294 = arith.xori %lt3A_291, %lt3A_293 : i1
        %and3A_295 = arith.andi %ne3A_294, %ne3A_289 : i1
        %add3A_296 = arith.addi %rem3A, %select_n3A : i32
        %select_n3A_297 = arith.select %and3A_295, %add3A_296, %rem3A : i32
        %mul3A_298 = arith.constant 5120 : i32
        %mul3A_299 = arith.muli %select_n3A_297, %mul3A_298 : i32
        %add3A_300 = arith.addi %mul3A_2, %mul3A_299 : i32
        %jit3A_301 = arith.constant 2 : i32
        %div3A = arith.divsi %add3A_286, %jit3A_301 : i32
        %sign3A = arith.constant 0 : i32
        %sign3A_302 = arith.cmpi sgt, %add3A_286, %sign3A : i32
        %sign3A_303 = arith.extui %sign3A_302 : i1 to i32
        %sign3A_304 = arith.constant 0 : i32
        %sign3A_305 = arith.cmpi slt, %add3A_286, %sign3A_304 : i32
        %sign3A_306 = arith.extui %sign3A_305 : i1 to i32
        %sign3A_307 = arith.subi %sign3A_303, %sign3A_306 : i32
        %sign3A_308 = arith.constant 0 : i32
        %sign3A_309 = arith.cmpi sgt, %jit3A_301, %sign3A_308 : i32
        %sign3A_310 = arith.extui %sign3A_309 : i1 to i32
        %sign3A_311 = arith.constant 0 : i32
        %sign3A_312 = arith.cmpi slt, %jit3A_301, %sign3A_311 : i32
        %sign3A_313 = arith.extui %sign3A_312 : i1 to i32
        %sign3A_314 = arith.subi %sign3A_310, %sign3A_313 : i32
        %ne3A_315 = arith.cmpi ne, %sign3A_307, %sign3A_314 : i32
        %rem3A_316 = arith.remsi %add3A_286, %jit3A_301 : i32
        %ne3A_317 = arith.constant 0 : i32
        %ne3A_318 = arith.cmpi ne, %rem3A_316, %ne3A_317 : i32
        %and3A_319 = arith.andi %ne3A_315, %ne3A_318 : i1
        %sub3A = arith.constant 1 : i32
        %sub3A_320 = arith.subi %div3A, %sub3A : i32
        %select_n3A_321 = arith.select %and3A_319, %sub3A_320, %div3A : i32
        %mul3A_322 = arith.constant 80 : i32
        %mul3A_323 = arith.muli %select_n3A_321, %mul3A_322 : i32
        %add3A_324 = arith.addi %add3A_300, %mul3A_323 : i32
        %dma_start3A_325 = tpu.memref_slice %arg3[%add3A_324] : memref<327680xi32, #tpu.memory_space<hbm>> -> memref<80xi32, #tpu.memory_space<hbm>>
        %dma_start3A_326 = tpu.memref_slice %arg3[%add3A_324] : memref<327680xi32, #tpu.memory_space<hbm>> -> memref<80xi32, #tpu.memory_space<hbm>>
        tpu.enqueue_dma source(%dma_start3A_326 : memref<80xi32, #tpu.memory_space<hbm>>) target(%arg7 : memref<80xi32, #tpu.memory_space<vmem>>) target_semaphore(%arg18 : memref<!tpu.dma_semaphore, #tpu.memory_space<semaphore_mem>>)
        %dma_start3A_327 = tpu.memref_slice %arg4[%add3A_324] : memref<327680xi32, #tpu.memory_space<hbm>> -> memref<80xi32, #tpu.memory_space<hbm>>
        %dma_start3A_328 = tpu.memref_slice %arg4[%add3A_324] : memref<327680xi32, #tpu.memory_space<hbm>> -> memref<80xi32, #tpu.memory_space<hbm>>
        tpu.enqueue_dma source(%dma_start3A_328 : memref<80xi32, #tpu.memory_space<hbm>>) target(%arg9 : memref<80xi32, #tpu.memory_space<vmem>>) target_semaphore(%arg18 : memref<!tpu.dma_semaphore, #tpu.memory_space<semaphore_mem>>)
      } else {
      }
      %mul3A_240 = arith.constant 4 : i32
      %mul3A_241 = arith.muli %scan3A_89, %mul3A_240 : i32
      %add3A_242 = arith.constant 3 : i32
      %add3A_243 = arith.addi %mul3A_241, %add3A_242 : i32
      %add3A_244 = arith.constant 1 : i32
      %add3A_245 = arith.addi %add3A_243, %add3A_244 : i32
      %lt3A_246 = arith.constant 128 : i32
      %lt3A_247 = arith.cmpi slt, %add3A_245, %lt3A_246 : i32
      %ge3A_248 = arith.constant 1 : i32
      %ge3A_249 = arith.cmpi sge, %add3A_243, %ge3A_248 : i32
      %and3A_250 = arith.andi %lt3A_247, %ge3A_249 : i1
      %convert_element_type3A_251 = arith.extui %and3A_250 : i1 to i32
      %cond3A_252 = arith.constant 0 : i32
      %cond3A_253 = arith.cmpi ne, %convert_element_type3A_251, %cond3A_252 : i32
      scf.if %cond3A_253 {
        %dma_wait3A_285 = arith.constant 0 : i32
        %dma_wait3A_286 = arith.constant 0 : i32
        %dma_wait3A_287 = tpu.memref_slice %arg15[%dma_wait3A_285, %dma_wait3A_286] : memref<10240x128xf32, #tpu.memory_space<vmem_shared>> -> memref<10240x128xf32, #tpu.memory_space<vmem_shared>>
        tpu.wait_indirect_dma semaphore(%arg20 : memref<!tpu.dma_semaphore, #tpu.memory_space<semaphore_mem>>) src(%arg13 : memref<80x128xf32, #tpu.memory_space<vmem>>) dst(%dma_wait3A_287 : memref<10240x128xf32, #tpu.memory_space<vmem_shared>>)
      } else {
      }
      %add3A_254 = arith.constant 1 : i32
      %add3A_255 = arith.addi %add3A_243, %add3A_254 : i32
      %lt3A_256 = arith.constant 128 : i32
      %lt3A_257 = arith.cmpi slt, %add3A_255, %lt3A_256 : i32
      %convert_element_type3A_258 = arith.extui %lt3A_257 : i1 to i32
      %cond3A_259 = arith.constant 0 : i32
      %cond3A_260 = arith.cmpi ne, %convert_element_type3A_258, %cond3A_259 : i32
      scf.if %cond3A_260 {
        %dma_wait3A_285 = arith.constant 0 : i32
        %dma_wait3A_286 = tpu.memref_slice %arg3[%dma_wait3A_285] : memref<327680xi32, #tpu.memory_space<hbm>> -> memref<80xi32, #tpu.memory_space<hbm>>
        %dma_wait3A_287 = arith.constant 0 : i32
        %dma_wait3A_288 = tpu.memref_slice %arg3[%dma_wait3A_287] : memref<327680xi32, #tpu.memory_space<hbm>> -> memref<80xi32, #tpu.memory_space<hbm>>
        tpu.wait_dma2 semaphore(%arg18 : memref<!tpu.dma_semaphore, #tpu.memory_space<semaphore_mem>>) src(%dma_wait3A_288 : memref<80xi32, #tpu.memory_space<hbm>>) dst(%arg7 : memref<80xi32, #tpu.memory_space<vmem>>)
        %dma_wait3A_289 = arith.constant 0 : i32
        %dma_wait3A_290 = tpu.memref_slice %arg3[%dma_wait3A_289] : memref<327680xi32, #tpu.memory_space<hbm>> -> memref<80xi32, #tpu.memory_space<hbm>>
        %dma_wait3A_291 = arith.constant 0 : i32
        %dma_wait3A_292 = tpu.memref_slice %arg3[%dma_wait3A_291] : memref<327680xi32, #tpu.memory_space<hbm>> -> memref<80xi32, #tpu.memory_space<hbm>>
        tpu.wait_dma2 semaphore(%arg18 : memref<!tpu.dma_semaphore, #tpu.memory_space<semaphore_mem>>) src(%dma_wait3A_292 : memref<80xi32, #tpu.memory_space<hbm>>) dst(%arg9 : memref<80xi32, #tpu.memory_space<vmem>>)
        %add3A_293 = arith.constant 1 : i32
        %add3A_294 = arith.addi %add3A_243, %add3A_293 : i32
        %dma_start3A_295 = arith.constant 0 : i32
        %dma_start3A_296 = arith.constant 0 : i32
        %dma_start3A_297 = tpu.memref_slice %arg2[%dma_start3A_295, %dma_start3A_296] : memref<10000x128xf32, #tpu.memory_space<hbm>> -> memref<10000x128xf32, #tpu.memory_space<hbm>>
        tpu.enqueue_indirect_dma source(%dma_start3A_297 : memref<10000x128xf32, #tpu.memory_space<hbm>>) target(%arg13 : memref<80x128xf32, #tpu.memory_space<vmem>>) offsets(%arg7 : memref<80xi32, #tpu.memory_space<vmem>>) semaphore(%arg18 : memref<!tpu.dma_semaphore, #tpu.memory_space<semaphore_mem>>)
      } else {
      }
      %dma_wait3A_261 = arith.constant 0 : i32
      %dma_wait3A_262 = arith.constant 0 : i32
      %dma_wait3A_263 = tpu.memref_slice %arg2[%dma_wait3A_261, %dma_wait3A_262] : memref<10000x128xf32, #tpu.memory_space<hbm>> -> memref<80x128xf32, #tpu.memory_space<hbm>>
      %dma_wait3A_264 = arith.constant 0 : i32
      %dma_wait3A_265 = arith.constant 0 : i32
      %dma_wait3A_266 = tpu.memref_slice %arg2[%dma_wait3A_264, %dma_wait3A_265] : memref<10000x128xf32, #tpu.memory_space<hbm>> -> memref<80x128xf32, #tpu.memory_space<hbm>>
      tpu.wait_dma2 semaphore(%arg19 : memref<!tpu.dma_semaphore, #tpu.memory_space<semaphore_mem>>) src(%dma_wait3A_266 : memref<80x128xf32, #tpu.memory_space<hbm>>) dst(%arg14 : memref<80x128xf32, #tpu.memory_space<vmem>>)
      %scan3A_267 = arith.constant 0 : i32
      %scan3A_268 = arith.constant 0 : i32
      %scan3A_269 = arith.constant 80 : i32
      %scan3A_270 = arith.addi %scan3A_268, %scan3A_269 : i32
      %scan3A_271 = arith.constant 1 : i32
      %scan3A_272 = scf.for %scan3A_285 = %scan3A_268 to %scan3A_270 step %scan3A_271 iter_args(%scan3A_286 = %scan3A_267) -> (i32)  : i32 {
        %mul3A_287 = arith.constant 128 : i32
        %mul3A_288 = arith.muli %scan3A_285, %mul3A_287 : i32
        %add3A_289 = arith.constant 0 : i32
        %add3A_290 = arith.addi %mul3A_288, %add3A_289 : i32
        %get3A = arith.index_cast %add3A_290 : i32 to index
        %get3A_291 = tpu.vector_load %arg12[%get3A] {strides = array<i32>} : memref<10240xi32, #tpu.memory_space<vmem>>, vector<16xi32>,
        %get3A_292 = vector.shape_cast %get3A_291 : vector<16xi32> to vector<16xi32>
        %and3A_293 = arith.constant -65536 : i32
        %and3A_294 = vector.broadcast %and3A_293 : i32 to vector<16xi32>
        %and3A_295 = arith.andi %get3A_292, %and3A_294 : vector<16xi32>
        %bitcast_convert_type3A = tpu.bitcast %and3A_295 : vector<16xi32> -> vector<16xf32>
        %get3A_296 = arith.index_cast %scan3A_285 : i32 to index
        %get3A_297 = arith.constant 0 : index
        %get3A_298 = tpu.vector_load %arg14[%get3A_296, %get3A_297] {strides = array<i32>} : memref<80x128xf32, #tpu.memory_space<vmem>>, vector<1x16xf32>,
        %get3A_299 = vector.shape_cast %get3A_298 : vector<1x16xf32> to vector<16xf32>
        %add3A_300 = arith.addf %bitcast_convert_type3A, %get3A_299 : vector<16xf32>
        %max3A = arith.constant 0.000000e+00 : f32
        %max3A_301 = vector.broadcast %max3A : f32 to vector<16xf32>
        %max3A_302 = arith.maximumf %add3A_300, %max3A_301 : vector<16xf32>
        %swap3A = arith.index_cast %scan3A_285 : i32 to index
        %swap3A_303 = arith.constant 0 : index
        %swap3A_304 = tpu.vector_load %arg14[%swap3A, %swap3A_303] {strides = array<i32>} : memref<80x128xf32, #tpu.memory_space<vmem>>, vector<1x16xf32>,
        %swap3A_305 = vector.shape_cast %swap3A_304 : vector<1x16xf32> to vector<16xf32>
        %swap3A_306 = vector.shape_cast %max3A_302 : vector<16xf32> to vector<1x16xf32>
        tpu.vector_store %arg14[%swap3A, %swap3A_303], %swap3A_306 {strides = array<i32>} : memref<80x128xf32, #tpu.memory_space<vmem>>, vector<1x16xf32>,
        %mul3A_307 = arith.constant 128 : i32
        %mul3A_308 = arith.muli %scan3A_285, %mul3A_307 : i32
        %add3A_309 = arith.constant 16 : i32
        %add3A_310 = arith.addi %mul3A_308, %add3A_309 : i32
        %get3A_311 = arith.index_cast %add3A_310 : i32 to index
        %get3A_312 = tpu.vector_load %arg12[%get3A_311] {strides = array<i32>} : memref<10240xi32, #tpu.memory_space<vmem>>, vector<16xi32>,
        %get3A_313 = vector.shape_cast %get3A_312 : vector<16xi32> to vector<16xi32>
        %and3A_314 = arith.constant -65536 : i32
        %and3A_315 = vector.broadcast %and3A_314 : i32 to vector<16xi32>
        %and3A_316 = arith.andi %get3A_313, %and3A_315 : vector<16xi32>
        %bitcast_convert_type3A_317 = tpu.bitcast %and3A_316 : vector<16xi32> -> vector<16xf32>
        %get3A_318 = arith.index_cast %scan3A_285 : i32 to index
        %get3A_319 = arith.constant 16 : index
        %get3A_320 = tpu.vector_load %arg14[%get3A_318, %get3A_319] {strides = array<i32>} : memref<80x128xf32, #tpu.memory_space<vmem>>, vector<1x16xf32>,
        %get3A_321 = vector.shape_cast %get3A_320 : vector<1x16xf32> to vector<16xf32>
        %add3A_322 = arith.addf %bitcast_convert_type3A_317, %get3A_321 : vector<16xf32>
        %max3A_323 = arith.constant 0.000000e+00 : f32
        %max3A_324 = vector.broadcast %max3A_323 : f32 to vector<16xf32>
        %max3A_325 = arith.maximumf %add3A_322, %max3A_324 : vector<16xf32>
        %swap3A_326 = arith.index_cast %scan3A_285 : i32 to index
        %swap3A_327 = arith.constant 16 : index
        %swap3A_328 = tpu.vector_load %arg14[%swap3A_326, %swap3A_327] {strides = array<i32>} : memref<80x128xf32, #tpu.memory_space<vmem>>, vector<1x16xf32>,
        %swap3A_329 = vector.shape_cast %swap3A_328 : vector<1x16xf32> to vector<16xf32>
        %swap3A_330 = vector.shape_cast %max3A_325 : vector<16xf32> to vector<1x16xf32>
        tpu.vector_store %arg14[%swap3A_326, %swap3A_327], %swap3A_330 {strides = array<i32>} : memref<80x128xf32, #tpu.memory_space<vmem>>, vector<1x16xf32>,
        %mul3A_331 = arith.constant 128 : i32
        %mul3A_332 = arith.muli %scan3A_285, %mul3A_331 : i32
        %add3A_333 = arith.constant 32 : i32
        %add3A_334 = arith.addi %mul3A_332, %add3A_333 : i32
        %get3A_335 = arith.index_cast %add3A_334 : i32 to index
        %get3A_336 = tpu.vector_load %arg12[%get3A_335] {strides = array<i32>} : memref<10240xi32, #tpu.memory_space<vmem>>, vector<16xi32>,
        %get3A_337 = vector.shape_cast %get3A_336 : vector<16xi32> to vector<16xi32>
        %and3A_338 = arith.constant -65536 : i32
        %and3A_339 = vector.broadcast %and3A_338 : i32 to vector<16xi32>
        %and3A_340 = arith.andi %get3A_337, %and3A_339 : vector<16xi32>
        %bitcast_convert_type3A_341 = tpu.bitcast %and3A_340 : vector<16xi32> -> vector<16xf32>
        %get3A_342 = arith.index_cast %scan3A_285 : i32 to index
        %get3A_343 = arith.constant 32 : index
        %get3A_344 = tpu.vector_load %arg14[%get3A_342, %get3A_343] {strides = array<i32>} : memref<80x128xf32, #tpu.memory_space<vmem>>, vector<1x16xf32>,
        %get3A_345 = vector.shape_cast %get3A_344 : vector<1x16xf32> to vector<16xf32>
        %add3A_346 = arith.addf %bitcast_convert_type3A_341, %get3A_345 : vector<16xf32>
        %max3A_347 = arith.constant 0.000000e+00 : f32
        %max3A_348 = vector.broadcast %max3A_347 : f32 to vector<16xf32>
        %max3A_349 = arith.maximumf %add3A_346, %max3A_348 : vector<16xf32>
        %swap3A_350 = arith.index_cast %scan3A_285 : i32 to index
        %swap3A_351 = arith.constant 32 : index
        %swap3A_352 = tpu.vector_load %arg14[%swap3A_350, %swap3A_351] {strides = array<i32>} : memref<80x128xf32, #tpu.memory_space<vmem>>, vector<1x16xf32>,
        %swap3A_353 = vector.shape_cast %swap3A_352 : vector<1x16xf32> to vector<16xf32>
        %swap3A_354 = vector.shape_cast %max3A_349 : vector<16xf32> to vector<1x16xf32>
        tpu.vector_store %arg14[%swap3A_350, %swap3A_351], %swap3A_354 {strides = array<i32>} : memref<80x128xf32, #tpu.memory_space<vmem>>, vector<1x16xf32>,
        %mul3A_355 = arith.constant 128 : i32
        %mul3A_356 = arith.muli %scan3A_285, %mul3A_355 : i32
        %add3A_357 = arith.constant 48 : i32
        %add3A_358 = arith.addi %mul3A_356, %add3A_357 : i32
        %get3A_359 = arith.index_cast %add3A_358 : i32 to index
        %get3A_360 = tpu.vector_load %arg12[%get3A_359] {strides = array<i32>} : memref<10240xi32, #tpu.memory_space<vmem>>, vector<16xi32>,
        %get3A_361 = vector.shape_cast %get3A_360 : vector<16xi32> to vector<16xi32>
        %and3A_362 = arith.constant -65536 : i32
        %and3A_363 = vector.broadcast %and3A_362 : i32 to vector<16xi32>
        %and3A_364 = arith.andi %get3A_361, %and3A_363 : vector<16xi32>
        %bitcast_convert_type3A_365 = tpu.bitcast %and3A_364 : vector<16xi32> -> vector<16xf32>
        %get3A_366 = arith.index_cast %scan3A_285 : i32 to index
        %get3A_367 = arith.constant 48 : index
        %get3A_368 = tpu.vector_load %arg14[%get3A_366, %get3A_367] {strides = array<i32>} : memref<80x128xf32, #tpu.memory_space<vmem>>, vector<1x16xf32>,
        %get3A_369 = vector.shape_cast %get3A_368 : vector<1x16xf32> to vector<16xf32>
        %add3A_370 = arith.addf %bitcast_convert_type3A_365, %get3A_369 : vector<16xf32>
        %max3A_371 = arith.constant 0.000000e+00 : f32
        %max3A_372 = vector.broadcast %max3A_371 : f32 to vector<16xf32>
        %max3A_373 = arith.maximumf %add3A_370, %max3A_372 : vector<16xf32>
        %swap3A_374 = arith.index_cast %scan3A_285 : i32 to index
        %swap3A_375 = arith.constant 48 : index
        %swap3A_376 = tpu.vector_load %arg14[%swap3A_374, %swap3A_375] {strides = array<i32>} : memref<80x128xf32, #tpu.memory_space<vmem>>, vector<1x16xf32>,
        %swap3A_377 = vector.shape_cast %swap3A_376 : vector<1x16xf32> to vector<16xf32>
        %swap3A_378 = vector.shape_cast %max3A_373 : vector<16xf32> to vector<1x16xf32>
        tpu.vector_store %arg14[%swap3A_374, %swap3A_375], %swap3A_378 {strides = array<i32>} : memref<80x128xf32, #tpu.memory_space<vmem>>, vector<1x16xf32>,
        %mul3A_379 = arith.constant 128 : i32
        %mul3A_380 = arith.muli %scan3A_285, %mul3A_379 : i32
        %add3A_381 = arith.constant 64 : i32
        %add3A_382 = arith.addi %mul3A_380, %add3A_381 : i32
        %get3A_383 = arith.index_cast %add3A_382 : i32 to index
        %get3A_384 = tpu.vector_load %arg12[%get3A_383] {strides = array<i32>} : memref<10240xi32, #tpu.memory_space<vmem>>, vector<16xi32>,
        %get3A_385 = vector.shape_cast %get3A_384 : vector<16xi32> to vector<16xi32>
        %and3A_386 = arith.constant -65536 : i32
        %and3A_387 = vector.broadcast %and3A_386 : i32 to vector<16xi32>
        %and3A_388 = arith.andi %get3A_385, %and3A_387 : vector<16xi32>
        %bitcast_convert_type3A_389 = tpu.bitcast %and3A_388 : vector<16xi32> -> vector<16xf32>
        %get3A_390 = arith.index_cast %scan3A_285 : i32 to index
        %get3A_391 = arith.constant 64 : index
        %get3A_392 = tpu.vector_load %arg14[%get3A_390, %get3A_391] {strides = array<i32>} : memref<80x128xf32, #tpu.memory_space<vmem>>, vector<1x16xf32>,
        %get3A_393 = vector.shape_cast %get3A_392 : vector<1x16xf32> to vector<16xf32>
        %add3A_394 = arith.addf %bitcast_convert_type3A_389, %get3A_393 : vector<16xf32>
        %max3A_395 = arith.constant 0.000000e+00 : f32
        %max3A_396 = vector.broadcast %max3A_395 : f32 to vector<16xf32>
        %max3A_397 = arith.maximumf %add3A_394, %max3A_396 : vector<16xf32>
        %swap3A_398 = arith.index_cast %scan3A_285 : i32 to index
        %swap3A_399 = arith.constant 64 : index
        %swap3A_400 = tpu.vector_load %arg14[%swap3A_398, %swap3A_399] {strides = array<i32>} : memref<80x128xf32, #tpu.memory_space<vmem>>, vector<1x16xf32>,
        %swap3A_401 = vector.shape_cast %swap3A_400 : vector<1x16xf32> to vector<16xf32>
        %swap3A_402 = vector.shape_cast %max3A_397 : vector<16xf32> to vector<1x16xf32>
        tpu.vector_store %arg14[%swap3A_398, %swap3A_399], %swap3A_402 {strides = array<i32>} : memref<80x128xf32, #tpu.memory_space<vmem>>, vector<1x16xf32>,
        %mul3A_403 = arith.constant 128 : i32
        %mul3A_404 = arith.muli %scan3A_285, %mul3A_403 : i32
        %add3A_405 = arith.constant 80 : i32
        %add3A_406 = arith.addi %mul3A_404, %add3A_405 : i32
        %get3A_407 = arith.index_cast %add3A_406 : i32 to index
        %get3A_408 = tpu.vector_load %arg12[%get3A_407] {strides = array<i32>} : memref<10240xi32, #tpu.memory_space<vmem>>, vector<16xi32>,
        %get3A_409 = vector.shape_cast %get3A_408 : vector<16xi32> to vector<16xi32>
        %and3A_410 = arith.constant -65536 : i32
        %and3A_411 = vector.broadcast %and3A_410 : i32 to vector<16xi32>
        %and3A_412 = arith.andi %get3A_409, %and3A_411 : vector<16xi32>
        %bitcast_convert_type3A_413 = tpu.bitcast %and3A_412 : vector<16xi32> -> vector<16xf32>
        %get3A_414 = arith.index_cast %scan3A_285 : i32 to index
        %get3A_415 = arith.constant 80 : index
        %get3A_416 = tpu.vector_load %arg14[%get3A_414, %get3A_415] {strides = array<i32>} : memref<80x128xf32, #tpu.memory_space<vmem>>, vector<1x16xf32>,
        %get3A_417 = vector.shape_cast %get3A_416 : vector<1x16xf32> to vector<16xf32>
        %add3A_418 = arith.addf %bitcast_convert_type3A_413, %get3A_417 : vector<16xf32>
        %max3A_419 = arith.constant 0.000000e+00 : f32
        %max3A_420 = vector.broadcast %max3A_419 : f32 to vector<16xf32>
        %max3A_421 = arith.maximumf %add3A_418, %max3A_420 : vector<16xf32>
        %swap3A_422 = arith.index_cast %scan3A_285 : i32 to index
        %swap3A_423 = arith.constant 80 : index
        %swap3A_424 = tpu.vector_load %arg14[%swap3A_422, %swap3A_423] {strides = array<i32>} : memref<80x128xf32, #tpu.memory_space<vmem>>, vector<1x16xf32>,
        %swap3A_425 = vector.shape_cast %swap3A_424 : vector<1x16xf32> to vector<16xf32>
        %swap3A_426 = vector.shape_cast %max3A_421 : vector<16xf32> to vector<1x16xf32>
        tpu.vector_store %arg14[%swap3A_422, %swap3A_423], %swap3A_426 {strides = array<i32>} : memref<80x128xf32, #tpu.memory_space<vmem>>, vector<1x16xf32>,
        %mul3A_427 = arith.constant 128 : i32
        %mul3A_428 = arith.muli %scan3A_285, %mul3A_427 : i32
        %add3A_429 = arith.constant 96 : i32
        %add3A_430 = arith.addi %mul3A_428, %add3A_429 : i32
        %get3A_431 = arith.index_cast %add3A_430 : i32 to index
        %get3A_432 = tpu.vector_load %arg12[%get3A_431] {strides = array<i32>} : memref<10240xi32, #tpu.memory_space<vmem>>, vector<16xi32>,
        %get3A_433 = vector.shape_cast %get3A_432 : vector<16xi32> to vector<16xi32>
        %and3A_434 = arith.constant -65536 : i32
        %and3A_435 = vector.broadcast %and3A_434 : i32 to vector<16xi32>
        %and3A_436 = arith.andi %get3A_433, %and3A_435 : vector<16xi32>
        %bitcast_convert_type3A_437 = tpu.bitcast %and3A_436 : vector<16xi32> -> vector<16xf32>
        %get3A_438 = arith.index_cast %scan3A_285 : i32 to index
        %get3A_439 = arith.constant 96 : index
        %get3A_440 = tpu.vector_load %arg14[%get3A_438, %get3A_439] {strides = array<i32>} : memref<80x128xf32, #tpu.memory_space<vmem>>, vector<1x16xf32>,
        %get3A_441 = vector.shape_cast %get3A_440 : vector<1x16xf32> to vector<16xf32>
        %add3A_442 = arith.addf %bitcast_convert_type3A_437, %get3A_441 : vector<16xf32>
        %max3A_443 = arith.constant 0.000000e+00 : f32
        %max3A_444 = vector.broadcast %max3A_443 : f32 to vector<16xf32>
        %max3A_445 = arith.maximumf %add3A_442, %max3A_444 : vector<16xf32>
        %swap3A_446 = arith.index_cast %scan3A_285 : i32 to index
        %swap3A_447 = arith.constant 96 : index
        %swap3A_448 = tpu.vector_load %arg14[%swap3A_446, %swap3A_447] {strides = array<i32>} : memref<80x128xf32, #tpu.memory_space<vmem>>, vector<1x16xf32>,
        %swap3A_449 = vector.shape_cast %swap3A_448 : vector<1x16xf32> to vector<16xf32>
        %swap3A_450 = vector.shape_cast %max3A_445 : vector<16xf32> to vector<1x16xf32>
        tpu.vector_store %arg14[%swap3A_446, %swap3A_447], %swap3A_450 {strides = array<i32>} : memref<80x128xf32, #tpu.memory_space<vmem>>, vector<1x16xf32>,
        %mul3A_451 = arith.constant 128 : i32
        %mul3A_452 = arith.muli %scan3A_285, %mul3A_451 : i32
        %add3A_453 = arith.constant 112 : i32
        %add3A_454 = arith.addi %mul3A_452, %add3A_453 : i32
        %get3A_455 = arith.index_cast %add3A_454 : i32 to index
        %get3A_456 = tpu.vector_load %arg12[%get3A_455] {strides = array<i32>} : memref<10240xi32, #tpu.memory_space<vmem>>, vector<16xi32>,
        %get3A_457 = vector.shape_cast %get3A_456 : vector<16xi32> to vector<16xi32>
        %and3A_458 = arith.constant -65536 : i32
        %and3A_459 = vector.broadcast %and3A_458 : i32 to vector<16xi32>
        %and3A_460 = arith.andi %get3A_457, %and3A_459 : vector<16xi32>
        %bitcast_convert_type3A_461 = tpu.bitcast %and3A_460 : vector<16xi32> -> vector<16xf32>
        %get3A_462 = arith.index_cast %scan3A_285 : i32 to index
        %get3A_463 = arith.constant 112 : index
        %get3A_464 = tpu.vector_load %arg14[%get3A_462, %get3A_463] {strides = array<i32>} : memref<80x128xf32, #tpu.memory_space<vmem>>, vector<1x16xf32>,
        %get3A_465 = vector.shape_cast %get3A_464 : vector<1x16xf32> to vector<16xf32>
        %add3A_466 = arith.addf %bitcast_convert_type3A_461, %get3A_465 : vector<16xf32>
        %max3A_467 = arith.constant 0.000000e+00 : f32
        %max3A_468 = vector.broadcast %max3A_467 : f32 to vector<16xf32>
        %max3A_469 = arith.maximumf %add3A_466, %max3A_468 : vector<16xf32>
        %swap3A_470 = arith.index_cast %scan3A_285 : i32 to index
        %swap3A_471 = arith.constant 112 : index
        %swap3A_472 = tpu.vector_load %arg14[%swap3A_470, %swap3A_471] {strides = array<i32>} : memref<80x128xf32, #tpu.memory_space<vmem>>, vector<1x16xf32>,
        %swap3A_473 = vector.shape_cast %swap3A_472 : vector<1x16xf32> to vector<16xf32>
        %swap3A_474 = vector.shape_cast %max3A_469 : vector<16xf32> to vector<1x16xf32>
        tpu.vector_store %arg14[%swap3A_470, %swap3A_471], %swap3A_474 {strides = array<i32>} : memref<80x128xf32, #tpu.memory_space<vmem>>, vector<1x16xf32>,
        %scan3A_475 = arith.constant 0 : i32
        scf.yield %scan3A_475 : i32
      }
      %scan3A_273 = arith.constant 80 : i32
      %dma_start3A_274 = arith.constant 0 : i32
      %dma_start3A_275 = arith.constant 0 : i32
      %dma_start3A_276 = tpu.memref_slice %arg15[%dma_start3A_274, %dma_start3A_275] : memref<10240x128xf32, #tpu.memory_space<vmem_shared>> -> memref<10240x128xf32, #tpu.memory_space<vmem_shared>>
      tpu.enqueue_indirect_dma source(%arg14 : memref<80x128xf32, #tpu.memory_space<vmem>>) target(%dma_start3A_276 : memref<10240x128xf32, #tpu.memory_space<vmem_shared>>) offsets(%arg10 : memref<80xi32, #tpu.memory_space<vmem>>) semaphore(%arg21 : memref<!tpu.dma_semaphore, #tpu.memory_space<semaphore_mem>>) {add = true}
      %add3A_277 = arith.constant 2 : i32
      %add3A_278 = arith.addi %add3A_243, %add3A_277 : i32
      %lt3A_279 = arith.constant 128 : i32
      %lt3A_280 = arith.cmpi slt, %add3A_278, %lt3A_279 : i32
      %convert_element_type3A_281 = arith.extui %lt3A_280 : i1 to i32
      %cond3A_282 = arith.constant 0 : i32
      %cond3A_283 = arith.cmpi ne, %convert_element_type3A_281, %cond3A_282 : i32
      scf.if %cond3A_283 {
        %add3A_285 = arith.constant 2 : i32
        %add3A_286 = arith.addi %add3A_243, %add3A_285 : i32
        %jit3A = arith.constant 2 : i32
        %eq3A = arith.constant 0 : i32
        %eq3A_287 = arith.cmpi eq, %jit3A, %eq3A : i32
        %jit3A_288 = arith.constant 1 : i32
        %select_n3A = arith.select %eq3A_287, %jit3A_288, %jit3A : i32
        %rem3A = arith.remsi %add3A_286, %select_n3A : i32
        %ne3A = arith.constant 0 : i32
        %ne3A_289 = arith.cmpi ne, %rem3A, %ne3A : i32
        %lt3A_290 = arith.constant 0 : i32
        %lt3A_291 = arith.cmpi slt, %rem3A, %lt3A_290 : i32
        %lt3A_292 = arith.constant 0 : i32
        %lt3A_293 = arith.cmpi slt, %select_n3A, %lt3A_292 : i32
        %ne3A_294 = arith.xori %lt3A_291, %lt3A_293 : i1
        %and3A_295 = arith.andi %ne3A_294, %ne3A_289 : i1
        %add3A_296 = arith.addi %rem3A, %select_n3A : i32
        %select_n3A_297 = arith.select %and3A_295, %add3A_296, %rem3A : i32
        %mul3A_298 = arith.constant 5120 : i32
        %mul3A_299 = arith.muli %select_n3A_297, %mul3A_298 : i32
        %add3A_300 = arith.addi %mul3A_2, %mul3A_299 : i32
        %jit3A_301 = arith.constant 2 : i32
        %div3A = arith.divsi %add3A_286, %jit3A_301 : i32
        %sign3A = arith.constant 0 : i32
        %sign3A_302 = arith.cmpi sgt, %add3A_286, %sign3A : i32
        %sign3A_303 = arith.extui %sign3A_302 : i1 to i32
        %sign3A_304 = arith.constant 0 : i32
        %sign3A_305 = arith.cmpi slt, %add3A_286, %sign3A_304 : i32
        %sign3A_306 = arith.extui %sign3A_305 : i1 to i32
        %sign3A_307 = arith.subi %sign3A_303, %sign3A_306 : i32
        %sign3A_308 = arith.constant 0 : i32
        %sign3A_309 = arith.cmpi sgt, %jit3A_301, %sign3A_308 : i32
        %sign3A_310 = arith.extui %sign3A_309 : i1 to i32
        %sign3A_311 = arith.constant 0 : i32
        %sign3A_312 = arith.cmpi slt, %jit3A_301, %sign3A_311 : i32
        %sign3A_313 = arith.extui %sign3A_312 : i1 to i32
        %sign3A_314 = arith.subi %sign3A_310, %sign3A_313 : i32
        %ne3A_315 = arith.cmpi ne, %sign3A_307, %sign3A_314 : i32
        %rem3A_316 = arith.remsi %add3A_286, %jit3A_301 : i32
        %ne3A_317 = arith.constant 0 : i32
        %ne3A_318 = arith.cmpi ne, %rem3A_316, %ne3A_317 : i32
        %and3A_319 = arith.andi %ne3A_315, %ne3A_318 : i1
        %sub3A = arith.constant 1 : i32
        %sub3A_320 = arith.subi %div3A, %sub3A : i32
        %select_n3A_321 = arith.select %and3A_319, %sub3A_320, %div3A : i32
        %mul3A_322 = arith.constant 80 : i32
        %mul3A_323 = arith.muli %select_n3A_321, %mul3A_322 : i32
        %add3A_324 = arith.addi %add3A_300, %mul3A_323 : i32
        %dma_start3A_325 = tpu.memref_slice %arg3[%add3A_324] : memref<327680xi32, #tpu.memory_space<hbm>> -> memref<80xi32, #tpu.memory_space<hbm>>
        %dma_start3A_326 = tpu.memref_slice %arg3[%add3A_324] : memref<327680xi32, #tpu.memory_space<hbm>> -> memref<80xi32, #tpu.memory_space<hbm>>
        tpu.enqueue_dma source(%dma_start3A_326 : memref<80xi32, #tpu.memory_space<hbm>>) target(%arg8 : memref<80xi32, #tpu.memory_space<vmem>>) target_semaphore(%arg19 : memref<!tpu.dma_semaphore, #tpu.memory_space<semaphore_mem>>)
        %dma_start3A_327 = tpu.memref_slice %arg4[%add3A_324] : memref<327680xi32, #tpu.memory_space<hbm>> -> memref<80xi32, #tpu.memory_space<hbm>>
        %dma_start3A_328 = tpu.memref_slice %arg4[%add3A_324] : memref<327680xi32, #tpu.memory_space<hbm>> -> memref<80xi32, #tpu.memory_space<hbm>>
        tpu.enqueue_dma source(%dma_start3A_328 : memref<80xi32, #tpu.memory_space<hbm>>) target(%arg10 : memref<80xi32, #tpu.memory_space<vmem>>) target_semaphore(%arg19 : memref<!tpu.dma_semaphore, #tpu.memory_space<semaphore_mem>>)
      } else {
      }
      %scan3A_284 = arith.constant 0 : i32
      scf.yield %scan3A_284 : i32
    }
    %scan3A_79 = arith.constant 32 : i32
    %dma_wait3A_80 = arith.constant 0 : i32
    %dma_wait3A_81 = arith.constant 0 : i32
    %dma_wait3A_82 = tpu.memref_slice %arg15[%dma_wait3A_80, %dma_wait3A_81] : memref<10240x128xf32, #tpu.memory_space<vmem_shared>> -> memref<10240x128xf32, #tpu.memory_space<vmem_shared>>
    tpu.wait_indirect_dma semaphore(%arg20 : memref<!tpu.dma_semaphore, #tpu.memory_space<semaphore_mem>>) src(%arg13 : memref<80x128xf32, #tpu.memory_space<vmem>>) dst(%dma_wait3A_82 : memref<10240x128xf32, #tpu.memory_space<vmem_shared>>)
    %dma_wait3A_83 = arith.constant 0 : i32
    %dma_wait3A_84 = arith.constant 0 : i32
    %dma_wait3A_85 = tpu.memref_slice %arg15[%dma_wait3A_83, %dma_wait3A_84] : memref<10240x128xf32, #tpu.memory_space<vmem_shared>> -> memref<10240x128xf32, #tpu.memory_space<vmem_shared>>
    tpu.wait_indirect_dma semaphore(%arg21 : memref<!tpu.dma_semaphore, #tpu.memory_space<semaphore_mem>>) src(%arg14 : memref<80x128xf32, #tpu.memory_space<vmem>>) dst(%dma_wait3A_85 : memref<10240x128xf32, #tpu.memory_space<vmem_shared>>)
    %barrier3A_86 = arith.constant 0 : index
    tpu.barrier barrier_id(%barrier3A_86)
    %mul3A_87 = arith.constant 640 : i32
    %mul3A_88 = arith.muli %arg1, %mul3A_87 : i32
    "tpu.region"() ({
      %run_scoped3A = tpu.sem_alloc : memref<!tpu.dma_semaphore, #tpu.memory_space<semaphore_mem>>
      %dma_start3A_89 = arith.constant 0 : i32
      %dma_start3A_90 = arith.constant 0 : i32
      %dma_start3A_91 = tpu.memref_slice %arg6[%arg0, %dma_start3A_89, %dma_start3A_90] : memref<2x10240x128xf32, #tpu.memory_space<hbm>> -> memref<1x10240x128xf32, #tpu.memory_space<hbm>>
      %dma_start3A_92 = tpu.memref_squeeze %dma_start3A_91 : memref<1x10240x128xf32, #tpu.memory_space<hbm>> -> memref<10240x128xf32, #tpu.memory_space<hbm>>
      %dma_start3A_93 = arith.constant 0 : i32
      %dma_start3A_94 = tpu.memref_slice %dma_start3A_92[%mul3A_88, %dma_start3A_93] : memref<10240x128xf32, #tpu.memory_space<hbm>> -> memref<640x128xf32, #tpu.memory_space<hbm>>
      %dma_start3A_95 = arith.constant 0 : i32
      %dma_start3A_96 = tpu.memref_slice %arg15[%mul3A_88, %dma_start3A_95] : memref<10240x128xf32, #tpu.memory_space<vmem_shared>> -> memref<640x128xf32, #tpu.memory_space<vmem_shared>>
      tpu.enqueue_dma source(%dma_start3A_96 : memref<640x128xf32, #tpu.memory_space<vmem_shared>>) target(%dma_start3A_94 : memref<640x128xf32, #tpu.memory_space<hbm>>) target_semaphore(%run_scoped3A : memref<!tpu.dma_semaphore, #tpu.memory_space<semaphore_mem>>)
      %dma_wait3A_97 = arith.constant 0 : i32
      %dma_wait3A_98 = arith.constant 0 : i32
      %dma_wait3A_99 = tpu.memref_slice %arg6[%arg0, %dma_wait3A_97, %dma_wait3A_98] : memref<2x10240x128xf32, #tpu.memory_space<hbm>> -> memref<1x10240x128xf32, #tpu.memory_space<hbm>>
      %dma_wait3A_100 = tpu.memref_squeeze %dma_wait3A_99 : memref<1x10240x128xf32, #tpu.memory_space<hbm>> -> memref<10240x128xf32, #tpu.memory_space<hbm>>
      %dma_wait3A_101 = arith.constant 0 : i32
      %dma_wait3A_102 = tpu.memref_slice %dma_wait3A_100[%mul3A_88, %dma_wait3A_101] : memref<10240x128xf32, #tpu.memory_space<hbm>> -> memref<640x128xf32, #tpu.memory_space<hbm>>
      %dma_wait3A_103 = arith.constant 0 : i32
      %dma_wait3A_104 = tpu.memref_slice %arg15[%mul3A_88, %dma_wait3A_103] : memref<10240x128xf32, #tpu.memory_space<vmem_shared>> -> memref<640x128xf32, #tpu.memory_space<vmem_shared>>
      tpu.wait_dma2 semaphore(%run_scoped3A : memref<!tpu.dma_semaphore, #tpu.memory_space<semaphore_mem>>) src(%dma_wait3A_104 : memref<640x128xf32, #tpu.memory_space<vmem_shared>>) dst(%dma_wait3A_102 : memref<640x128xf32, #tpu.memory_space<hbm>>)
      tpu.yield
    }) : () -> ()
    return
  }
}

module attributes {stable_mosaic.version = 14 : i64} {
  func.func @_node_mlp_body(%arg0: i32, %arg1: memref<10000x128xf32, #tpu.memory_space<vmem>>, %arg2: memref<2x10000x128xf32, #tpu.memory_space<vmem>>, %arg3: memref<128x128xf32, #tpu.memory_space<vmem>>, %arg4: memref<1x128xf32, #tpu.memory_space<vmem>>, %arg5: memref<128x128xf32, #tpu.memory_space<vmem>>, %arg6: memref<1x128xf32, #tpu.memory_space<vmem>>, %arg7: memref<1x128xf32, #tpu.memory_space<vmem>>, %arg8: memref<1x128xf32, #tpu.memory_space<vmem>>, %arg9: memref<10000x128xf32, #tpu.memory_space<vmem>>) attributes {dimension_semantics = [#tpu.dimension_semantics<arbitrary>], iteration_bounds = array<i64: 1>, scalar_prefetch = 0 : i64, scratch_operands = 0 : i64, tpu.core_type = #tpu.core_type<tc>, window_params = [{pipeline_mode = #tpu.pipeline_mode<synchronous>, transform_indices = @transform_0, window_bounds = array<i64: 10000, 128>}, {transform_indices = @transform_1, window_bounds = array<i64: 2, 10000, 128>}, {pipeline_mode = #tpu.pipeline_mode<synchronous>, transform_indices = @transform_2, window_bounds = array<i64: 128, 128>}, {pipeline_mode = #tpu.pipeline_mode<synchronous>, transform_indices = @transform_3, window_bounds = array<i64: 1, 128>}, {pipeline_mode = #tpu.pipeline_mode<synchronous>, transform_indices = @transform_4, window_bounds = array<i64: 128, 128>}, {pipeline_mode = #tpu.pipeline_mode<synchronous>, transform_indices = @transform_5, window_bounds = array<i64: 1, 128>}, {pipeline_mode = #tpu.pipeline_mode<synchronous>, transform_indices = @transform_6, window_bounds = array<i64: 1, 128>}, {pipeline_mode = #tpu.pipeline_mode<synchronous>, transform_indices = @transform_7, window_bounds = array<i64: 1, 128>}, {pipeline_mode = #tpu.pipeline_mode<synchronous>, transform_indices = @transform_8, window_bounds = array<i64: 10000, 128>}]} {
    %get3A = arith.constant 0 : index
    %get3A_0 = arith.constant 0 : index
    %get3A_1 = vector.load %arg1[%get3A, %get3A_0] : memref<10000x128xf32, #tpu.memory_space<vmem>>, vector<10000x128xf32>
    %get3A_2 = arith.constant 0 : index
    %get3A_3 = arith.constant 0 : index
    %get3A_4 = arith.constant 0 : index
    %get3A_5 = vector.load %arg2[%get3A_2, %get3A_3, %get3A_4] : memref<2x10000x128xf32, #tpu.memory_space<vmem>>, vector<1x10000x128xf32>
    %get3A_6 = vector.shape_cast %get3A_5 : vector<1x10000x128xf32> to vector<10000x128xf32>
    %add3A = arith.addf %get3A_1, %get3A_6 : vector<10000x128xf32>
    %get3A_7 = arith.constant 1 : index
    %get3A_8 = arith.constant 0 : index
    %get3A_9 = arith.constant 0 : index
    %get3A_10 = vector.load %arg2[%get3A_7, %get3A_8, %get3A_9] : memref<2x10000x128xf32, #tpu.memory_space<vmem>>, vector<1x10000x128xf32>
    %get3A_11 = vector.shape_cast %get3A_10 : vector<1x10000x128xf32> to vector<10000x128xf32>
    %add3A_12 = arith.addf %add3A, %get3A_11 : vector<10000x128xf32>
    %get3A_13 = arith.constant 0 : index
    %get3A_14 = arith.constant 0 : index
    %get3A_15 = vector.load %arg3[%get3A_13, %get3A_14] : memref<128x128xf32, #tpu.memory_space<vmem>>, vector<128x128xf32>
    %dot_general3A = arith.constant dense<0.000000e+00> : vector<10000x128xf32>
    %dot_general3A_16 = tpu.matmul %add3A_12, %get3A_15, %dot_general3A {dimension_numbers = #tpu.dot_dimension_numbers<[1], [0], [0], [1], [0, 0, 1, 1], [], []>, transpose_lhs_hint = false} : vector<10000x128xf32>, vector<128x128xf32>, vector<10000x128xf32> -> vector<10000x128xf32>
    %get3A_17 = arith.constant 0 : index
    %get3A_18 = arith.constant 0 : index
    %get3A_19 = vector.load %arg4[%get3A_17, %get3A_18] : memref<1x128xf32, #tpu.memory_space<vmem>>, vector<1x128xf32>
    %add3A_20 = vector.broadcast %get3A_19 : vector<1x128xf32> to vector<10000x128xf32>
    %add3A_21 = arith.addf %dot_general3A_16, %add3A_20 : vector<10000x128xf32>
    %max3A = arith.constant 0.000000e+00 : f32
    %max3A_22 = vector.broadcast %max3A : f32 to vector<10000x128xf32>
    %max3A_23 = arith.maximumf %add3A_21, %max3A_22 : vector<10000x128xf32>
    %get3A_24 = arith.constant 0 : index
    %get3A_25 = arith.constant 0 : index
    %get3A_26 = vector.load %arg5[%get3A_24, %get3A_25] : memref<128x128xf32, #tpu.memory_space<vmem>>, vector<128x128xf32>
    %dot_general3A_27 = arith.constant dense<0.000000e+00> : vector<10000x128xf32>
    %dot_general3A_28 = tpu.matmul %max3A_23, %get3A_26, %dot_general3A_27 {dimension_numbers = #tpu.dot_dimension_numbers<[1], [0], [0], [1], [0, 0, 1, 1], [], []>, transpose_lhs_hint = false} : vector<10000x128xf32>, vector<128x128xf32>, vector<10000x128xf32> -> vector<10000x128xf32>
    %get3A_29 = arith.constant 0 : index
    %get3A_30 = arith.constant 0 : index
    %get3A_31 = vector.load %arg6[%get3A_29, %get3A_30] : memref<1x128xf32, #tpu.memory_space<vmem>>, vector<1x128xf32>
    %add3A_32 = vector.broadcast %get3A_31 : vector<1x128xf32> to vector<10000x128xf32>
    %add3A_33 = arith.addf %dot_general3A_28, %add3A_32 : vector<10000x128xf32>
    %reduce_sum3A = arith.constant dense<0.000000e+00> : vector<128xf32>
    %reduce_sum3A_34 = vector.multi_reduction <add>, %add3A_33, %reduce_sum3A [0] : vector<10000x128xf32> to vector<128xf32>
    %broadcast_in_dim3A = vector.shape_cast %reduce_sum3A_34 : vector<128xf32> to vector<1x128xf32>
    %div3A = arith.constant 1.000000e+04 : f32
    %div3A_35 = vector.broadcast %div3A : f32 to vector<1x128xf32>
    %div3A_36 = arith.divf %broadcast_in_dim3A, %div3A_35 : vector<1x128xf32>
    %sub3A = vector.broadcast %div3A_36 : vector<1x128xf32> to vector<10000x128xf32>
    %sub3A_37 = arith.subf %add3A_33, %sub3A : vector<10000x128xf32>
    %integer_pow3A = arith.mulf %sub3A_37, %sub3A_37 : vector<10000x128xf32>
    %reduce_sum3A_38 = arith.constant dense<0.000000e+00> : vector<128xf32>
    %reduce_sum3A_39 = vector.multi_reduction <add>, %integer_pow3A, %reduce_sum3A_38 [0] : vector<10000x128xf32> to vector<128xf32>
    %broadcast_in_dim3A_40 = vector.shape_cast %reduce_sum3A_39 : vector<128xf32> to vector<1x128xf32>
    %div3A_41 = arith.constant 1.000000e+04 : f32
    %div3A_42 = vector.broadcast %div3A_41 : f32 to vector<1x128xf32>
    %div3A_43 = arith.divf %broadcast_in_dim3A_40, %div3A_42 : vector<1x128xf32>
    %sub3A_44 = vector.broadcast %div3A_36 : vector<1x128xf32> to vector<10000x128xf32>
    %sub3A_45 = arith.subf %add3A_33, %sub3A_44 : vector<10000x128xf32>
    %add3A_46 = arith.constant 9.99999974E-6 : f32
    %add3A_47 = vector.broadcast %add3A_46 : f32 to vector<1x128xf32>
    %add3A_48 = arith.addf %div3A_43, %add3A_47 : vector<1x128xf32>
    %rsqrt3A = math.rsqrt %add3A_48 : vector<1x128xf32>
    %mul3A = vector.broadcast %rsqrt3A : vector<1x128xf32> to vector<10000x128xf32>
    %mul3A_49 = arith.mulf %sub3A_45, %mul3A : vector<10000x128xf32>
    %get3A_50 = arith.constant 0 : index
    %get3A_51 = arith.constant 0 : index
    %get3A_52 = vector.load %arg7[%get3A_50, %get3A_51] : memref<1x128xf32, #tpu.memory_space<vmem>>, vector<1x128xf32>
    %mul3A_53 = vector.broadcast %get3A_52 : vector<1x128xf32> to vector<10000x128xf32>
    %mul3A_54 = arith.mulf %mul3A_49, %mul3A_53 : vector<10000x128xf32>
    %get3A_55 = arith.constant 0 : index
    %get3A_56 = arith.constant 0 : index
    %get3A_57 = vector.load %arg8[%get3A_55, %get3A_56] : memref<1x128xf32, #tpu.memory_space<vmem>>, vector<1x128xf32>
    %add3A_58 = vector.broadcast %get3A_57 : vector<1x128xf32> to vector<10000x128xf32>
    %add3A_59 = arith.addf %mul3A_54, %add3A_58 : vector<10000x128xf32>
    %max3A_60 = arith.constant 0.000000e+00 : f32
    %max3A_61 = vector.broadcast %max3A_60 : f32 to vector<10000x128xf32>
    %max3A_62 = arith.maximumf %add3A_59, %max3A_61 : vector<10000x128xf32>
    %add3A_63 = arith.addf %max3A_62, %get3A_1 : vector<10000x128xf32>
    %swap3A = arith.constant 0 : index
    %swap3A_64 = arith.constant 0 : index
    %swap3A_65 = vector.load %arg9[%swap3A, %swap3A_64] : memref<10000x128xf32, #tpu.memory_space<vmem>>, vector<10000x128xf32>
    tpu.vector_store %arg9[%swap3A, %swap3A_64], %add3A_63 {strides = array<i32>} : memref<10000x128xf32, #tpu.memory_space<vmem>>, vector<10000x128xf32>,
    return
  }
  func.func @transform_0(%arg0: i32) -> (i32, i32) {
    %c0_i32 = arith.constant 0 : i32
    %c0_i32_0 = arith.constant 0 : i32
    %c0_i32_1 = arith.constant 0 : i32
    return %c0_i32, %c0_i32_0 : i32, i32
  }
  func.func @transform_1(%arg0: i32) -> (i32, i32, i32) {
    %c0_i32 = arith.constant 0 : i32
    %c0_i32_0 = arith.constant 0 : i32
    %c0_i32_1 = arith.constant 0 : i32
    %c0_i32_2 = arith.constant 0 : i32
    return %c0_i32, %c0_i32_0, %c0_i32_1 : i32, i32, i32
  }
  func.func @transform_2(%arg0: i32) -> (i32, i32) {
    %c0_i32 = arith.constant 0 : i32
    %c0_i32_0 = arith.constant 0 : i32
    %c0_i32_1 = arith.constant 0 : i32
    return %c0_i32, %c0_i32_0 : i32, i32
  }
  func.func @transform_3(%arg0: i32) -> (i32, i32) {
    %c0_i32 = arith.constant 0 : i32
    %c0_i32_0 = arith.constant 0 : i32
    %c0_i32_1 = arith.constant 0 : i32
    return %c0_i32, %c0_i32_0 : i32, i32
  }
  func.func @transform_4(%arg0: i32) -> (i32, i32) {
    %c0_i32 = arith.constant 0 : i32
    %c0_i32_0 = arith.constant 0 : i32
    %c0_i32_1 = arith.constant 0 : i32
    return %c0_i32, %c0_i32_0 : i32, i32
  }
  func.func @transform_5(%arg0: i32) -> (i32, i32) {
    %c0_i32 = arith.constant 0 : i32
    %c0_i32_0 = arith.constant 0 : i32
    %c0_i32_1 = arith.constant 0 : i32
    return %c0_i32, %c0_i32_0 : i32, i32
  }
  func.func @transform_6(%arg0: i32) -> (i32, i32) {
    %c0_i32 = arith.constant 0 : i32
    %c0_i32_0 = arith.constant 0 : i32
    %c0_i32_1 = arith.constant 0 : i32
    return %c0_i32, %c0_i32_0 : i32, i32
  }
  func.func @transform_7(%arg0: i32) -> (i32, i32) {
    %c0_i32 = arith.constant 0 : i32
    %c0_i32_0 = arith.constant 0 : i32
    %c0_i32_1 = arith.constant 0 : i32
    return %c0_i32, %c0_i32_0 : i32, i32
  }
  func.func @transform_8(%arg0: i32) -> (i32, i32) {
    %c0_i32 = arith.constant 0 : i32
    %c0_i32_0 = arith.constant 0 : i32
    %c0_i32_1 = arith.constant 0 : i32
    return %c0_i32, %c0_i32_0 : i32, i32
  }
}

module attributes {stable_mosaic.version = 14 : i64} {
  func.func @_linearize_body(%arg0: i32, %arg1: memref<1000x128xf32, #tpu.memory_space<vmem>>, %arg2: memref<128000xf32, #tpu.memory_space<vmem>>) attributes {dimension_semantics = [#tpu.dimension_semantics<arbitrary>], iteration_bounds = array<i64: 10>, scalar_prefetch = 0 : i64, scratch_operands = 0 : i64, tpu.core_type = #tpu.core_type<tc>, window_params = [{transform_indices = @transform_0, window_bounds = array<i64: 1000, 128>}, {transform_indices = @transform_1, window_bounds = array<i64: 128000>}]} {
    %get3A = arith.constant 0 : index
    %get3A_0 = arith.constant 0 : index
    %get3A_1 = vector.load %arg1[%get3A, %get3A_0] : memref<1000x128xf32, #tpu.memory_space<vmem>>, vector<1000x128xf32>
    %reshape3A = vector.shape_cast %get3A_1 : vector<1000x128xf32> to vector<128000xf32>
    %swap3A = arith.constant 0 : index
    %swap3A_2 = vector.load %arg2[%swap3A] : memref<128000xf32, #tpu.memory_space<vmem>>, vector<128000xf32>
    tpu.vector_store %arg2[%swap3A], %reshape3A {strides = array<i32>} : memref<128000xf32, #tpu.memory_space<vmem>>, vector<128000xf32>,
    return
  }
  func.func @transform_0(%arg0: i32) -> (i32, i32) {
    %c0_i32 = arith.constant 0 : i32
    %c0_i32_0 = arith.constant 0 : i32
    return %arg0, %c0_i32 : i32, i32
  }
  func.func @transform_1(%arg0: i32) -> i32 {
    %c0_i32 = arith.constant 0 : i32
    return %arg0 : i32
  }
}

module attributes {stable_mosaic.version = 14 : i64} {
  func.func @_edge_mlp_body(%arg0: i32, %arg1: memref<16x10240xf32, #tpu.memory_space<vmem>>, %arg2: memref<16x128xf32, #tpu.memory_space<vmem>>, %arg3: memref<1x128xf32, #tpu.memory_space<vmem>>, %arg4: memref<2x10240xi32, #tpu.memory_space<vmem>>, %arg5: memref<655360xi32, #tpu.memory_space<vmem>>, %arg6: memref<10240xi32, #tpu.memory_space<vmem>>, %arg7: memref<10240xi32, #tpu.memory_space<vmem>>) attributes {dimension_semantics = [#tpu.dimension_semantics<arbitrary>], iteration_bounds = array<i64: 32>, scalar_prefetch = 0 : i64, scratch_operands = 0 : i64, tpu.core_type = #tpu.core_type<tc>, window_params = [{transform_indices = @transform_0, window_bounds = array<i64: 16, 10240>}, {pipeline_mode = #tpu.pipeline_mode<synchronous>, transform_indices = @transform_1, window_bounds = array<i64: 16, 128>}, {pipeline_mode = #tpu.pipeline_mode<synchronous>, transform_indices = @transform_2, window_bounds = array<i64: 1, 128>}, {transform_indices = @transform_3, window_bounds = array<i64: 2, 10240>}, {transform_indices = @transform_4, window_bounds = array<i64: 655360>}, {transform_indices = @transform_5, window_bounds = array<i64: 10240>}, {transform_indices = @transform_6, window_bounds = array<i64: 10240>}]} {
    %get3A = arith.constant 0 : index
    %get3A_0 = arith.constant 0 : index
    %get3A_1 = vector.load %arg1[%get3A, %get3A_0] : memref<16x10240xf32, #tpu.memory_space<vmem>>, vector<16x10240xf32>
    %get3A_2 = arith.constant 0 : index
    %get3A_3 = arith.constant 0 : index
    %get3A_4 = vector.load %arg2[%get3A_2, %get3A_3] : memref<16x128xf32, #tpu.memory_space<vmem>>, vector<16x128xf32>
    %dot_general3A = arith.constant dense<0.000000e+00> : vector<10240x128xf32>
    %dot_general3A_5 = tpu.matmul %get3A_1, %get3A_4, %dot_general3A {dimension_numbers = #tpu.dot_dimension_numbers<[0], [0], [1], [1], [0, 1, 1, 1], [], []>, transpose_lhs_hint = false} : vector<16x10240xf32>, vector<16x128xf32>, vector<10240x128xf32> -> vector<10240x128xf32>
    %get3A_6 = arith.constant 0 : index
    %get3A_7 = arith.constant 0 : index
    %get3A_8 = vector.load %arg3[%get3A_6, %get3A_7] : memref<1x128xf32, #tpu.memory_space<vmem>>, vector<1x128xf32>
    %add3A = vector.broadcast %get3A_8 : vector<1x128xf32> to vector<10240x128xf32>
    %add3A_9 = arith.addf %dot_general3A_5, %add3A : vector<10240x128xf32>
    %slice3A = vector.extract_strided_slice %add3A_9 {offsets = [0, 0], sizes = [5120, 128], strides = [1, 1]} : vector<10240x128xf32> to vector<5120x128xf32>
    %convert_element_type3A = arith.truncf %slice3A : vector<5120x128xf32> to vector<5120x128xbf16>
    %convert_element_type3A_10 = arith.extf %convert_element_type3A : vector<5120x128xbf16> to vector<5120x128xf32>
    %slice3A_11 = vector.extract_strided_slice %add3A_9 {offsets = [5120, 0], sizes = [5120, 128], strides = [1, 1]} : vector<10240x128xf32> to vector<5120x128xf32>
    %convert_element_type3A_12 = arith.truncf %slice3A_11 : vector<5120x128xf32> to vector<5120x128xbf16>
    %convert_element_type3A_13 = arith.extf %convert_element_type3A_12 : vector<5120x128xbf16> to vector<5120x128xf32>
    %bitcast_convert_type3A = tpu.bitcast %convert_element_type3A_10 : vector<5120x128xf32> -> vector<5120x128xi32>
    %shift_right_logical3A = arith.constant 16 : i32
    %shift_right_logical3A_14 = vector.broadcast %shift_right_logical3A : i32 to vector<5120x128xi32>
    %shift_right_logical3A_15 = arith.shrui %bitcast_convert_type3A, %shift_right_logical3A_14 : vector<5120x128xi32>
    %bitcast_convert_type3A_16 = tpu.bitcast %convert_element_type3A_13 : vector<5120x128xf32> -> vector<5120x128xi32>
    %and3A = arith.constant -65536 : i32
    %and3A_17 = vector.broadcast %and3A : i32 to vector<5120x128xi32>
    %and3A_18 = arith.andi %bitcast_convert_type3A_16, %and3A_17 : vector<5120x128xi32>
    %or3A = arith.ori %shift_right_logical3A_15, %and3A_18 : vector<5120x128xi32>
    %reshape3A = vector.shape_cast %or3A : vector<5120x128xi32> to vector<655360xi32>
    %swap3A = arith.constant 0 : index
    %swap3A_19 = vector.load %arg5[%swap3A] : memref<655360xi32, #tpu.memory_space<vmem>>, vector<655360xi32>
    tpu.vector_store %arg5[%swap3A], %reshape3A {strides = array<i32>} : memref<655360xi32, #tpu.memory_space<vmem>>, vector<655360xi32>,
    %mul3A = arith.constant 10240 : i32
    %mul3A_20 = arith.muli %arg0, %mul3A : i32
    %iota3A = tpu.iota {dimensions = array<i32: 1>} : vector<1x10240xi32>
    %iota3A_21 = vector.shape_cast %iota3A : vector<1x10240xi32> to vector<10240xi32>
    %add3A_22 = vector.broadcast %mul3A_20 : i32 to vector<10240xi32>
    %add3A_23 = arith.addi %add3A_22, %iota3A_21 : vector<10240xi32>
    %lt3A = arith.constant 320000 : i32
    %lt3A_24 = vector.broadcast %lt3A : i32 to vector<10240xi32>
    %lt3A_25 = arith.cmpi slt, %add3A_23, %lt3A_24 : vector<10240xi32>
    %get3A_26 = arith.constant 0 : index
    %get3A_27 = arith.constant 0 : index
    %get3A_28 = vector.load %arg4[%get3A_26, %get3A_27] : memref<2x10240xi32, #tpu.memory_space<vmem>>, vector<1x10240xi32>
    %get3A_29 = vector.shape_cast %get3A_28 : vector<1x10240xi32> to vector<10240xi32>
    %and3A_30 = arith.constant 8191 : i32
    %and3A_31 = vector.broadcast %and3A_30 : i32 to vector<10240xi32>
    %and3A_32 = arith.andi %add3A_23, %and3A_31 : vector<10240xi32>
    %select_n3A = arith.select %lt3A_25, %get3A_29, %and3A_32 : vector<10240xi1>, vector<10240xi32>
    %swap3A_33 = arith.constant 0 : index
    %swap3A_34 = vector.load %arg6[%swap3A_33] : memref<10240xi32, #tpu.memory_space<vmem>>, vector<10240xi32>
    tpu.vector_store %arg6[%swap3A_33], %select_n3A {strides = array<i32>} : memref<10240xi32, #tpu.memory_space<vmem>>, vector<10240xi32>,
    %get3A_35 = arith.constant 1 : index
    %get3A_36 = arith.constant 0 : index
    %get3A_37 = vector.load %arg4[%get3A_35, %get3A_36] : memref<2x10240xi32, #tpu.memory_space<vmem>>, vector<1x10240xi32>
    %get3A_38 = vector.shape_cast %get3A_37 : vector<1x10240xi32> to vector<10240xi32>
    %and3A_39 = arith.constant 127 : i32
    %and3A_40 = vector.broadcast %and3A_39 : i32 to vector<10240xi32>
    %and3A_41 = arith.andi %add3A_23, %and3A_40 : vector<10240xi32>
    %add3A_42 = arith.constant 10000 : i32
    %add3A_43 = vector.broadcast %add3A_42 : i32 to vector<10240xi32>
    %add3A_44 = arith.addi %add3A_43, %and3A_41 : vector<10240xi32>
    %select_n3A_45 = arith.select %lt3A_25, %get3A_38, %add3A_44 : vector<10240xi1>, vector<10240xi32>
    %swap3A_46 = arith.constant 0 : index
    %swap3A_47 = vector.load %arg7[%swap3A_46] : memref<10240xi32, #tpu.memory_space<vmem>>, vector<10240xi32>
    tpu.vector_store %arg7[%swap3A_46], %select_n3A_45 {strides = array<i32>} : memref<10240xi32, #tpu.memory_space<vmem>>, vector<10240xi32>,
    return
  }
  func.func @transform_0(%arg0: i32) -> (i32, i32) {
    %c0_i32 = arith.constant 0 : i32
    %c0_i32_0 = arith.constant 0 : i32
    return %c0_i32, %arg0 : i32, i32
  }
  func.func @transform_1(%arg0: i32) -> (i32, i32) {
    %c0_i32 = arith.constant 0 : i32
    %c0_i32_0 = arith.constant 0 : i32
    %c0_i32_1 = arith.constant 0 : i32
    return %c0_i32, %c0_i32_0 : i32, i32
  }
  func.func @transform_2(%arg0: i32) -> (i32, i32) {
    %c0_i32 = arith.constant 0 : i32
    %c0_i32_0 = arith.constant 0 : i32
    %c0_i32_1 = arith.constant 0 : i32
    return %c0_i32, %c0_i32_0 : i32, i32
  }
  func.func @transform_3(%arg0: i32) -> (i32, i32) {
    %c0_i32 = arith.constant 0 : i32
    %c0_i32_0 = arith.constant 0 : i32
    return %c0_i32, %arg0 : i32, i32
  }
  func.func @transform_4(%arg0: i32) -> i32 {
    %c0_i32 = arith.constant 0 : i32
    return %arg0 : i32
  }
  func.func @transform_5(%arg0: i32) -> i32 {
    %c0_i32 = arith.constant 0 : i32
    return %arg0 : i32
  }
  func.func @transform_6(%arg0: i32) -> i32 {
    %c0_i32 = arith.constant 0 : i32
    return %arg0 : i32
  }
}

</mosaic_0001>

<sc_bundles>
// kernel: kernel.6.cloned.1.call-start
scs
__scs_entry_jumppad:
0x0: {  	(pc) =	sbr.rel $0x88, $3  }
0x1: {  	(tag) =	ssettag $0x0;
	lr =	simm.s32 $0x1  }
0x2: {  	[smem:$0x3F96] =	sst lr;
	_ =	strace $0xD0000000  }
0x3: {  	_ = 	snop  }
0x4: {  	_ = 	snop  }
0x5: {  	_ = 	snop  }
0x6: {  	_ = 	snop  }
0x7: {  	_ = 	snop  }
__scs_overlays_trampoline_lowered:
0x8: {  	[smem:$0x3FA5] =	sst s0  }
0x9: {  	[smem:$0x3FA6] =	sst s1  }
0xa: {  	[smem:$0x3FA7] =	sst s2  }
0xb: {  	[smem:$0x3FA8] =	sst s3  }
0xc: {  	[smem:$0x3FA9] =	sst s4  }
0xd: {  	[smem:$0x3FAA] =	sst s5  }
0xe: {  	[smem:$0x3FAB] =	sst s6  }
0xf: {  	[smem:$0x3FAC] =	sst s7  }
0x10: {  	[smem:$0x3FAD] =	sst s8  }
0x11: {  	[smem:$0x3FAE] =	sst s9;
	s0 =	simm.s32 @!p0 $0x0  }
0x12: {  	s1 =	sld [smem:$0x3F94];
	s0 =	simm.s32 @p0 $0x1  }
0x13: {  	[smem:$0x3FAF] =	sst s0;
	s0 =	simm.s32 @!p1 $0x0  }
0x14: {  	s2 =	sld [smem:$0x3F93];
	s0 =	simm.s32 @p1 $0x1  }
0x15: {  	[smem:$0x3FB0] =	sst s0;
	s0 =	simm.s32 @!p2 $0x0  }
0x16: {  	s3 =	sld [smem:$0x3FDB];
	s0 =	simm.s32 @p2 $0x1  }
0x17: {  	s4 =	simm.s32 $0x1BF5;
	[smem:$0x3FB2] =	sst s0  }
0x18: {  	s0 =	sld [smem:$0x3F95];
	_ =	swait.ge [sflag:s4], $0x0  }
0x19: {  	s7 =	sld [smem:$0x3F96]  }
0x1a: {  	s8 =	sadd.s32 $0xFFFFE003, lr  }
0x1b: {  	s9 =	sadd.s32 $0xFFFFFEF7, lr;
	s5 =	simm.s32 $0xFFFFFFFF;
	p2 =	slt.u32 s8, $0xFFFFF086  }
0x1c: {  	p1 =	slt.u32 s9, $0xF7A;
	s5 =	simm.s32 @!p2 $0x0  }
0x1d: {  	s5 =	simm.s32 @p1 $0x1;
	p0 =	seq.s32 s7, s2  }
0x1e: {  	s7 =	smul.u32 @!p0 $0xF7A, s2;
	p2 =	seq.s32 @!p0 s5, $0x0  }
0x1f: {  	s9 =	smul.u32 $0xF7A, s1;
	s8 =	simm.s32 @!p0 $0x1BF5;
	p2 =	por !p2, p0  }
0x20: {  	[sflag:s8] =	ssyncset.s32 @!p0 $0xFFFFF086;
	s6 =	sadd.s32 @!p0 s3, s7;
	s7 =	simm.s32 @!p0 $0x108  }
0x21: {  	s3 =	sadd.s32 s3, s9;
	s6 =	sadd.s32 @!p0 $0x88, s6;
	s7 =	simm.s32 @p2 $0x1082  }
0x22: {  	[simem:s7], [sflag:s8] =	dma.local @!p0 [hbm:s6], $0xF7A  }
0x23: {  	s9 =	sor.u32 $0xD0000000, s2;
	s6 =	simm.s32 $0x108;
	_ =	swait.ge @!p0 [sflag:s8], $0x0  }
0x24: {  	s3 =	sadd.s32 $0x88, s3;
	s6 =	simm.s32 @!p1 $0x1082;
	[sflag:s4] =	ssyncset.s32 $0xFFFFF086  }
0x25: {  	[simem:s6], [sflag:s4] =	dma.local [hbm:s3], $0xF7A  }
0x26: {  	[smem:$0x3F96] =	sst s1;
	(tag) =	ssettag s2;
	_ =	strace s9  }
0x27: {  	s1 =	sld [smem:$0x3FA6]  }
0x28: {  	s2 =	sld [smem:$0x3FA7]  }
0x29: {  	s4 =	sld [smem:$0x3FA9]  }
0x2a: {  	p0 =	seq.s32 s5, $0x0;
	s5 =	sld [smem:$0x3FAA]  }
0x2b: {  	s6 =	sld [smem:$0x3FAB]  }
0x2c: {  	s7 =	sld [smem:$0x3FAC]  }
0x2d: {  	s3 =	simm.s32 $0x108;
	s8 =	sld [smem:$0x3FAD]  }
0x2e: {  	s3 =	simm.s32 @!p0 $0x1082;
	s9 =	sld [smem:$0x3FAE]  }
0x2f: {  	lr =	sadd.s32 s0, s3;
	s0 =	sld [smem:$0x3FA5]  }
0x30: {  	s3 =	sld [smem:$0x3FA8]  }
0x31: {  	[smem:$0x3FB1] =	sst s10  }
0x32: {  	s10 =	sld [smem:$0x3FAF];
	_ =	sdelay $0x3  }
0x33: {  	p0 =	seq.s32 s10, $0x1;
	s10 =	sld [smem:$0x3FB1];
	_ =	sdelay $0x3  }
0x34: {  	[smem:$0x3FB1] =	sst s10  }
0x35: {  	s10 =	sld [smem:$0x3FB0];
	_ =	sdelay $0x3  }
0x36: {  	p1 =	seq.s32 s10, $0x1;
	s10 =	sld [smem:$0x3FB1];
	_ =	sdelay $0x3  }
0x37: {  	[smem:$0x3FB1] =	sst s10  }
0x38: {  	s10 =	sld [smem:$0x3FB2]  }
0x39: {  	_ = 	snop;
	(pc) =	sbr.ind lr, $3  }
0x3a: {  	_ = 	snop  }
0x3b: {  	_ = 	snop  }
0x3c: {  	p2 =	seq.s32 s10, $0x1;
	s10 =	sld [smem:$0x3FB1]  }
0x3d: {  	_ =	shalt  }
0x3e: {  	_ =	shalt  }
0x3f: {  	_ =	shalt  }
0x40: {  	_ =	shalt  }
0x41: {  	_ =	shalt  }
0x42: {  	_ =	shalt  }
0x43: {  	_ =	shalt  }
0x44: {  	_ =	shalt  }
0x45: {  	_ =	shalt  }
0x46: {  	_ =	shalt  }
0x47: {  	_ =	shalt  }
0x48: {  	_ =	shalt  }
0x49: {  	_ =	shalt  }
0x4a: {  	_ =	shalt  }
0x4b: {  	_ =	shalt  }
0x4c: {  	_ =	shalt  }
0x4d: {  	_ =	shalt  }
0x4e: {  	_ =	shalt  }
0x4f: {  	_ =	shalt  }
0x50: {  	_ =	shalt  }
0x51: {  	_ =	shalt  }
0x52: {  	_ =	shalt  }
0x53: {  	_ =	shalt  }
0x54: {  	_ =	shalt  }
0x55: {  	_ =	shalt  }
0x56: {  	_ =	shalt  }
0x57: {  	_ =	shalt  }
0x58: {  	_ =	shalt  }
0x59: {  	_ =	shalt  }
0x5a: {  	_ =	shalt  }
0x5b: {  	_ =	shalt  }
0x5c: {  	_ =	shalt  }
0x5d: {  	_ =	shalt  }
0x5e: {  	_ =	shalt  }
0x5f: {  	_ =	shalt  }
0x60: {  	_ =	shalt  }
0x61: {  	_ =	shalt  }
0x62: {  	_ =	shalt  }
0x63: {  	_ =	shalt  }
0x64: {  	_ =	shalt  }
0x65: {  	_ =	shalt  }
0x66: {  	_ =	shalt  }
0x67: {  	_ =	shalt  }
0x68: {  	_ =	shalt  }
0x69: {  	_ =	shalt  }
0x6a: {  	_ =	shalt  }
0x6b: {  	_ =	shalt  }
0x6c: {  	_ =	shalt  }
0x6d: {  	_ =	shalt  }
0x6e: {  	_ =	shalt  }
0x6f: {  	_ =	shalt  }
0x70: {  	_ =	shalt  }
0x71: {  	_ =	shalt  }
0x72: {  	_ =	shalt  }
0x73: {  	_ =	shalt  }
0x74: {  	_ =	shalt  }
0x75: {  	_ =	shalt  }
0x76: {  	_ =	shalt  }
0x77: {  	_ =	shalt  }
0x78: {  	_ =	shalt  }
0x79: {  	_ =	shalt  }
0x7a: {  	_ =	shalt  }
0x7b: {  	_ =	shalt  }
0x7c: {  	_ =	shalt  }
0x7d: {  	_ =	shalt  }
0x7e: {  	_ =	shalt  }
0x7f: {  	_ =	shalt  }
0x80: {  	_ =	shalt  }
0x81: {  	_ =	shalt  }
0x82: {  	_ =	shalt  }
0x83: {  	_ =	shalt  }
0x84: {  	_ =	shalt  }
0x85: {  	_ =	shalt  }
0x86: {  	_ =	shalt  }
0x87: {  	_ =	shalt  }
.Lfunc_end0:
.L_simem_size_0:
called_computation_lowered:
.L_overlay_start_0:
0x88: {  	s2 =	sld [smem:$0x3FD9]  }
0x89: {  	s3 =	sld [smem:$0x3FFE];
	_ =	sdelay $0x1  }
0x8a: {  	s1 =	srdreg.scid  }
0x8b: {  	s0 =	sand.u32 $0x1, s1  }
0x8c: {  	s17 =	sshll.u32 s0, $0xA;
	s2 =	sadd.s32 s3, s2  }
0x8d: {  	s2 =	sadd.s32 s2, s17  }
0x8e: {  	[smem:$0x3FBD] =	sst s2  }
0x8f: {  	_ = 	snop  }
0x90: {  	s2 =	sld [smem:$0x3FD0];
	(tm) =	ssettm $0x1  }
0x91: {  	s18 =	sld [smem:$0x3FFB];
	_ =	sdelay $0x3  }
0x92: {  	_ =	strace s18  }
0x93: {  	s3 =	sld [smem:$0x3FFC];
	_ =	sdelay $0x3  }
0x94: {  	_ =	strace s3  }
0x95: {  	s3 =	sld [smem:$0x3FFD];
	_ =	sdelay $0x3  }
0x96: {  	_ =	strace s3  }
0x97: {  	_ =	strace $0x8FFFFFFF  }
0x98: {  	s19 =	sld [smem:$0x3FDB];
	_ =	sdelay $0x1  }
0x99: {  	s4 =	simm.s32 $_scs_section_size  }
0x9a: {  	s5 =	simm.s32 $_size__tile_overlayer_lowered;
	s6 =	simm.s32 $_tile_overlayer_lowered  }
0x9b: {  	s22 =	simm.s32 $0x1BFF;
	s21 =	sshll.u32 s6, $0x1;
	s3 =	sadd.s32 s4, s19  }
0x9c: {  	s7 =	simm.s32 $0x0;
	s20 =	sshll.u32 s5, $0x1;
	s5 =	sadd.s32 s21, s3  }
0x9d: {  	[timem:s7], [sflag:s22] =	dma.local [hbm:s5], s20  }
0x9e: {  	_ =	swait.ge [sflag:s22], s20  }
0x9f: {  	s4 =	ssub.s32 $0x0, s20;
	[sflag:s22] =	ssyncset.done $0x0  }
0xa0: {  	[sflag:s22] =	ssyncadd.s32 s4;
	_ =	sdelay $0x1  }
0xa1: {  	s23 =	simm.s32 $0x1B8B  }
0xa2: {  	_ =	swait.ge [sflag:s23], $0x1  }
0xa3: {  	[sflag:s23] =	ssyncset.done $0x0  }
0xa4: {  	s25 =	simm.s32 $0x1B8E;
	s24 =	sld [smem:$0x3FFE];
	[sflag:s23] =	ssyncadd.s32 $0xFFFFFFFF  }
0xa5: {  	s26 =	simm.s32 $execute0_lowered;
	[smem:$0x3FD2] =	sst s25  }
0xa6: {  	s5 =	sshll.u32 s26, $0x1;
	_ =	strace $0x80000046;
	[dreg:$0x1] =	wrdreg $0xFFFFFFFF  }
0xa7: {  	s28 =	simm.s32 $_size_execute0_lowered;
	s3 =	sadd.s32 s3, s5;
	[dreg:$0x0] =	wrdreg $0x0  }
0xa8: {  	s5 =	sshll.u32 s28, $0x1;
	[dreg:$0x2] =	wrdreg s3  }
0xa9: {  	[dreg:$0x3] =	wrdreg s5  }
0xaa: {  	[dreg:$0x4] =	wrdreg $0xC0  }
0xab: {  	_ =	task [dreg:s7], $0x5FFFF  }
0xac: {  	[dreg:$0x1] =	wrdreg $0xFFFFFFFF  }
0xad: {  	[dreg:$0x0] =	wrdreg $0x60  }
0xae: {  	[dreg:$0x2] =	wrdreg s2  }
0xaf: {  	[dreg:$0x3] =	wrdreg s24  }
0xb0: {  	[dreg:$0x4] =	wrdreg $0xA2000  }
0xb1: {  	[dreg:$0x5] =	wrdreg $0x9  }
0xb2: {  	_ =	task.clear_ibuf [dreg:s7], $0x6FFFF;
	_ =	strace $0x90000046  }
0xb3: {  	s29 =	simm.s32 $0x9;
	_ =	strace $0x80000048  }
0xb4: {  	_ =	swait.ge [sflag:s29], $0x1  }
0xb5: {  	[sflag:s29] =	ssyncadd.s32 $0xFFFFFFFF  }
0xb6: {  	_ =	strace $0x90000048  }
0xb7: {  	_ =	sfence  }
0xb8: {  	s30 =	sld [smem:$0x0];
	_ =	sdelay $0x2  }
0xb9: {  	s31 =	sshll.u32 s1, $0xD;
	s1 =	sshrl.u32 s1, $0x2  }
0xba: {  	s3 =	sand.u32 $0x4000, s31;
	s1 =	sadd.s32 s1, s30  }
0xbb: {  	s0 =	sor.u32 s3, s0;
	s1 =	sshll.u32 s1, $0x11  }
0xbc: {  	s0 =	sor.u32 s1, s0  }
0xbd: {  	s0 =	sadd.s32 $0x8F2B, s0  }
0xbe: {  	[sflag:s0] =	ssyncadd.remote.s32 $0x1  }
0xbf: {  	_ =	sfence.sel $0xFFFF  }
0xc0: {  	[dreg:$0x0] =	wrdreg $0xFFFFFFFF;
	(pc) =	sbr.abs _section_cstart, $3  }
0xc1: {  	[dreg:$0x1] =	wrdreg $0xFFFFFFFF  }
0xc2: {  	_ =	task.clear_ibuf [dreg:s7], $0x2FFFF;
	_ =	strace $0x9FFFFFFF  }
0xc3: {  	(tm) =	ssettm $0x7FFFFFFF  }
tec
execute0_lowered:
.L_overlay_start_1:
0x0: {  	(tag) =	ssettag $0x1  }
0x1: {  	s1 =	rddreg [dreg:$0x0]  }
0x2: {  	s0 =	rddreg [dreg:$0x1]  }
0x3: {  	s2 =	rddreg [dreg:$0x2];
	s3 =	simm.s32 $0x0;
	s4 =	srdreg.scid  }
0x4: {  	s11 =	stileid.u32;
	s28 =	simm.s32 $0x5200;
	s29 =	simm.s32 $0x7  }
0x5: {  	s30 =	simm.s32 $0x100;
	s31 =	simm.s32 $0x80;
	s13 =	simm.s32 $0x1  }
0x6: {  	[smem:$0x7FF] =	sst s3;
	s4 =	sand.u32 $0x1, s4;
	s5 =	sadd.s32 $0x282A00, s0  }
0x7: {  	s6 =	sadd.s32 $0x28CA00, s0;
	s7 =	sadd.s32 $0x2A00, s0;
	s9 =	smul.u32 $0x50000, s11  }
0x8: {  	_ =	strace $0x80000047;
	s8 =	smul.u32 $0x28000, s4;
	s14 =	ssub.s32 $0x2, s4  }
0x9: {  	s4 =	sshll.u32 s4, $0x4;
	s10 =	sshrl.u32 s14, $0x1;
	s9 =	sshrl.u32 s9, $0x2  }
0xa: {  	s4 =	sor.u32 s11, s4;
	s11 =	smul.u32 $0x2800, s11;
	s21 =	sadd.s32 s9, s2  }
0xb: {  	s0 =	sadd.s32 s8, s0;
	s9 =	sadd.s32 $0x2800, s21;
	[dreg:$0x4] =	wrdreg s21  }
0xc: {  	s10 =	ssub.s32 s14, s10;
	s15 =	sadd.s32 $0x5000, s21;
	[dreg:$0x5] =	wrdreg s9  }
0xd: {  	s8 =	smul.u32 $0x2800, s4;
	s16 =	sadd.s32 $0x7800, s21;
	[dreg:$0x6] =	wrdreg s15  }
0xe: {  	s4 =	smul.u32 $0xA0000, s4;
	s17 =	sadd.s32 $0xA000, s21;
	[dreg:$0x7] =	wrdreg s16  }
0xf: {  	s14 =	simm.s32 $0x2A00;
	s18 =	sadd.s32 $0xC800, s21;
	[dreg:$0x8] =	wrdreg s17  }
0x10: {  	s19 =	sadd.s32 $0xF000, s21;
	s20 =	sadd.s32 $0x11800, s21;
	[dreg:$0x9] =	wrdreg s18  }
0x11: {  	s0 =	sadd.s32 $0x296A00, s0;
	s26 =	smax.u32 s10, $0x1;
	[dreg:$0xa] =	wrdreg s19  }
0x12: {  	s10 =	simm.s32 $0x50;
	[dreg:$0xb] =	wrdreg s20;
	s22 =	sshrl.u32 s8, $0x3  }
0x13: {  	s18 =	sadd.s32 $0x1400, s8;
	s0 =	sadd.s32 s11, s0;
	s25 =	sshrl.u32 s4, $0x3  }
0x14: {  	[dreg:$0x12] =	wrdreg s26;
	s26 =	sadd.s32 $0x1450, s8;
	s11 =	simm.s32 $0x4  }
0x15: {  	s15 =	simm.s32 $0x5;
	s16 =	simm.s32 $0x6;
	s17 =	simm.s32 $0x2  }
0x16: {  	s19 =	simm.s32 $0x0;
	s12 =	sadd.s32 s5, s22;
	[dreg:$0xf] =	wrdreg s0  }
.Ltmp0:
0x17: {  	s9 =	sadd.s32 s6, s22;
	[dreg:$0xc] =	wrdreg s12;
	(pc) =	sbr.rel .LBB2_1-.Ltmp0, $4  }
0x18: {  	s23 =	sshrl.u32 s18, $0x3;
	s0 =	sadd.s32 s7, s25;
	[dreg:$0xd] =	wrdreg s9  }
0x19: {  	s24 =	sadd.s32 s5, s23;
	s9 =	sadd.s32 s6, s23;
	[dreg:$0x11] =	wrdreg s0  }
0x1a: {  	s0 =	simm.s32 $0x180;
	s12 =	simm.s32 $0x7A00;
	[dreg:$0xe] =	wrdreg s24  }
0x1b: {  	v0 =	vimm.f32 $0.0e+00;
	[dreg:$0x10] =	wrdreg s9;
	s24 =	sor.u32 $0x2800, s4;
	s4 =	simm.s32 $0x3  }
.LBB2_14:
0x1c: {  	_ =	swait.ge [sflag:s15], $0x2800  }
0x1d: {  	[sflag:s15] =	ssyncset.done $0x0  }
0x1e: {  	[sflag:s15] =	ssyncadd.s32 $0xFFFFD800  }
0x1f: {  	_ =	swait.ge [sflag:s16], $0x2800  }
0x20: {  	[sflag:s16] =	ssyncset.done $0x0  }
0x21: {  	[sflag:s16] =	ssyncadd.s32 $0xFFFFD800  }
0x22: {  	s9 =	stileid.u32;
	[bflag:$0x0] =	sbarrier.arrive $0xFFFF  }
0x23: {  	s9 =	sshll.u32 s9, $0x6;
	s21 =	rddreg [dreg:$0x4]  }
0x24: {  	s9 =	sor.u32 $0x1C07, s9;
	s20 =	rddreg [dreg:$0xf];
	s19 =	sshrl.u32 s21, $0x3  }
0x25: {  	[hbm:s20], [sflag:s9] =	dma.local [spmem:s19], $0x2800  }
0x26: {  	_ =	swait.ge [sflag:s29], $0x2800  }
0x27: {  	s23 =	rddreg [dreg:$0x13]  }
0x28: {  	s25 =	rddreg [dreg:$0x12];
	s19 =	sadd.s32 $0x1, s23  }
0x29: {  	p0 =	sne.s32 s19, s25  }
.Ltmp1:
0x2a: {  	_ = 	snop;
	(pc) =	sbr.rel @!p0 .LBB2_15-.Ltmp1, $3  }
0x2b: {  	_ =	sdelay $0x1  }
0x2c: {  	[sflag:s29] =	ssyncset.done $0x0  }
0x2d: {  	[sflag:s29] =	ssyncadd.s32 $0xFFFFD800  }
.LBB2_1:
0x2e: {  	[dreg:$0x13] =	wrdreg s19;
	s9 =	simm.s32 $0x0;
	s20 =	simm.s32 $0x200  }
.LBB2_2:
0x2f: {  	p0 =	sne.s32 s20, $0x9E00;
	[tilespmem:s9+$0x5270] =	vst v0  }
0x30: {  	[tilespmem:s9+$0x5200] =	vst v0  }
0x31: {  	[tilespmem:s9+$0x5210] =	vst v0  }
.Ltmp2:
0x32: {  	[tilespmem:s9+$0x5220] =	vst v0;
	(pc) =	sbr.rel @p0 .LBB2_2-.Ltmp2, $4  }
0x33: {  	[tilespmem:s9+$0x5230] =	vst v0  }
0x34: {  	[tilespmem:s9+$0x5240] =	vst v0  }
0x35: {  	[tilespmem:s9+$0x5250] =	vst v0  }
0x36: {  	[tilespmem:s9+$0x5260] =	vst v0;
	s9 =	sshra.s32 s20, $0x2;
	s20 =	sadd.s32 $0x200, s20  }
0x37: {  	[tilespmem:s9+$0x5270] =	vst v0  }
0x38: {  	[tilespmem:s9+$0x5200] =	vst v0  }
0x39: {  	[tilespmem:s9+$0x5210] =	vst v0  }
0x3a: {  	[tilespmem:s9+$0x5220] =	vst v0  }
0x3b: {  	[tilespmem:s9+$0x5230] =	vst v0  }
0x3c: {  	[tilespmem:s9+$0x5240] =	vst v0  }
0x3d: {  	[tilespmem:s9+$0x5250] =	vst v0  }
0x3e: {  	[tilespmem:s9+$0x5260] =	vst v0  }
0x3f: {  	[spmem:s21] =	stream.linear.scatter [tilespmem:s28], [sflag:$0x7], $0x2800, $0x38;
	[tilespmem:$0x1E200] =	vst v63  }
0x40: {  	_ =	swait.ge [sflag:s29], $0x2800  }
0x41: {  	[sflag:s29] =	ssyncset.done $0x0  }
0x42: {  	s25 =	rddreg [dreg:$0x5];
	[sflag:s29] =	ssyncadd.s32 $0xFFFFD800  }
0x43: {  	[spmem:s25] =	stream.linear.scatter [tilespmem:s28], [sflag:$0x7], $0x2800, $0x38;
	[tilespmem:$0x1E200] =	vst v63  }
0x44: {  	_ =	swait.ge [sflag:s29], $0x2800  }
0x45: {  	[sflag:s29] =	ssyncset.done $0x0  }
0x46: {  	s19 =	rddreg [dreg:$0x6];
	[sflag:s29] =	ssyncadd.s32 $0xFFFFD800  }
0x47: {  	[spmem:s19] =	stream.linear.scatter [tilespmem:s28], [sflag:$0x7], $0x2800, $0x38;
	[tilespmem:$0x1E200] =	vst v63  }
0x48: {  	_ =	swait.ge [sflag:s29], $0x2800  }
0x49: {  	[sflag:s29] =	ssyncset.done $0x0  }
0x4a: {  	s20 =	rddreg [dreg:$0x7];
	[sflag:s29] =	ssyncadd.s32 $0xFFFFD800  }
0x4b: {  	[spmem:s20] =	stream.linear.scatter [tilespmem:s28], [sflag:$0x7], $0x2800, $0x38;
	[tilespmem:$0x1E200] =	vst v63  }
0x4c: {  	_ =	swait.ge [sflag:s29], $0x2800  }
0x4d: {  	[sflag:s29] =	ssyncset.done $0x0  }
0x4e: {  	s21 =	rddreg [dreg:$0x8];
	[sflag:s29] =	ssyncadd.s32 $0xFFFFD800  }
0x4f: {  	[spmem:s21] =	stream.linear.scatter [tilespmem:s28], [sflag:$0x7], $0x2800, $0x38;
	[tilespmem:$0x1E200] =	vst v63  }
0x50: {  	_ =	swait.ge [sflag:s29], $0x2800  }
0x51: {  	[sflag:s29] =	ssyncset.done $0x0  }
0x52: {  	s22 =	rddreg [dreg:$0x9];
	[sflag:s29] =	ssyncadd.s32 $0xFFFFD800  }
0x53: {  	[spmem:s22] =	stream.linear.scatter [tilespmem:s28], [sflag:$0x7], $0x2800, $0x38;
	[tilespmem:$0x1E200] =	vst v63  }
0x54: {  	_ =	swait.ge [sflag:s29], $0x2800  }
0x55: {  	[sflag:s29] =	ssyncset.done $0x0  }
0x56: {  	s23 =	rddreg [dreg:$0xa];
	[sflag:s29] =	ssyncadd.s32 $0xFFFFD800  }
0x57: {  	[spmem:s23] =	stream.linear.scatter [tilespmem:s28], [sflag:$0x7], $0x2800, $0x38;
	[tilespmem:$0x1E200] =	vst v63  }
0x58: {  	_ =	swait.ge [sflag:s29], $0x2800  }
0x59: {  	[sflag:s29] =	ssyncset.done $0x0  }
0x5a: {  	s25 =	rddreg [dreg:$0xb];
	[sflag:s29] =	ssyncadd.s32 $0xFFFFD800  }
0x5b: {  	[spmem:s25] =	stream.linear.scatter [tilespmem:s28], [sflag:$0x7], $0x2800, $0x38;
	[tilespmem:$0x1E200] =	vst v63  }
0x5c: {  	_ =	swait.ge [sflag:s29], $0x2800  }
0x5d: {  	[sflag:s29] =	ssyncset.done $0x0  }
0x5e: {  	[sflag:s29] =	ssyncadd.s32 $0xFFFFD800  }
0x5f: {  	[bflag:$0x0] =	sbarrier.arrive $0xFFFF  }
0x60: {  	s20 =	simm.s32 $0x0;
	s19 =	rddreg [dreg:$0xc]  }
0x61: {  	[tilespmem:s20], [sflag:$0x3] =	stream.linear.gather [hbm4b:s19+s20], $0x50, $0x38;
	[tilespmem:$0x1E200] =	vst v63  }
0x62: {  	s21 =	rddreg [dreg:$0xd]  }
0x63: {  	[tilespmem:s30], [sflag:$0x3] =	stream.linear.gather [hbm4b:s21+s20], $0x50, $0x38;
	[tilespmem:$0x1E200] =	vst v63  }
0x64: {  	s22 =	rddreg [dreg:$0xe]  }
0x65: {  	[tilespmem:s31], [sflag:$0x4] =	stream.linear.gather [hbm4b:s22+s20], $0x50, $0x38;
	[tilespmem:$0x1E200] =	vst v63  }
0x66: {  	s23 =	rddreg [dreg:$0x10]  }
0x67: {  	[tilespmem:s0], [sflag:$0x4] =	stream.linear.gather [hbm4b:s23+s20], $0x50, $0x38;
	[tilespmem:$0x1E200] =	vst v63  }
0x68: {  	s25 =	rddreg [dreg:$0x11];
	s19 =	simm.s32 $0x200  }
0x69: {  	[tilespmem:s19], [sflag:$0x1] =	stream.linear.gather [hbm4b:s25+s20], $0x2800, $0x38;
	[tilespmem:$0x1E200] =	vst v63  }
0x6a: {  	_ =	swait.ge [sflag:s4], $0x50  }
0x6b: {  	[sflag:s4] =	ssyncset.done $0x0  }
0x6c: {  	[sflag:s4] =	ssyncadd.s32 $0xFFFFFFB0  }
0x6d: {  	_ =	swait.ge [sflag:s4], $0x50  }
0x6e: {  	[sflag:s4] =	ssyncset.done $0x0  }
0x6f: {  	s21 =	simm.s32 $0x0;
	[sflag:s4] =	ssyncadd.s32 $0xFFFFFFB0  }
0x70: {  	[tilespmem:s28], [sflag:$0x3] =	stream.indirect.gather [hbm4b:s1+s10], $0x80, s20, s10, $0xb8;
	[tilespmem:$0x1E200] =	vst v63  }
.LBB2_4:
0x71: {  	p0 =	seq.s32 s21, $0x0  }
0x72: {  	s9 =	simm.s32 @!p0 $0x6  }
0x73: {  	_ =	swait.ge @!p0 [sflag:s9], $0x2800  }
0x74: {  	[sflag:s9] =	ssyncset.done @!p0 $0x0  }
0x75: {  	[sflag:s9] =	ssyncadd.s32 @!p0 $0xFFFFD800  }
0x76: {  	_ =	swait.ge [sflag:s11], $0x50  }
0x77: {  	[sflag:s11] =	ssyncset.done $0x0  }
0x78: {  	[sflag:s11] =	ssyncadd.s32 $0xFFFFFFB0  }
0x79: {  	_ =	swait.ge [sflag:s11], $0x50  }
0x7a: {  	[sflag:s11] =	ssyncset.done $0x0  }
0x7b: {  	s25 =	smul.u32 $0x5000, s21;
	[sflag:s11] =	ssyncadd.s32 $0xFFFFFFB0  }
0x7c: {  	[tilespmem:s12], [sflag:$0x4] =	stream.indirect.gather [hbm4b:s1+s10], $0x80, s31, s10, $0xb8;
	[tilespmem:$0x1E200] =	vst v63  }
0x7d: {  	s9 =	sadd.s32 s25, s24;
	_ =	swait.ge [sflag:s13], $0x2800  }
0x7e: {  	s9 =	sshrl.u32 s9, $0x3;
	[sflag:s13] =	ssyncset.done $0x0  }
0x7f: {  	s9 =	sadd.s32 s7, s9;
	[sflag:s13] =	ssyncadd.s32 $0xFFFFD800  }
0x80: {  	[tilespmem:s14], [sflag:$0x2] =	stream.linear.gather [hbm4b:s9+s20], $0x2800, $0x38;
	[tilespmem:$0x1E200] =	vst v63  }
0x81: {  	_ =	swait.ge [sflag:s4], $0x2800  }
0x82: {  	[sflag:s4] =	ssyncset.done $0x0  }
0x83: {  	s25 =	simm.s32 $0x0;
	[sflag:s4] =	ssyncadd.s32 $0xFFFFD800  }
0x84: {  	v7 =	vld [tilespmem:s25+$0x200]  }
0x85: {  	v13 =	vld [tilespmem:s25+$0x210]  }
0x86: {  	v6 =	vld [tilespmem:s25+$0x220]  }
0x87: {  	v5 =	vld [tilespmem:s25+$0x230]  }
0x88: {  	v4 =	vld [tilespmem:s25+$0x240]  }
0x89: {  	v3 =	vld [tilespmem:s25+$0x250]  }
0x8a: {  	v2 =	vld [tilespmem:s25+$0x260]  }
0x8b: {  	v1 =	vld [tilespmem:s25+$0x270]  }
0x8c: {  	v12 =	vld [tilespmem:s25+$0x5200]  }
0x8d: {  	v11 =	vld [tilespmem:s25+$0x5210]  }
0x8e: {  	v10 =	vld [tilespmem:s25+$0x5220]  }
0x8f: {  	v9 =	vld [tilespmem:s25+$0x5230]  }
0x90: {  	v8 =	vld [tilespmem:s25+$0x5240];
	v7 =	vshll.u32 v7, $0x10  }
0x91: {  	s22 =	sshll.u32 s21, $0x2;
	s23 =	simm.s32 $0x200;
	v13 =	vshll.u32 v13, $0x10;
	v12 =	vadd.f32 v7, v12;
	v7 =	vld [tilespmem:s25+$0x5250]  }
.LBB2_5:
0x92: {  	p0 =	sne.s32 s23, $0x9E00;
	v11 =	vadd.f32 v13, v11;
	v6 =	vshll.u32 v6, $0x10;
	v13 =	vld [tilespmem:s25+$0x5260]  }
0x93: {  	s9 =	sshra.s32 s23, $0x2;
	v5 =	vshll.u32 v5, $0x10;
	v12 =	vmax.f32 v12, $0.0e+00;
	v6 =	vadd.f32 v6, v10;
	v10 =	vld [tilespmem:s25+$0x5270]  }
0x94: {  	v4 =	vshll.u32 v4, $0x10;
	v14 =	vld [tilespmem:s9+$0x200];
	[tilespmem:s25+$0x5200] =	vst v12;
	v11 =	vmax.f32 v11, $0.0e+00;
	v5 =	vadd.f32 v5, v9  }
0x95: {  	v3 =	vshll.u32 v3, $0x10;
	v15 =	vld [tilespmem:s9+$0x210];
	[tilespmem:s25+$0x5210] =	vst v11;
	v9 =	vmax.f32 v6, $0.0e+00;
	v4 =	vadd.f32 v4, v8  }
0x96: {  	v2 =	vshll.u32 v2, $0x10;
	v6 =	vld [tilespmem:s9+$0x220];
	[tilespmem:s25+$0x5220] =	vst v9;
	v8 =	vmax.f32 v5, $0.0e+00;
	v3 =	vadd.f32 v3, v7  }
0x97: {  	v1 =	vshll.u32 v1, $0x10;
	v5 =	vld [tilespmem:s9+$0x230];
	[tilespmem:s25+$0x5230] =	vst v8;
	v7 =	vmax.f32 v4, $0.0e+00;
	v2 =	vadd.f32 v2, v13  }
0x98: {  	v4 =	vld [tilespmem:s9+$0x240];
	[tilespmem:s25+$0x5240] =	vst v7;
	v7 =	vmax.f32 v3, $0.0e+00;
	v1 =	vadd.f32 v1, v10  }
0x99: {  	v3 =	vld [tilespmem:s9+$0x250];
	[tilespmem:s25+$0x5250] =	vst v7;
	v7 =	vmax.f32 v2, $0.0e+00  }
0x9a: {  	v2 =	vld [tilespmem:s9+$0x260];
	[tilespmem:s25+$0x5260] =	vst v7;
	v7 =	vmax.f32 v1, $0.0e+00  }
0x9b: {  	v1 =	vld [tilespmem:s9+$0x270];
	[tilespmem:s25+$0x5270] =	vst v7;
	s25 =	smov.u32 s9  }
0x9c: {  	v7 =	vld [tilespmem:s25+$0x5200]  }
.Ltmp3:
0x9d: {  	v11 =	vld [tilespmem:s25+$0x5210];
	(pc) =	sbr.rel @p0 .LBB2_5-.Ltmp3, $4  }
0x9e: {  	v10 =	vld [tilespmem:s25+$0x5220]  }
0x9f: {  	v9 =	vld [tilespmem:s25+$0x5230]  }
0xa0: {  	v12 =	vshll.u32 v14, $0x10;
	v8 =	vld [tilespmem:s25+$0x5240]  }
0xa1: {  	s23 =	sadd.s32 $0x200, s23;
	v13 =	vshll.u32 v15, $0x10;
	v12 =	vadd.f32 v12, v7;
	v7 =	vld [tilespmem:s25+$0x5250]  }
0xa2: {  	v11 =	vadd.f32 v13, v11;
	v6 =	vshll.u32 v6, $0x10;
	v13 =	vld [tilespmem:s25+$0x5260]  }
0xa3: {  	v5 =	vshll.u32 v5, $0x10;
	v12 =	vmax.f32 v12, $0.0e+00;
	v6 =	vadd.f32 v6, v10;
	v10 =	vld [tilespmem:s25+$0x5270]  }
0xa4: {  	v4 =	vshll.u32 v4, $0x10;
	[tilespmem:s25+$0x5200] =	vst v12;
	v11 =	vmax.f32 v11, $0.0e+00;
	v5 =	vadd.f32 v5, v9  }
0xa5: {  	v3 =	vshll.u32 v3, $0x10;
	[tilespmem:s25+$0x5210] =	vst v11;
	v6 =	vmax.f32 v6, $0.0e+00;
	v4 =	vadd.f32 v4, v8  }
0xa6: {  	v2 =	vshll.u32 v2, $0x10;
	[tilespmem:s25+$0x5220] =	vst v6;
	v5 =	vmax.f32 v5, $0.0e+00;
	v3 =	vadd.f32 v3, v7  }
0xa7: {  	v1 =	vshll.u32 v1, $0x10;
	s23 =	sshllo.u32 s21, $0x1;
	[tilespmem:s25+$0x5230] =	vst v5;
	v4 =	vmax.f32 v4, $0.0e+00;
	v2 =	vadd.f32 v2, v13  }
0xa8: {  	s9 =	smul.u32 $0x50, s23;
	[tilespmem:s25+$0x5240] =	vst v4;
	v3 =	vmax.f32 v3, $0.0e+00;
	v1 =	vadd.f32 v1, v10  }
0xa9: {  	[tilespmem:s25+$0x5250] =	vst v3;
	v2 =	vmax.f32 v2, $0.0e+00  }
0xaa: {  	s9 =	sadd.s32 s8, s9;
	[tilespmem:s25+$0x5260] =	vst v2;
	v1 =	vmax.f32 v1, $0.0e+00  }
0xab: {  	s9 =	sshrl.u32 s9, $0x3;
	[tilespmem:s25+$0x5270] =	vst v1  }
0xac: {  	[spmem:s2] =	stream.indirect.scatter.add.f32 [tilespmem:s28], [sflag:$0x5], $0x80, s30, s10, $0xb8;
	[tilespmem:$0x1E200] =	vst v63  }
0xad: {  	s19 =	simm.s32 $0x0;
	s25 =	sadd.s32 s5, s9  }
0xae: {  	[tilespmem:s19], [sflag:$0x3] =	stream.linear.gather [hbm4b:s25+s19], $0x50, $0x38;
	[tilespmem:$0x1E200] =	vst v63  }
0xaf: {  	s9 =	sadd.s32 s6, s9  }
0xb0: {  	[tilespmem:s30], [sflag:$0x3] =	stream.linear.gather [hbm4b:s9+s19], $0x50, $0x38;
	[tilespmem:$0x1E200] =	vst v63  }
0xb1: {  	_ =	swait.ge [sflag:s15], $0x2800  }
0xb2: {  	[sflag:s15] =	ssyncset.done $0x0  }
0xb3: {  	[sflag:s15] =	ssyncadd.s32 $0xFFFFD800  }
0xb4: {  	_ =	swait.ge [sflag:s4], $0x50  }
0xb5: {  	[sflag:s4] =	ssyncset.done $0x0  }
0xb6: {  	[sflag:s4] =	ssyncadd.s32 $0xFFFFFFB0  }
0xb7: {  	_ =	swait.ge [sflag:s4], $0x50  }
0xb8: {  	[sflag:s4] =	ssyncset.done $0x0  }
0xb9: {  	[sflag:s4] =	ssyncadd.s32 $0xFFFFFFB0  }
0xba: {  	[tilespmem:s28], [sflag:$0x3] =	stream.indirect.gather [hbm4b:s1+s10], $0x80, s19, s10, $0xb8;
	[tilespmem:$0x1E200] =	vst v63  }
0xbb: {  	_ =	swait.ge [sflag:s11], $0x2800  }
0xbc: {  	[sflag:s11] =	ssyncset.done $0x0  }
0xbd: {  	s25 =	simm.s32 $0x0;
	[sflag:s11] =	ssyncadd.s32 $0xFFFFD800  }
0xbe: {  	v7 =	vld [tilespmem:s25+$0x200]  }
0xbf: {  	v13 =	vld [tilespmem:s25+$0x210]  }
0xc0: {  	v6 =	vld [tilespmem:s25+$0x220]  }
0xc1: {  	v5 =	vld [tilespmem:s25+$0x230]  }
0xc2: {  	v4 =	vld [tilespmem:s25+$0x240]  }
0xc3: {  	v3 =	vld [tilespmem:s25+$0x250]  }
0xc4: {  	v2 =	vld [tilespmem:s25+$0x260]  }
0xc5: {  	v1 =	vld [tilespmem:s25+$0x270]  }
0xc6: {  	v12 =	vld [tilespmem:s25+$0x7A00]  }
0xc7: {  	v11 =	vld [tilespmem:s25+$0x7A10]  }
0xc8: {  	v10 =	vld [tilespmem:s25+$0x7A20]  }
0xc9: {  	v9 =	vld [tilespmem:s25+$0x7A30]  }
0xca: {  	v8 =	vld [tilespmem:s25+$0x7A40];
	v7 =	vand.u32 $0xFFFF0000, v7  }
0xcb: {  	s9 =	simm.s32 $0x200;
	v13 =	vand.u32 $0xFFFF0000, v13;
	v12 =	vadd.f32 v7, v12;
	v7 =	vld [tilespmem:s25+$0x7A50]  }
.LBB2_7:
0xcc: {  	p0 =	sne.s32 s9, $0x9E00;
	v11 =	vadd.f32 v13, v11;
	v6 =	vand.u32 $0xFFFF0000, v6;
	v13 =	vld [tilespmem:s25+$0x7A60]  }
0xcd: {  	s19 =	sshra.s32 s9, $0x2;
	v5 =	vand.u32 $0xFFFF0000, v5;
	v12 =	vmax.f32 v12, $0.0e+00;
	v6 =	vadd.f32 v6, v10;
	v10 =	vld [tilespmem:s25+$0x7A70]  }
0xce: {  	v4 =	vand.u32 $0xFFFF0000, v4;
	v14 =	vld [tilespmem:s19+$0x200];
	[tilespmem:s25+$0x7A00] =	vst v12;
	v11 =	vmax.f32 v11, $0.0e+00;
	v5 =	vadd.f32 v5, v9  }
0xcf: {  	v3 =	vand.u32 $0xFFFF0000, v3;
	v15 =	vld [tilespmem:s19+$0x210];
	[tilespmem:s25+$0x7A10] =	vst v11;
	v9 =	vmax.f32 v6, $0.0e+00;
	v4 =	vadd.f32 v4, v8  }
0xd0: {  	v2 =	vand.u32 $0xFFFF0000, v2;
	v6 =	vld [tilespmem:s19+$0x220];
	[tilespmem:s25+$0x7A20] =	vst v9;
	v8 =	vmax.f32 v5, $0.0e+00;
	v3 =	vadd.f32 v3, v7  }
0xd1: {  	v1 =	vand.u32 $0xFFFF0000, v1;
	v5 =	vld [tilespmem:s19+$0x230];
	[tilespmem:s25+$0x7A30] =	vst v8;
	v7 =	vmax.f32 v4, $0.0e+00;
	v2 =	vadd.f32 v2, v13  }
0xd2: {  	v4 =	vld [tilespmem:s19+$0x240];
	[tilespmem:s25+$0x7A40] =	vst v7;
	v7 =	vmax.f32 v3, $0.0e+00;
	v1 =	vadd.f32 v1, v10  }
0xd3: {  	v3 =	vld [tilespmem:s19+$0x250];
	[tilespmem:s25+$0x7A50] =	vst v7;
	v7 =	vmax.f32 v2, $0.0e+00  }
0xd4: {  	v2 =	vld [tilespmem:s19+$0x260];
	[tilespmem:s25+$0x7A60] =	vst v7;
	v7 =	vmax.f32 v1, $0.0e+00  }
0xd5: {  	v1 =	vld [tilespmem:s19+$0x270];
	[tilespmem:s25+$0x7A70] =	vst v7;
	s25 =	smov.u32 s19  }
0xd6: {  	v7 =	vld [tilespmem:s25+$0x7A00]  }
.Ltmp4:
0xd7: {  	v11 =	vld [tilespmem:s25+$0x7A10];
	(pc) =	sbr.rel @p0 .LBB2_7-.Ltmp4, $4  }
0xd8: {  	v10 =	vld [tilespmem:s25+$0x7A20]  }
0xd9: {  	v9 =	vld [tilespmem:s25+$0x7A30]  }
0xda: {  	v12 =	vand.u32 $0xFFFF0000, v14;
	v8 =	vld [tilespmem:s25+$0x7A40]  }
0xdb: {  	s9 =	sadd.s32 $0x200, s9;
	v13 =	vand.u32 $0xFFFF0000, v15;
	v12 =	vadd.f32 v12, v7;
	v7 =	vld [tilespmem:s25+$0x7A50]  }
0xdc: {  	v11 =	vadd.f32 v13, v11;
	v6 =	vand.u32 $0xFFFF0000, v6;
	v13 =	vld [tilespmem:s25+$0x7A60]  }
0xdd: {  	v5 =	vand.u32 $0xFFFF0000, v5;
	v12 =	vmax.f32 v12, $0.0e+00;
	v6 =	vadd.f32 v6, v10;
	v10 =	vld [tilespmem:s25+$0x7A70]  }
0xde: {  	v4 =	vand.u32 $0xFFFF0000, v4;
	[tilespmem:s25+$0x7A00] =	vst v12;
	v11 =	vmax.f32 v11, $0.0e+00;
	v5 =	vadd.f32 v5, v9  }
0xdf: {  	v3 =	vand.u32 $0xFFFF0000, v3;
	[tilespmem:s25+$0x7A10] =	vst v11;
	v6 =	vmax.f32 v6, $0.0e+00;
	v4 =	vadd.f32 v4, v8  }
0xe0: {  	v2 =	vand.u32 $0xFFFF0000, v2;
	[tilespmem:s25+$0x7A20] =	vst v6;
	v5 =	vmax.f32 v5, $0.0e+00;
	v3 =	vadd.f32 v3, v7  }
0xe1: {  	v1 =	vand.u32 $0xFFFF0000, v1;
	[tilespmem:s25+$0x7A30] =	vst v5;
	v4 =	vmax.f32 v4, $0.0e+00;
	v2 =	vadd.f32 v2, v13  }
0xe2: {  	s9 =	smul.u32 $0xA0, s21;
	[tilespmem:s25+$0x7A40] =	vst v4;
	v3 =	vmax.f32 v3, $0.0e+00;
	v1 =	vadd.f32 v1, v10  }
0xe3: {  	[tilespmem:s25+$0x7A50] =	vst v3;
	v2 =	vmax.f32 v2, $0.0e+00  }
0xe4: {  	s9 =	sadd.s32 s9, s26;
	[tilespmem:s25+$0x7A60] =	vst v2;
	v1 =	vmax.f32 v1, $0.0e+00  }
0xe5: {  	s9 =	sshrl.u32 s9, $0x3;
	[tilespmem:s25+$0x7A70] =	vst v1  }
0xe6: {  	[spmem:s2] =	stream.indirect.scatter.add.f32 [tilespmem:s12], [sflag:$0x6], $0x80, s0, s10, $0xb8;
	[tilespmem:$0x1E200] =	vst v63  }
0xe7: {  	s19 =	sadd.s32 s5, s9  }
0xe8: {  	[tilespmem:s31], [sflag:$0x4] =	stream.linear.gather [hbm4b:s19+s3], $0x50, $0x38;
	[tilespmem:$0x1E200] =	vst v63  }
0xe9: {  	s9 =	sadd.s32 s6, s9  }
0xea: {  	[tilespmem:s0], [sflag:$0x4] =	stream.linear.gather [hbm4b:s9+s3], $0x50, $0x38;
	[tilespmem:$0x1E200] =	vst v63  }
0xeb: {  	_ =	swait.ge [sflag:s16], $0x2800  }
0xec: {  	[sflag:s16] =	ssyncset.done $0x0  }
0xed: {  	[sflag:s16] =	ssyncadd.s32 $0xFFFFD800  }
0xee: {  	_ =	swait.ge [sflag:s11], $0x50  }
0xef: {  	[sflag:s11] =	ssyncset.done $0x0  }
0xf0: {  	[sflag:s11] =	ssyncadd.s32 $0xFFFFFFB0  }
0xf1: {  	_ =	swait.ge [sflag:s11], $0x50  }
0xf2: {  	p0 =	seq.s32 s21, $0x1F;
	[sflag:s11] =	ssyncset.done $0x0  }
0xf3: {  	s9 =	smul.u32 @!p0 $0x2800, s23;
	[sflag:s11] =	ssyncadd.s32 $0xFFFFFFB0  }
0xf4: {  	[tilespmem:s12], [sflag:$0x4] =	stream.indirect.gather [hbm4b:s1+s10], $0x80, s31, s10, $0xb8;
	[tilespmem:$0x1E200] =	vst v63  }
0xf5: {  	s9 =	sadd.s32 @!p0 s9, s24;
	_ =	swait.ge [sflag:s17], $0x2800  }
0xf6: {  	s19 =	simm.s32 @!p0 $0x0;
	s9 =	sshrl.u32 @!p0 s9, $0x3;
	[sflag:s17] =	ssyncset.done $0x0  }
0xf7: {  	s23 =	simm.s32 @!p0 $0x200;
	s9 =	sadd.s32 @!p0 s7, s9;
	[sflag:s17] =	ssyncadd.s32 $0xFFFFD800  }
0xf8: {  	[tilespmem:s23], [sflag:$0x1] =	stream.linear.gather @!p0 [hbm4b:s9+s19], $0x2800, $0x38;
	[tilespmem:$0x1E200] =	vst v63  }
0xf9: {  	_ =	swait.ge [sflag:s4], $0x2800  }
0xfa: {  	[sflag:s4] =	ssyncset.done $0x0  }
0xfb: {  	s23 =	simm.s32 $0x0;
	[sflag:s4] =	ssyncadd.s32 $0xFFFFD800  }
0xfc: {  	v7 =	vld [tilespmem:s23+$0x2A00]  }
0xfd: {  	v13 =	vld [tilespmem:s23+$0x2A10]  }
0xfe: {  	v6 =	vld [tilespmem:s23+$0x2A20]  }
0xff: {  	v5 =	vld [tilespmem:s23+$0x2A30]  }
0x100: {  	v4 =	vld [tilespmem:s23+$0x2A40]  }
0x101: {  	v3 =	vld [tilespmem:s23+$0x2A50]  }
0x102: {  	v2 =	vld [tilespmem:s23+$0x2A60]  }
0x103: {  	v1 =	vld [tilespmem:s23+$0x2A70]  }
0x104: {  	v12 =	vld [tilespmem:s23+$0x5200]  }
0x105: {  	v11 =	vld [tilespmem:s23+$0x5210]  }
0x106: {  	v10 =	vld [tilespmem:s23+$0x5220]  }
0x107: {  	v9 =	vld [tilespmem:s23+$0x5230]  }
0x108: {  	v8 =	vld [tilespmem:s23+$0x5240];
	v7 =	vshll.u32 v7, $0x10  }
0x109: {  	s22 =	sadd.s32 $0x4, s22;
	s9 =	simm.s32 $0x200;
	v13 =	vshll.u32 v13, $0x10;
	v12 =	vadd.f32 v7, v12;
	v7 =	vld [tilespmem:s23+$0x5250]  }
.LBB2_9:
0x10a: {  	p1 =	sne.s32 s9, $0x9E00;
	v11 =	vadd.f32 v13, v11;
	v6 =	vshll.u32 v6, $0x10;
	v13 =	vld [tilespmem:s23+$0x5260]  }
0x10b: {  	s19 =	sshra.s32 s9, $0x2;
	v5 =	vshll.u32 v5, $0x10;
	v12 =	vmax.f32 v12, $0.0e+00;
	v6 =	vadd.f32 v6, v10;
	v10 =	vld [tilespmem:s23+$0x5270]  }
0x10c: {  	v4 =	vshll.u32 v4, $0x10;
	v14 =	vld [tilespmem:s19+$0x2A00];
	[tilespmem:s23+$0x5200] =	vst v12;
	v11 =	vmax.f32 v11, $0.0e+00;
	v5 =	vadd.f32 v5, v9  }
0x10d: {  	v3 =	vshll.u32 v3, $0x10;
	v15 =	vld [tilespmem:s19+$0x2A10];
	[tilespmem:s23+$0x5210] =	vst v11;
	v9 =	vmax.f32 v6, $0.0e+00;
	v4 =	vadd.f32 v4, v8  }
0x10e: {  	v2 =	vshll.u32 v2, $0x10;
	v6 =	vld [tilespmem:s19+$0x2A20];
	[tilespmem:s23+$0x5220] =	vst v9;
	v8 =	vmax.f32 v5, $0.0e+00;
	v3 =	vadd.f32 v3, v7  }
0x10f: {  	v1 =	vshll.u32 v1, $0x10;
	v5 =	vld [tilespmem:s19+$0x2A30];
	[tilespmem:s23+$0x5230] =	vst v8;
	v7 =	vmax.f32 v4, $0.0e+00;
	v2 =	vadd.f32 v2, v13  }
0x110: {  	v4 =	vld [tilespmem:s19+$0x2A40];
	[tilespmem:s23+$0x5240] =	vst v7;
	v7 =	vmax.f32 v3, $0.0e+00;
	v1 =	vadd.f32 v1, v10  }
0x111: {  	v3 =	vld [tilespmem:s19+$0x2A50];
	[tilespmem:s23+$0x5250] =	vst v7;
	v7 =	vmax.f32 v2, $0.0e+00  }
0x112: {  	v2 =	vld [tilespmem:s19+$0x2A60];
	[tilespmem:s23+$0x5260] =	vst v7;
	v7 =	vmax.f32 v1, $0.0e+00  }
0x113: {  	v1 =	vld [tilespmem:s19+$0x2A70];
	[tilespmem:s23+$0x5270] =	vst v7;
	s23 =	smov.u32 s19  }
0x114: {  	v7 =	vld [tilespmem:s23+$0x5200]  }
.Ltmp5:
0x115: {  	v11 =	vld [tilespmem:s23+$0x5210];
	(pc) =	sbr.rel @p1 .LBB2_9-.Ltmp5, $4  }
0x116: {  	v10 =	vld [tilespmem:s23+$0x5220]  }
0x117: {  	v9 =	vld [tilespmem:s23+$0x5230]  }
0x118: {  	v12 =	vshll.u32 v14, $0x10;
	v8 =	vld [tilespmem:s23+$0x5240]  }
0x119: {  	s9 =	sadd.s32 $0x200, s9;
	v13 =	vshll.u32 v15, $0x10;
	v12 =	vadd.f32 v12, v7;
	v7 =	vld [tilespmem:s23+$0x5250]  }
0x11a: {  	v11 =	vadd.f32 v13, v11;
	v6 =	vshll.u32 v6, $0x10;
	v13 =	vld [tilespmem:s23+$0x5260]  }
0x11b: {  	v5 =	vshll.u32 v5, $0x10;
	v12 =	vmax.f32 v12, $0.0e+00;
	v6 =	vadd.f32 v6, v10;
	v10 =	vld [tilespmem:s23+$0x5270]  }
0x11c: {  	v4 =	vshll.u32 v4, $0x10;
	[tilespmem:s23+$0x5200] =	vst v12;
	v11 =	vmax.f32 v11, $0.0e+00;
	v5 =	vadd.f32 v5, v9  }
0x11d: {  	v3 =	vshll.u32 v3, $0x10;
	[tilespmem:s23+$0x5210] =	vst v11;
	v6 =	vmax.f32 v6, $0.0e+00;
	v4 =	vadd.f32 v4, v8  }
0x11e: {  	v2 =	vshll.u32 v2, $0x10;
	[tilespmem:s23+$0x5220] =	vst v6;
	v5 =	vmax.f32 v5, $0.0e+00;
	v3 =	vadd.f32 v3, v7  }
0x11f: {  	v1 =	vshll.u32 v1, $0x10;
	s9 =	sshrl.u32 @!p0 s22, $0x1;
	[tilespmem:s23+$0x5230] =	vst v5;
	v4 =	vmax.f32 v4, $0.0e+00;
	v2 =	vadd.f32 v2, v13  }
0x120: {  	s9 =	smul.u32 @!p0 $0x50, s9;
	[tilespmem:s23+$0x5240] =	vst v4;
	v3 =	vmax.f32 v3, $0.0e+00;
	v1 =	vadd.f32 v1, v10  }
0x121: {  	[tilespmem:s23+$0x5250] =	vst v3;
	v2 =	vmax.f32 v2, $0.0e+00  }
0x122: {  	s9 =	sadd.s32 @!p0 s8, s9;
	[tilespmem:s23+$0x5260] =	vst v2;
	v1 =	vmax.f32 v1, $0.0e+00  }
0x123: {  	s9 =	sshrl.u32 @!p0 s9, $0x3;
	[tilespmem:s23+$0x5270] =	vst v1  }
0x124: {  	[spmem:s2] =	stream.indirect.scatter.add.f32 [tilespmem:s28], [sflag:$0x5], $0x80, s30, s10, $0xb8;
	[tilespmem:$0x1E200] =	vst v63  }
0x125: {  	s19 =	sadd.s32 @!p0 s5, s9;
	s23 =	simm.s32 @!p0 $0x0  }
0x126: {  	[tilespmem:s23], [sflag:$0x3] =	stream.linear.gather @!p0 [hbm4b:s19+s23], $0x50, $0x38;
	[tilespmem:$0x1E200] =	vst v63  }
0x127: {  	s9 =	sadd.s32 @!p0 s6, s9;
	s19 =	simm.s32 @!p0 $0x100  }
0x128: {  	[tilespmem:s19], [sflag:$0x3] =	stream.linear.gather @!p0 [hbm4b:s9+s23], $0x50, $0x38;
	[tilespmem:$0x1E200] =	vst v63  }
0x129: {  	s9 =	simm.s32 @!p0 $0x5  }
0x12a: {  	_ =	swait.ge @!p0 [sflag:s9], $0x2800  }
0x12b: {  	[sflag:s9] =	ssyncset.done @!p0 $0x0  }
0x12c: {  	[sflag:s9] =	ssyncadd.s32 @!p0 $0xFFFFD800;
	s9 =	simm.s32 @!p0 $0x3  }
0x12d: {  	_ =	swait.ge @!p0 [sflag:s9], $0x50  }
0x12e: {  	[sflag:s9] =	ssyncset.done @!p0 $0x0  }
0x12f: {  	[sflag:s9] =	ssyncadd.s32 @!p0 $0xFFFFFFB0  }
0x130: {  	_ =	swait.ge @!p0 [sflag:s9], $0x50  }
0x131: {  	[sflag:s9] =	ssyncset.done @!p0 $0x0  }
0x132: {  	s19 =	simm.s32 @!p0 $0x5200;
	[sflag:s9] =	ssyncadd.s32 @!p0 $0xFFFFFFB0;
	s9 =	simm.s32 @!p0 $0x50  }
0x133: {  	[tilespmem:s19], [sflag:$0x3] =	stream.indirect.gather @!p0 [hbm4b:s1+s9], $0x80, s23, s9, $0xb8;
	[tilespmem:$0x1E200] =	vst v63  }
0x134: {  	_ =	swait.ge [sflag:s11], $0x2800  }
0x135: {  	[sflag:s11] =	ssyncset.done $0x0  }
0x136: {  	s23 =	simm.s32 $0x0;
	[sflag:s11] =	ssyncadd.s32 $0xFFFFD800  }
0x137: {  	v7 =	vld [tilespmem:s23+$0x2A00]  }
0x138: {  	v13 =	vld [tilespmem:s23+$0x2A10]  }
0x139: {  	v6 =	vld [tilespmem:s23+$0x2A20]  }
0x13a: {  	v5 =	vld [tilespmem:s23+$0x2A30]  }
0x13b: {  	v4 =	vld [tilespmem:s23+$0x2A40]  }
0x13c: {  	v3 =	vld [tilespmem:s23+$0x2A50]  }
0x13d: {  	v2 =	vld [tilespmem:s23+$0x2A60]  }
0x13e: {  	v1 =	vld [tilespmem:s23+$0x2A70]  }
0x13f: {  	v12 =	vld [tilespmem:s23+$0x7A00]  }
0x140: {  	v11 =	vld [tilespmem:s23+$0x7A10]  }
0x141: {  	v10 =	vld [tilespmem:s23+$0x7A20]  }
0x142: {  	v9 =	vld [tilespmem:s23+$0x7A30]  }
0x143: {  	v8 =	vld [tilespmem:s23+$0x7A40];
	v7 =	vand.u32 $0xFFFF0000, v7  }
0x144: {  	s9 =	simm.s32 $0x200;
	v13 =	vand.u32 $0xFFFF0000, v13;
	v12 =	vadd.f32 v7, v12;
	v7 =	vld [tilespmem:s23+$0x7A50]  }
.LBB2_11:
0x145: {  	p1 =	sne.s32 s9, $0x9E00;
	v11 =	vadd.f32 v13, v11;
	v6 =	vand.u32 $0xFFFF0000, v6;
	v13 =	vld [tilespmem:s23+$0x7A60]  }
0x146: {  	s19 =	sshra.s32 s9, $0x2;
	v5 =	vand.u32 $0xFFFF0000, v5;
	v12 =	vmax.f32 v12, $0.0e+00;
	v6 =	vadd.f32 v6, v10;
	v10 =	vld [tilespmem:s23+$0x7A70]  }
0x147: {  	v4 =	vand.u32 $0xFFFF0000, v4;
	v14 =	vld [tilespmem:s19+$0x2A00];
	[tilespmem:s23+$0x7A00] =	vst v12;
	v11 =	vmax.f32 v11, $0.0e+00;
	v5 =	vadd.f32 v5, v9  }
0x148: {  	v3 =	vand.u32 $0xFFFF0000, v3;
	v15 =	vld [tilespmem:s19+$0x2A10];
	[tilespmem:s23+$0x7A10] =	vst v11;
	v9 =	vmax.f32 v6, $0.0e+00;
	v4 =	vadd.f32 v4, v8  }
0x149: {  	v2 =	vand.u32 $0xFFFF0000, v2;
	v6 =	vld [tilespmem:s19+$0x2A20];
	[tilespmem:s23+$0x7A20] =	vst v9;
	v8 =	vmax.f32 v5, $0.0e+00;
	v3 =	vadd.f32 v3, v7  }
0x14a: {  	v1 =	vand.u32 $0xFFFF0000, v1;
	v5 =	vld [tilespmem:s19+$0x2A30];
	[tilespmem:s23+$0x7A30] =	vst v8;
	v7 =	vmax.f32 v4, $0.0e+00;
	v2 =	vadd.f32 v2, v13  }
0x14b: {  	v4 =	vld [tilespmem:s19+$0x2A40];
	[tilespmem:s23+$0x7A40] =	vst v7;
	v7 =	vmax.f32 v3, $0.0e+00;
	v1 =	vadd.f32 v1, v10  }
0x14c: {  	v3 =	vld [tilespmem:s19+$0x2A50];
	[tilespmem:s23+$0x7A50] =	vst v7;
	v7 =	vmax.f32 v2, $0.0e+00  }
0x14d: {  	v2 =	vld [tilespmem:s19+$0x2A60];
	[tilespmem:s23+$0x7A60] =	vst v7;
	v7 =	vmax.f32 v1, $0.0e+00  }
0x14e: {  	v1 =	vld [tilespmem:s19+$0x2A70];
	[tilespmem:s23+$0x7A70] =	vst v7;
	s23 =	smov.u32 s19  }
0x14f: {  	v7 =	vld [tilespmem:s23+$0x7A00]  }
.Ltmp6:
0x150: {  	v11 =	vld [tilespmem:s23+$0x7A10];
	(pc) =	sbr.rel @p1 .LBB2_11-.Ltmp6, $4  }
0x151: {  	v10 =	vld [tilespmem:s23+$0x7A20]  }
0x152: {  	v9 =	vld [tilespmem:s23+$0x7A30]  }
0x153: {  	v12 =	vand.u32 $0xFFFF0000, v14;
	v8 =	vld [tilespmem:s23+$0x7A40]  }
0x154: {  	s9 =	sadd.s32 $0x200, s9;
	v13 =	vand.u32 $0xFFFF0000, v15;
	v12 =	vadd.f32 v12, v7;
	v7 =	vld [tilespmem:s23+$0x7A50]  }
0x155: {  	v11 =	vadd.f32 v13, v11;
	v6 =	vand.u32 $0xFFFF0000, v6;
	v62 =	vld [tilespmem:s23+$0x7A60]  }
0x156: {  	v5 =	vand.u32 $0xFFFF0000, v5;
	v63 =	vld [tilespmem:s23+$0x7A70];
	v12 =	vmax.f32 v12, $0.0e+00;
	v6 =	vadd.f32 v6, v10  }
0x157: {  	v4 =	vand.u32 $0xFFFF0000, v4;
	[tilespmem:s23+$0x7A00] =	vst v12;
	v11 =	vmax.f32 v11, $0.0e+00;
	v5 =	vadd.f32 v5, v9  }
0x158: {  	v3 =	vand.u32 $0xFFFF0000, v3;
	[tilespmem:s23+$0x7A10] =	vst v11;
	v6 =	vmax.f32 v6, $0.0e+00;
	v4 =	vadd.f32 v4, v8  }
0x159: {  	v2 =	vand.u32 $0xFFFF0000, v2;
	[tilespmem:s23+$0x7A20] =	vst v6;
	v5 =	vmax.f32 v5, $0.0e+00;
	v3 =	vadd.f32 v3, v7  }
0x15a: {  	v1 =	vand.u32 $0xFFFF0000, v1;
	[tilespmem:s23+$0x7A30] =	vst v5;
	v4 =	vmax.f32 v4, $0.0e+00;
	v2 =	vadd.f32 v2, v62  }
.Ltmp7:
0x15b: {  	v1 =	vadd.f32 v1, v63;
	[tilespmem:s23+$0x7A40] =	vst v4;
	v3 =	vmax.f32 v3, $0.0e+00;
	(pc) =	sbr.rel @p0 .LBB2_14-.Ltmp7, $4  }
0x15c: {  	[tilespmem:s23+$0x7A50] =	vst v3;
	v2 =	vmax.f32 v2, $0.0e+00  }
0x15d: {  	v1 =	vmax.f32 v1, $0.0e+00;
	[tilespmem:s23+$0x7A60] =	vst v2  }
0x15e: {  	[tilespmem:s23+$0x7A70] =	vst v1  }
0x15f: {  	[spmem:s2] =	stream.indirect.scatter.add.f32 [tilespmem:s12], [sflag:$0x6], $0x80, s0, s10, $0xb8;
	[tilespmem:$0x1E200] =	vst v63  }
0x160: {  	s9 =	sshrl.u32 s22, $0x1  }
0x161: {  	s9 =	smul.u32 $0x50, s9;
	_ =	sdelay $0x1  }
0x162: {  	s9 =	sadd.s32 s18, s9  }
.Ltmp8:
0x163: {  	s9 =	sshrl.u32 s9, $0x3;
	(pc) =	sbr.rel .LBB2_4-.Ltmp8, $4  }
0x164: {  	s19 =	sadd.s32 s5, s9  }
0x165: {  	[tilespmem:s31], [sflag:$0x4] =	stream.linear.gather [hbm4b:s19+s3], $0x50, $0x38;
	[tilespmem:$0x1E200] =	vst v63  }
0x166: {  	s21 =	sadd.s32 $0x1, s21;
	s9 =	sadd.s32 s6, s9  }
0x167: {  	[tilespmem:s0], [sflag:$0x4] =	stream.linear.gather [hbm4b:s9+s3], $0x50, $0x38;
	[tilespmem:$0x1E200] =	vst v63  }
.LBB2_15:
0x168: {  	_ =	sfence.sel $0x180000  }
0x169: {  	[bflag:$0x0] =	sbarrier.arrive $0xFFFF  }
0x16a: {  	_ =	strace $0x90000047  }
0x16b: {  	s0 =	stileid.u32;
	[bflag:$0x2] =	sbarrier.arrive $0xFFFF  }
0x16c: {  	p0 =	sne.s32 s0, $0x0;
	s0 =	rddreg [dreg:$0x3]  }
0x16d: {  	s0 =	sadd.s32 @!p0 $0x100000, s0  }
0x16e: {  	[sflag:s0] =	ssyncadd.tile.s32 @!p0 $0x1;
	_ =	shalt  }
.Lfunc_end2:
_tile_overlayer_lowered:
.L_overlay_start_2:
0x16f: {  	(tag) =	ssettag $0x2  }
0x170: {  	s0 =	rddreg [dreg:$0x0];
	s2 =	stileid.u32  }
0x171: {  	s1 =	rddreg [dreg:$0x1];
	p0 =	sne.s32 s2, $0x0  }
0x172: {  	s3 =	rddreg [dreg:$0x2];
	[bflag:$0x3] =	sbarrier.arrive $0xFFFF;
	s2 =	simm.s32 @!p0 $0x1C07  }
0x173: {  	[timem:s3], [sflag:s2] =	dma.local @!p0 [hbm:s0], s1  }
0x174: {  	s0 =	simm.s32 @!p0 $0x7  }
0x175: {  	_ =	swait.ge @!p0 [sflag:s0], s1  }
0x176: {  	s1 =	ssub.s32 @!p0 $0x0, s1;
	[sflag:s0] =	ssyncset.done @!p0 $0x0  }
0x177: {  	[sflag:s0] =	ssyncadd.s32 @!p0 s1  }
0x178: {  	[bflag:$0x3] =	sbarrier.arrive $0xFFFF  }
0x179: {  	_ =	shalt  }

</sc_bundles>
